<compile_context>
chip_gen: v7x
topology: tpu7x:2x2x1
jax: 0.10.2.dev20260603
libtpu: 0.0.44.dev20260713+nightly
codegen_flags: <defaults>
</compile_context>

<pallas_src>
import dataclasses

import jax
import jax.numpy as jnp
from jax import lax
from jax.experimental import pallas as pl
from jax.experimental.pallas import tpu as pltpu
from jax.experimental.pallas import tpu_sc as plsc

_N_SP = 50000
_N_RX = 1600000
_NNZ = 6400000

_L = 16
_NW = 32

_RB = 2000
_CB = 2048
_SW = 128
_NSTR = _CB // _SW
_ACC_SLICE = 3136
_ACC_PAD = 16 * _ACC_SLICE
_RSTAGE = _N_RX // 16
_SCHUNK = 5000

_mesh = plsc.VectorSubcoreMesh(core_axis_name="c", subcore_axis_name="s")

_cp = pltpu.CompilerParams()
if "needs_layout_passes" in pltpu.CompilerParams.__dataclass_fields__:
    _cp = dataclasses.replace(_cp, needs_layout_passes=False)


def _rates_body(a_hbm, b_hbm, g_hbm, m0_hbm, m1_hbm, m2_hbm,
                abund_hbm, scal_hbm, rates_hbm, abund_v, scal_v):
    pltpu.sync_copy(abund_hbm, abund_v)
    pltpu.sync_copy(scal_hbm, scal_v)
    tm = scal_v[pl.ds(0, _L)]
    cr = scal_v[pl.ds(_L, _L)]
    ph = scal_v[pl.ds(2 * _L, _L)]

    def body(a_v, b_v, g_v, m0_v, m1_v, m2_v, rates_v):
        @pl.loop(0, _RB, step=_L)
        def _(i):
            a = a_v[pl.ds(i, _L)]
            b = b_v[pl.ds(i, _L)]
            g = g_v[pl.ds(i, _L)]
            y0 = plsc.load_gather(abund_v, [m0_v[pl.ds(i, _L)]])
            y1 = plsc.load_gather(abund_v, [m1_v[pl.ds(i, _L)]])
            y2 = plsc.load_gather(abund_v, [m2_v[pl.ds(i, _L)]])
            rate = a * jnp.exp(b * tm) + b * cr + g * ph
            rates_v[pl.ds(i, _L)] = rate * (y0 * y1 * y2)

    blk = lambda: pl.BlockSpec((_RB,), lambda i: (i,))
    pltpu.emit_pipeline(
        body,
        grid=(_N_RX // _RB,),
        in_specs=[blk(), blk(), blk(), blk(), blk(), blk()],
        out_specs=[blk()],
        core_axis_name=("c", "s"),
        dimension_semantics=(pltpu.PARALLEL,),
    )(a_hbm, b_hbm, g_hbm, m0_hbm, m1_hbm, m2_hbm, rates_hbm)


def _matvec_body(rates_hbm, rows_hbm, cols_hbm, vals_hbm, out_hbm,
                 rates_sh, acc_sh, zero_v, gath_v, stage_v, gsem, ssem):
    sid = lax.axis_index("s")
    cid = lax.axis_index("c")

    @pl.loop(0, _ACC_SLICE, step=_L)
    def _(k):
        zero_v[pl.ds(k, _L)] = jnp.zeros((_L,), jnp.float32)

    pltpu.sync_copy(zero_v, acc_sh.at[pl.ds(sid * _ACC_SLICE, _ACC_SLICE)])

    @pl.loop(0, _RSTAGE // _SCHUNK)
    def _(c):
        off = sid * _RSTAGE + c * _SCHUNK
        pltpu.sync_copy(rates_hbm.at[pl.ds(off, _SCHUNK)], stage_v)
        pltpu.sync_copy(stage_v, rates_sh.at[pl.ds(off, _SCHUNK)])

    plsc.subcore_barrier()

    def body(rows_v, cols_v, vals_v):
        @pl.loop(0, _NSTR)
        def _(j):
            pltpu.async_copy(
                rates_sh.at[cols_v.at[pl.ds(j * _SW, _SW)]],
                gath_v.at[pl.ds(j * _SW, _SW)], gsem)

        @pl.loop(0, _NSTR)
        def _(j):
            pltpu.make_async_copy(
                rates_sh.at[cols_v.at[pl.ds(j * _SW, _SW)]],
                gath_v.at[pl.ds(j * _SW, _SW)], gsem).wait()

        @pl.loop(0, _CB, step=_L)
        def _(k):
            gath_v[pl.ds(k, _L)] = gath_v[pl.ds(k, _L)] * vals_v[pl.ds(k, _L)]

        @pl.loop(0, _NSTR)
        def _(j):
            pltpu.async_copy(gath_v.at[pl.ds(j * _SW, _SW)],
                             acc_sh.at[rows_v.at[pl.ds(j * _SW, _SW)]],
                             ssem, add=True)

        @pl.loop(0, _NSTR)
        def _(j):
            pltpu.make_async_copy(
                gath_v.at[pl.ds(j * _SW, _SW)],
                acc_sh.at[rows_v.at[pl.ds(j * _SW, _SW)]], ssem).wait()

    pltpu.emit_pipeline(
        body,
        grid=(_NNZ // _CB,),
        in_specs=[
            pl.BlockSpec((_CB,), lambda i: (i,)),
            pl.BlockSpec((_CB,), lambda i: (i,)),
            pl.BlockSpec((_CB,), lambda i: (i,)),
        ],
        out_specs=[],
        core_axis_name=("c", "s"),
        dimension_semantics=(pltpu.PARALLEL,),
    )(rows_hbm, cols_hbm, vals_hbm)

    plsc.subcore_barrier()
    pltpu.sync_copy(acc_sh.at[pl.ds(sid * _ACC_SLICE, _ACC_SLICE)], zero_v)
    pltpu.sync_copy(
        zero_v,
        out_hbm.at[pl.ds(cid * _ACC_PAD + sid * _ACC_SLICE, _ACC_SLICE)])


def kernel(time, abundances, temperature, cr_rate, fuv_rate,
           visual_extinction, reactant_multipliers, rate_coeffs,
           inc_rows, inc_cols, inc_vals):
    del time
    tm05 = jnp.broadcast_to(temperature - 0.5, (_L,))
    s_cr = jnp.broadcast_to(cr_rate, (_L,))
    s_ph = jnp.broadcast_to(fuv_rate * jnp.exp(-3.02 * visual_extinction),
                            (_L,))
    scal = jnp.concatenate([tm05, s_cr, s_ph]).astype(jnp.float32)

    rates = pl.kernel(
        _rates_body,
        out_type=jax.ShapeDtypeStruct((_N_RX,), jnp.float32),
        mesh=_mesh,
        scratch_types=[
            pltpu.VMEM((_N_SP,), jnp.float32),
            pltpu.VMEM((3 * _L,), jnp.float32),
        ],
        compiler_params=_cp,
    )(rate_coeffs[:, 0], rate_coeffs[:, 1], rate_coeffs[:, 2],
      reactant_multipliers[:, 0].astype(jnp.int32),
      reactant_multipliers[:, 1].astype(jnp.int32),
      reactant_multipliers[:, 2].astype(jnp.int32),
      abundances, scal)

    partials = pl.kernel(
        _matvec_body,
        out_type=jax.ShapeDtypeStruct((2 * _ACC_PAD,), jnp.float32),
        mesh=_mesh,
        scratch_types=[
            pltpu.VMEM_SHARED((_N_RX,), jnp.float32),
            pltpu.VMEM_SHARED((_ACC_PAD,), jnp.float32),
            pltpu.VMEM((_ACC_SLICE,), jnp.float32),
            pltpu.VMEM((_CB,), jnp.float32),
            pltpu.VMEM((_SCHUNK,), jnp.float32),
            pltpu.SemaphoreType.DMA,
            pltpu.SemaphoreType.DMA,
        ],
        compiler_params=_cp,
    )(rates, inc_rows.astype(jnp.int32), inc_cols.astype(jnp.int32), inc_vals)

    return partials[:_N_SP] + partials[_ACC_PAD:_ACC_PAD + _N_SP]

# --- scband reference (transcript-rebuilt; emitter-appended) ---
"""Pipeline reference for scband-jnetwork-47356309406004 (READ-ONLY COPY).

The authoritative reference and input builder live on the scoring server;
editing this copy changes nothing except your own understanding.
"""

import jax, jax.numpy as jnp
import numpy as np

N_SPECIES = 50000
N_REACTIONS = 1600000
NNZ = 6400000
MAX_REACTANTS = 3


def setup_inputs(seed: int = 0) -> dict:
    key = jax.random.key(seed)
    ks = jax.random.split(key, 11)
    time = jax.random.uniform(ks[0], (1,), dtype=jnp.float32)
    abundances = jax.random.uniform(ks[1], (N_SPECIES,), dtype=jnp.float32)
    temperature = jax.random.uniform(ks[2], (1,), dtype=jnp.float32)
    cr_rate = jax.random.uniform(ks[3], (1,), dtype=jnp.float32)
    fuv_rate = jax.random.uniform(ks[4], (1,), dtype=jnp.float32)
    visual_extinction = jax.random.uniform(ks[5], (1,), dtype=jnp.float32)
    reactant_multipliers = jax.random.randint(ks[6], (N_REACTIONS, MAX_REACTANTS), 0, N_SPECIES).astype(jnp.int64) if jax.config.jax_enable_x64 else jax.random.randint(ks[6], (N_REACTIONS, MAX_REACTANTS), 0, N_SPECIES)
    # learned/static reaction parameters (Arrhenius-like coefficients per JReactionRateTerm)
    rate_coeffs = jax.random.uniform(ks[7], (N_REACTIONS, 3), dtype=jnp.float32)
    # sparse incidence matrix [N_SPECIES, N_REACTIONS] in COO form
    inc_rows = jax.random.randint(ks[8], (NNZ,), 0, N_SPECIES)
    inc_cols = jax.random.randint(ks[9], (NNZ,), 0, N_REACTIONS)
    inc_vals = jax.random.normal(ks[10], (NNZ,), dtype=jnp.float32)
    return {
        'time': time,
        'abundances': abundances,
        'temperature': temperature,
        'cr_rate': cr_rate,
        'fuv_rate': fuv_rate,
        'visual_extinction': visual_extinction,
        'reactant_multipliers': reactant_multipliers,
        'rate_coeffs': rate_coeffs,
        'inc_rows': inc_rows,
        'inc_cols': inc_cols,
        'inc_vals': inc_vals,
    }


def _get_rates(temperature, cr_rate, fuv_rate, visual_extinction, rate_coeffs):
    # vectorized stand-in for jnp.hstack([reaction(...) for reaction in self.reactions])
    # modified-Arrhenius two-body term + cosmic-ray term + FUV photo term with extinction
    alpha = rate_coeffs[:, 0]
    beta = rate_coeffs[:, 1]
    gamma = rate_coeffs[:, 2]
    two_body = alpha * jnp.exp(beta * (temperature - 0.5))
    cr_term = beta * cr_rate
    photo_term = gamma * fuv_rate * jnp.exp(-3.02 * visual_extinction)
    return two_body + cr_term + photo_term


def reference(time, abundances, temperature, cr_rate, fuv_rate, visual_extinction,
              reactant_multipliers, rate_coeffs, inc_rows, inc_cols, inc_vals):
    # get_rates
    rates = _get_rates(temperature, cr_rate, fuv_rate, visual_extinction, rate_coeffs)
    # multiply_rates_by_abundance: gather with out-of-range fill 1.0, product over reactants
    gathered = abundances.at[reactant_multipliers].get(mode='fill', fill_value=1.0)
    rates_multiplier = jnp.prod(gathered, axis=1)
    rates = rates * rates_multiplier
    # incidence @ rates as COO sparse matvec -> scatter-add over species
    out = jnp.zeros((N_SPECIES,), dtype=rates.dtype).at[inc_rows].add(inc_vals * rates[inc_cols])
    return out

if __name__ == "__main__":
    import jax
    _d = setup_inputs()
    print(jax.jit(kernel)(*tuple(_d.values())))

</pallas_src>

<mosaic_0001>
#map = affine_map<(d0, d1) -> (0)>
module attributes {stable_mosaic.version = 14 : i64} {
  func.func @_rates_body(%arg0: i32, %arg1: i32, %arg2: memref<1600000xf32, #tpu.memory_space<hbm>>, %arg3: memref<1600000xf32, #tpu.memory_space<hbm>>, %arg4: memref<1600000xf32, #tpu.memory_space<hbm>>, %arg5: memref<1600000xi32, #tpu.memory_space<hbm>>, %arg6: memref<1600000xi32, #tpu.memory_space<hbm>>, %arg7: memref<1600000xi32, #tpu.memory_space<hbm>>, %arg8: memref<50000xf32, #tpu.memory_space<hbm>>, %arg9: memref<48xf32, #tpu.memory_space<hbm>>, %arg10: memref<1600000xf32, #tpu.memory_space<hbm>>, %arg11: memref<50000xf32, #tpu.memory_space<vmem>>, %arg12: memref<48xf32, #tpu.memory_space<vmem>>) attributes {dimension_semantics = [#tpu.dimension_semantics<core_parallel>, #tpu.dimension_semantics<subcore_parallel>], iteration_bounds = array<i64: 2, 16>, scalar_prefetch = 0 : i64, scratch_operands = 2 : i64, tpu.core_type = #tpu.core_type<sc_vector_subcore>, window_params = [{transform_indices = #map}, {transform_indices = #map}, {transform_indices = #map}, {transform_indices = #map}, {transform_indices = #map}, {transform_indices = #map}, {transform_indices = #map}, {transform_indices = #map}, {transform_indices = #map}]} {
    "tpu.region"() ({
      %run_scoped3A = tpu.sem_alloc : memref<!tpu.dma_semaphore, #tpu.memory_space<semaphore_mem>>
      tpu.enqueue_dma source(%arg8 : memref<50000xf32, #tpu.memory_space<hbm>>) target(%arg11 : memref<50000xf32, #tpu.memory_space<vmem>>) target_semaphore(%run_scoped3A : memref<!tpu.dma_semaphore, #tpu.memory_space<semaphore_mem>>)
      tpu.wait_dma2 semaphore(%run_scoped3A : memref<!tpu.dma_semaphore, #tpu.memory_space<semaphore_mem>>) src(%arg8 : memref<50000xf32, #tpu.memory_space<hbm>>) dst(%arg11 : memref<50000xf32, #tpu.memory_space<vmem>>)
      tpu.yield
    }) : () -> ()
    "tpu.region"() ({
      %run_scoped3A = tpu.sem_alloc : memref<!tpu.dma_semaphore, #tpu.memory_space<semaphore_mem>>
      tpu.enqueue_dma source(%arg9 : memref<48xf32, #tpu.memory_space<hbm>>) target(%arg12 : memref<48xf32, #tpu.memory_space<vmem>>) target_semaphore(%run_scoped3A : memref<!tpu.dma_semaphore, #tpu.memory_space<semaphore_mem>>)
      tpu.wait_dma2 semaphore(%run_scoped3A : memref<!tpu.dma_semaphore, #tpu.memory_space<semaphore_mem>>) src(%arg9 : memref<48xf32, #tpu.memory_space<hbm>>) dst(%arg12 : memref<48xf32, #tpu.memory_space<vmem>>)
      tpu.yield
    }) : () -> ()
    %get3A = arith.constant 0 : index
    %get3A_0 = tpu.vector_load %arg12[%get3A] {strides = array<i32>} : memref<48xf32, #tpu.memory_space<vmem>>, vector<16xf32>,
    %get3A_1 = arith.constant 16 : index
    %get3A_2 = tpu.vector_load %arg12[%get3A_1] {strides = array<i32>} : memref<48xf32, #tpu.memory_space<vmem>>, vector<16xf32>,
    %get3A_3 = arith.constant 32 : index
    %get3A_4 = tpu.vector_load %arg12[%get3A_3] {strides = array<i32>} : memref<48xf32, #tpu.memory_space<vmem>>, vector<16xf32>,
    %mul3A = arith.constant 1 : i32
    %mul3A_5 = arith.muli %arg1, %mul3A : i32
    %add3A = arith.constant 0 : i32
    %add3A_6 = arith.addi %add3A, %mul3A_5 : i32
    %mul3A_7 = arith.constant 16 : i32
    %mul3A_8 = arith.muli %arg0, %mul3A_7 : i32
    %add3A_9 = arith.addi %add3A_6, %mul3A_8 : i32
    %mul3A_10 = arith.constant 25 : i32
    %mul3A_11 = arith.muli %add3A_9, %mul3A_10 : i32
    "tpu.region"() ({
      %run_scoped3A = memref.alloca() : memref<4000xf32, #tpu.memory_space<vmem>>
      %run_scoped3A_12 = tpu.sem_alloc : memref<2x!tpu.dma_semaphore, #tpu.memory_space<semaphore_mem>>
      %run_scoped3A_13 = memref.alloca() : memref<4000xf32, #tpu.memory_space<vmem>>
      %run_scoped3A_14 = tpu.sem_alloc : memref<2x!tpu.dma_semaphore, #tpu.memory_space<semaphore_mem>>
      %run_scoped3A_15 = memref.alloca() : memref<4000xf32, #tpu.memory_space<vmem>>
      %run_scoped3A_16 = tpu.sem_alloc : memref<2x!tpu.dma_semaphore, #tpu.memory_space<semaphore_mem>>
      %run_scoped3A_17 = memref.alloca() : memref<4000xi32, #tpu.memory_space<vmem>>
      %run_scoped3A_18 = tpu.sem_alloc : memref<2x!tpu.dma_semaphore, #tpu.memory_space<semaphore_mem>>
      %run_scoped3A_19 = memref.alloca() : memref<4000xi32, #tpu.memory_space<vmem>>
      %run_scoped3A_20 = tpu.sem_alloc : memref<2x!tpu.dma_semaphore, #tpu.memory_space<semaphore_mem>>
      %run_scoped3A_21 = memref.alloca() : memref<4000xi32, #tpu.memory_space<vmem>>
      %run_scoped3A_22 = tpu.sem_alloc : memref<2x!tpu.dma_semaphore, #tpu.memory_space<semaphore_mem>>
      %run_scoped3A_23 = memref.alloca() : memref<4000xf32, #tpu.memory_space<vmem>>
      %run_scoped3A_24 = tpu.sem_alloc : memref<2x!tpu.dma_semaphore, #tpu.memory_space<semaphore_mem>>
      %add3A_25 = arith.constant 0 : i32
      %add3A_26 = arith.addi %add3A_25, %mul3A_11 : i32
      %select_n3A = arith.constant true
      %select_n3A_27 = arith.constant 0 : i32
      %select_n3A_28 = arith.constant -1 : i32
      %select_n3A_29 = arith.select %select_n3A, %select_n3A_28, %select_n3A_27 : i32
      %eq3A = arith.constant -1 : i32
      %eq3A_30 = arith.cmpi eq, %select_n3A_29, %eq3A : i32
      %select_n3A_31 = arith.constant 24 : i32
      %select_n3A_32 = arith.select %eq3A_30, %select_n3A_31, %select_n3A_29 : i32
      %add3A_33 = arith.addi %select_n3A_32, %mul3A_11 : i32
      %select_n3A_34 = arith.constant true
      %select_n3A_35 = arith.constant 0 : i32
      %select_n3A_36 = arith.constant 1 : i32
      %select_n3A_37 = arith.select %select_n3A_34, %select_n3A_36, %select_n3A_35 : i32
      %eq3A_38 = arith.constant 25 : i32
      %eq3A_39 = arith.cmpi eq, %select_n3A_37, %eq3A_38 : i32
      %select_n3A_40 = arith.constant 0 : i32
      %select_n3A_41 = arith.select %eq3A_39, %select_n3A_40, %select_n3A_37 : i32
      %add3A_42 = arith.addi %select_n3A_41, %mul3A_11 : i32
      %add3A_43 = arith.constant 1 : i32
      %add3A_44 = arith.addi %select_n3A_41, %add3A_43 : i32
      %select_n3A_45 = arith.constant true
      %select_n3A_46 = arith.select %select_n3A_45, %add3A_44, %select_n3A_41 : i32
      %eq3A_47 = arith.constant 25 : i32
      %eq3A_48 = arith.cmpi eq, %select_n3A_46, %eq3A_47 : i32
      %select_n3A_49 = arith.constant 0 : i32
      %select_n3A_50 = arith.select %eq3A_48, %select_n3A_49, %select_n3A_46 : i32
      %add3A_51 = arith.addi %select_n3A_50, %mul3A_11 : i32
      "tpu.trace_start"() <{level = 10 : i32, message = "ep_initialize_0"}> : () -> ()
      %rem3A = arith.constant 0 : i32
      %rem3A_52 = arith.constant 2 : i32
      %rem3A_53 = arith.remui %rem3A, %rem3A_52 : i32
      %mul3A_54 = arith.constant 2000 : i32
      %mul3A_55 = arith.muli %mul3A_54, %add3A_26 : i32
      %mul3A_56 = arith.constant 2000 : i32
      %mul3A_57 = arith.muli %rem3A_53, %mul3A_56 : i32
      %add3A_58 = arith.constant 0 : i32
      %add3A_59 = arith.addi %mul3A_57, %add3A_58 : i32
      %dma_start3A = tpu.memref_slice %run_scoped3A[%add3A_59] : memref<4000xf32, #tpu.memory_space<vmem>> -> memref<2000xf32, #tpu.memory_space<vmem>>
      %dma_start3A_60 = tpu.memref_slice %arg2[%mul3A_55] : memref<1600000xf32, #tpu.memory_space<hbm>> -> memref<2000xf32, #tpu.memory_space<hbm>>
      %dma_start3A_61 = tpu.memref_slice %run_scoped3A_12[%rem3A_53] : memref<2x!tpu.dma_semaphore, #tpu.memory_space<semaphore_mem>> -> memref<1x!tpu.dma_semaphore, #tpu.memory_space<semaphore_mem>>
      %dma_start3A_62 = tpu.memref_squeeze %dma_start3A_61 : memref<1x!tpu.dma_semaphore, #tpu.memory_space<semaphore_mem>> -> memref<!tpu.dma_semaphore, #tpu.memory_space<semaphore_mem>>
      %dma_start3A_63 = tpu.memref_slice %run_scoped3A[%add3A_59] : memref<4000xf32, #tpu.memory_space<vmem>> -> memref<2000xf32, #tpu.memory_space<vmem>>
      %dma_start3A_64 = tpu.memref_slice %arg2[%mul3A_55] : memref<1600000xf32, #tpu.memory_space<hbm>> -> memref<2000xf32, #tpu.memory_space<hbm>>
      tpu.enqueue_dma source(%dma_start3A_64 : memref<2000xf32, #tpu.memory_space<hbm>>) target(%dma_start3A_63 : memref<2000xf32, #tpu.memory_space<vmem>>) target_semaphore(%dma_start3A_62 : memref<!tpu.dma_semaphore, #tpu.memory_space<semaphore_mem>>)
      %add3A_65 = arith.constant 0 : i32
      %add3A_66 = arith.constant 1 : i32
      %add3A_67 = arith.addi %add3A_65, %add3A_66 : i32
      %select_n3A_68 = arith.constant true
      %select_n3A_69 = arith.constant 0 : i32
      %select_n3A_70 = arith.select %select_n3A_68, %add3A_67, %select_n3A_69 : i32
      %rem3A_71 = arith.constant 0 : i32
      %rem3A_72 = arith.constant 2 : i32
      %rem3A_73 = arith.remui %rem3A_71, %rem3A_72 : i32
      %mul3A_74 = arith.constant 2000 : i32
      %mul3A_75 = arith.muli %mul3A_74, %add3A_26 : i32
      %mul3A_76 = arith.constant 2000 : i32
      %mul3A_77 = arith.muli %rem3A_73, %mul3A_76 : i32
      %add3A_78 = arith.constant 0 : i32
      %add3A_79 = arith.addi %mul3A_77, %add3A_78 : i32
      %dma_start3A_80 = tpu.memref_slice %run_scoped3A_13[%add3A_79] : memref<4000xf32, #tpu.memory_space<vmem>> -> memref<2000xf32, #tpu.memory_space<vmem>>
      %dma_start3A_81 = tpu.memref_slice %arg3[%mul3A_75] : memref<1600000xf32, #tpu.memory_space<hbm>> -> memref<2000xf32, #tpu.memory_space<hbm>>
      %dma_start3A_82 = tpu.memref_slice %run_scoped3A_14[%rem3A_73] : memref<2x!tpu.dma_semaphore, #tpu.memory_space<semaphore_mem>> -> memref<1x!tpu.dma_semaphore, #tpu.memory_space<semaphore_mem>>
      %dma_start3A_83 = tpu.memref_squeeze %dma_start3A_82 : memref<1x!tpu.dma_semaphore, #tpu.memory_space<semaphore_mem>> -> memref<!tpu.dma_semaphore, #tpu.memory_space<semaphore_mem>>
      %dma_start3A_84 = tpu.memref_slice %run_scoped3A_13[%add3A_79] : memref<4000xf32, #tpu.memory_space<vmem>> -> memref<2000xf32, #tpu.memory_space<vmem>>
      %dma_start3A_85 = tpu.memref_slice %arg3[%mul3A_75] : memref<1600000xf32, #tpu.memory_space<hbm>> -> memref<2000xf32, #tpu.memory_space<hbm>>
      tpu.enqueue_dma source(%dma_start3A_85 : memref<2000xf32, #tpu.memory_space<hbm>>) target(%dma_start3A_84 : memref<2000xf32, #tpu.memory_space<vmem>>) target_semaphore(%dma_start3A_83 : memref<!tpu.dma_semaphore, #tpu.memory_space<semaphore_mem>>)
      %add3A_86 = arith.constant 0 : i32
      %add3A_87 = arith.constant 1 : i32
      %add3A_88 = arith.addi %add3A_86, %add3A_87 : i32
      %select_n3A_89 = arith.constant true
      %select_n3A_90 = arith.constant 0 : i32
      %select_n3A_91 = arith.select %select_n3A_89, %add3A_88, %select_n3A_90 : i32
      %rem3A_92 = arith.constant 0 : i32
      %rem3A_93 = arith.constant 2 : i32
      %rem3A_94 = arith.remui %rem3A_92, %rem3A_93 : i32
      %mul3A_95 = arith.constant 2000 : i32
      %mul3A_96 = arith.muli %mul3A_95, %add3A_26 : i32
      %mul3A_97 = arith.constant 2000 : i32
      %mul3A_98 = arith.muli %rem3A_94, %mul3A_97 : i32
      %add3A_99 = arith.constant 0 : i32
      %add3A_100 = arith.addi %mul3A_98, %add3A_99 : i32
      %dma_start3A_101 = tpu.memref_slice %run_scoped3A_15[%add3A_100] : memref<4000xf32, #tpu.memory_space<vmem>> -> memref<2000xf32, #tpu.memory_space<vmem>>
      %dma_start3A_102 = tpu.memref_slice %arg4[%mul3A_96] : memref<1600000xf32, #tpu.memory_space<hbm>> -> memref<2000xf32, #tpu.memory_space<hbm>>
      %dma_start3A_103 = tpu.memref_slice %run_scoped3A_16[%rem3A_94] : memref<2x!tpu.dma_semaphore, #tpu.memory_space<semaphore_mem>> -> memref<1x!tpu.dma_semaphore, #tpu.memory_space<semaphore_mem>>
      %dma_start3A_104 = tpu.memref_squeeze %dma_start3A_103 : memref<1x!tpu.dma_semaphore, #tpu.memory_space<semaphore_mem>> -> memref<!tpu.dma_semaphore, #tpu.memory_space<semaphore_mem>>
      %dma_start3A_105 = tpu.memref_slice %run_scoped3A_15[%add3A_100] : memref<4000xf32, #tpu.memory_space<vmem>> -> memref<2000xf32, #tpu.memory_space<vmem>>
      %dma_start3A_106 = tpu.memref_slice %arg4[%mul3A_96] : memref<1600000xf32, #tpu.memory_space<hbm>> -> memref<2000xf32, #tpu.memory_space<hbm>>
      tpu.enqueue_dma source(%dma_start3A_106 : memref<2000xf32, #tpu.memory_space<hbm>>) target(%dma_start3A_105 : memref<2000xf32, #tpu.memory_space<vmem>>) target_semaphore(%dma_start3A_104 : memref<!tpu.dma_semaphore, #tpu.memory_space<semaphore_mem>>)
      %add3A_107 = arith.constant 0 : i32
      %add3A_108 = arith.constant 1 : i32
      %add3A_109 = arith.addi %add3A_107, %add3A_108 : i32
      %select_n3A_110 = arith.constant true
      %select_n3A_111 = arith.constant 0 : i32
      %select_n3A_112 = arith.select %select_n3A_110, %add3A_109, %select_n3A_111 : i32
      %rem3A_113 = arith.constant 0 : i32
      %rem3A_114 = arith.constant 2 : i32
      %rem3A_115 = arith.remui %rem3A_113, %rem3A_114 : i32
      %mul3A_116 = arith.constant 2000 : i32
      %mul3A_117 = arith.muli %mul3A_116, %add3A_26 : i32
      %mul3A_118 = arith.constant 2000 : i32
      %mul3A_119 = arith.muli %rem3A_115, %mul3A_118 : i32
      %add3A_120 = arith.constant 0 : i32
      %add3A_121 = arith.addi %mul3A_119, %add3A_120 : i32
      %dma_start3A_122 = tpu.memref_slice %run_scoped3A_17[%add3A_121] : memref<4000xi32, #tpu.memory_space<vmem>> -> memref<2000xi32, #tpu.memory_space<vmem>>
      %dma_start3A_123 = tpu.memref_slice %arg5[%mul3A_117] : memref<1600000xi32, #tpu.memory_space<hbm>> -> memref<2000xi32, #tpu.memory_space<hbm>>
      %dma_start3A_124 = tpu.memref_slice %run_scoped3A_18[%rem3A_115] : memref<2x!tpu.dma_semaphore, #tpu.memory_space<semaphore_mem>> -> memref<1x!tpu.dma_semaphore, #tpu.memory_space<semaphore_mem>>
      %dma_start3A_125 = tpu.memref_squeeze %dma_start3A_124 : memref<1x!tpu.dma_semaphore, #tpu.memory_space<semaphore_mem>> -> memref<!tpu.dma_semaphore, #tpu.memory_space<semaphore_mem>>
      %dma_start3A_126 = tpu.memref_slice %run_scoped3A_17[%add3A_121] : memref<4000xi32, #tpu.memory_space<vmem>> -> memref<2000xi32, #tpu.memory_space<vmem>>
      %dma_start3A_127 = tpu.memref_slice %arg5[%mul3A_117] : memref<1600000xi32, #tpu.memory_space<hbm>> -> memref<2000xi32, #tpu.memory_space<hbm>>
      tpu.enqueue_dma source(%dma_start3A_127 : memref<2000xi32, #tpu.memory_space<hbm>>) target(%dma_start3A_126 : memref<2000xi32, #tpu.memory_space<vmem>>) target_semaphore(%dma_start3A_125 : memref<!tpu.dma_semaphore, #tpu.memory_space<semaphore_mem>>)
      %add3A_128 = arith.constant 0 : i32
      %add3A_129 = arith.constant 1 : i32
      %add3A_130 = arith.addi %add3A_128, %add3A_129 : i32
      %select_n3A_131 = arith.constant true
      %select_n3A_132 = arith.constant 0 : i32
      %select_n3A_133 = arith.select %select_n3A_131, %add3A_130, %select_n3A_132 : i32
      %rem3A_134 = arith.constant 0 : i32
      %rem3A_135 = arith.constant 2 : i32
      %rem3A_136 = arith.remui %rem3A_134, %rem3A_135 : i32
      %mul3A_137 = arith.constant 2000 : i32
      %mul3A_138 = arith.muli %mul3A_137, %add3A_26 : i32
      %mul3A_139 = arith.constant 2000 : i32
      %mul3A_140 = arith.muli %rem3A_136, %mul3A_139 : i32
      %add3A_141 = arith.constant 0 : i32
      %add3A_142 = arith.addi %mul3A_140, %add3A_141 : i32
      %dma_start3A_143 = tpu.memref_slice %run_scoped3A_19[%add3A_142] : memref<4000xi32, #tpu.memory_space<vmem>> -> memref<2000xi32, #tpu.memory_space<vmem>>
      %dma_start3A_144 = tpu.memref_slice %arg6[%mul3A_138] : memref<1600000xi32, #tpu.memory_space<hbm>> -> memref<2000xi32, #tpu.memory_space<hbm>>
      %dma_start3A_145 = tpu.memref_slice %run_scoped3A_20[%rem3A_136] : memref<2x!tpu.dma_semaphore, #tpu.memory_space<semaphore_mem>> -> memref<1x!tpu.dma_semaphore, #tpu.memory_space<semaphore_mem>>
      %dma_start3A_146 = tpu.memref_squeeze %dma_start3A_145 : memref<1x!tpu.dma_semaphore, #tpu.memory_space<semaphore_mem>> -> memref<!tpu.dma_semaphore, #tpu.memory_space<semaphore_mem>>
      %dma_start3A_147 = tpu.memref_slice %run_scoped3A_19[%add3A_142] : memref<4000xi32, #tpu.memory_space<vmem>> -> memref<2000xi32, #tpu.memory_space<vmem>>
      %dma_start3A_148 = tpu.memref_slice %arg6[%mul3A_138] : memref<1600000xi32, #tpu.memory_space<hbm>> -> memref<2000xi32, #tpu.memory_space<hbm>>
      tpu.enqueue_dma source(%dma_start3A_148 : memref<2000xi32, #tpu.memory_space<hbm>>) target(%dma_start3A_147 : memref<2000xi32, #tpu.memory_space<vmem>>) target_semaphore(%dma_start3A_146 : memref<!tpu.dma_semaphore, #tpu.memory_space<semaphore_mem>>)
      %add3A_149 = arith.constant 0 : i32
      %add3A_150 = arith.constant 1 : i32
      %add3A_151 = arith.addi %add3A_149, %add3A_150 : i32
      %select_n3A_152 = arith.constant true
      %select_n3A_153 = arith.constant 0 : i32
      %select_n3A_154 = arith.select %select_n3A_152, %add3A_151, %select_n3A_153 : i32
      %rem3A_155 = arith.constant 0 : i32
      %rem3A_156 = arith.constant 2 : i32
      %rem3A_157 = arith.remui %rem3A_155, %rem3A_156 : i32
      %mul3A_158 = arith.constant 2000 : i32
      %mul3A_159 = arith.muli %mul3A_158, %add3A_26 : i32
      %mul3A_160 = arith.constant 2000 : i32
      %mul3A_161 = arith.muli %rem3A_157, %mul3A_160 : i32
      %add3A_162 = arith.constant 0 : i32
      %add3A_163 = arith.addi %mul3A_161, %add3A_162 : i32
      %dma_start3A_164 = tpu.memref_slice %run_scoped3A_21[%add3A_163] : memref<4000xi32, #tpu.memory_space<vmem>> -> memref<2000xi32, #tpu.memory_space<vmem>>
      %dma_start3A_165 = tpu.memref_slice %arg7[%mul3A_159] : memref<1600000xi32, #tpu.memory_space<hbm>> -> memref<2000xi32, #tpu.memory_space<hbm>>
      %dma_start3A_166 = tpu.memref_slice %run_scoped3A_22[%rem3A_157] : memref<2x!tpu.dma_semaphore, #tpu.memory_space<semaphore_mem>> -> memref<1x!tpu.dma_semaphore, #tpu.memory_space<semaphore_mem>>
      %dma_start3A_167 = tpu.memref_squeeze %dma_start3A_166 : memref<1x!tpu.dma_semaphore, #tpu.memory_space<semaphore_mem>> -> memref<!tpu.dma_semaphore, #tpu.memory_space<semaphore_mem>>
      %dma_start3A_168 = tpu.memref_slice %run_scoped3A_21[%add3A_163] : memref<4000xi32, #tpu.memory_space<vmem>> -> memref<2000xi32, #tpu.memory_space<vmem>>
      %dma_start3A_169 = tpu.memref_slice %arg7[%mul3A_159] : memref<1600000xi32, #tpu.memory_space<hbm>> -> memref<2000xi32, #tpu.memory_space<hbm>>
      tpu.enqueue_dma source(%dma_start3A_169 : memref<2000xi32, #tpu.memory_space<hbm>>) target(%dma_start3A_168 : memref<2000xi32, #tpu.memory_space<vmem>>) target_semaphore(%dma_start3A_167 : memref<!tpu.dma_semaphore, #tpu.memory_space<semaphore_mem>>)
      %add3A_170 = arith.constant 0 : i32
      %add3A_171 = arith.constant 1 : i32
      %add3A_172 = arith.addi %add3A_170, %add3A_171 : i32
      %select_n3A_173 = arith.constant true
      %select_n3A_174 = arith.constant 0 : i32
      %select_n3A_175 = arith.select %select_n3A_173, %add3A_172, %select_n3A_174 : i32
      "tpu.trace_stop"() : () -> ()
      %scan3A = arith.constant 0 : i32
      %scan3A_176 = arith.constant 0 : i32
      %scan3A_177 = arith.constant 0 : i32
      %scan3A_178 = arith.constant 0 : i32
      %scan3A_179 = arith.constant 0 : i32
      %scan3A_180 = arith.constant 0 : i32
      %scan3A_181 = arith.constant 0 : i32
      %scan3A_182 = arith.constant 0 : i32
      %scan3A_183 = arith.constant 0 : i32
      %scan3A_184 = arith.constant 0 : i32
      %scan3A_185 = arith.constant 25 : i32
      %scan3A_186 = arith.addi %scan3A_184, %scan3A_185 : i32
      %scan3A_187 = arith.constant 1 : i32
      %scan3A_188:15 = scf.for %scan3A_238 = %scan3A_184 to %scan3A_186 step %scan3A_187 iter_args(%scan3A_239 = %select_n3A_70, %scan3A_240 = %scan3A, %scan3A_241 = %select_n3A_91, %scan3A_242 = %scan3A_176, %scan3A_243 = %select_n3A_112, %scan3A_244 = %scan3A_177, %scan3A_245 = %select_n3A_133, %scan3A_246 = %scan3A_178, %scan3A_247 = %select_n3A_154, %scan3A_248 = %scan3A_179, %scan3A_249 = %select_n3A_175, %scan3A_250 = %scan3A_180, %scan3A_251 = %scan3A_181, %scan3A_252 = %scan3A_182, %scan3A_253 = %scan3A_183) -> (i32, i32, i32, i32, i32, i32, i32, i32, i32, i32, i32, i32, i32, i32, i32)  : i32 {
        %eq3A_254 = arith.constant 0 : i32
        %eq3A_255 = arith.cmpi eq, %scan3A_238, %eq3A_254 : i32
        %eq3A_256 = arith.constant 24 : i32
        %eq3A_257 = arith.cmpi eq, %scan3A_238, %eq3A_256 : i32
        %add3A_258 = arith.addi %scan3A_253, %mul3A_11 : i32
        %sub3A_259 = arith.constant 1 : i32
        %sub3A_260 = arith.subi %scan3A_253, %sub3A_259 : i32
        %select_n3A_261 = arith.constant true
        %select_n3A_262 = arith.select %select_n3A_261, %sub3A_260, %scan3A_253 : i32
        %eq3A_263 = arith.constant -1 : i32
        %eq3A_264 = arith.cmpi eq, %select_n3A_262, %eq3A_263 : i32
        %select_n3A_265 = arith.constant 24 : i32
        %select_n3A_266 = arith.select %eq3A_264, %select_n3A_265, %select_n3A_262 : i32
        %add3A_267 = arith.addi %select_n3A_266, %mul3A_11 : i32
        %add3A_268 = arith.constant 1 : i32
        %add3A_269 = arith.addi %scan3A_253, %add3A_268 : i32
        %select_n3A_270 = arith.constant true
        %select_n3A_271 = arith.select %select_n3A_270, %add3A_269, %scan3A_253 : i32
        %eq3A_272 = arith.constant 25 : i32
        %eq3A_273 = arith.cmpi eq, %select_n3A_271, %eq3A_272 : i32
        %select_n3A_274 = arith.constant 0 : i32
        %select_n3A_275 = arith.select %eq3A_273, %select_n3A_274, %select_n3A_271 : i32
        %add3A_276 = arith.addi %select_n3A_275, %mul3A_11 : i32
        %add3A_277 = arith.constant 1 : i32
        %add3A_278 = arith.addi %select_n3A_275, %add3A_277 : i32
        %select_n3A_279 = arith.constant true
        %select_n3A_280 = arith.select %select_n3A_279, %add3A_278, %select_n3A_275 : i32
        %eq3A_281 = arith.constant 25 : i32
        %eq3A_282 = arith.cmpi eq, %select_n3A_280, %eq3A_281 : i32
        %select_n3A_283 = arith.constant 0 : i32
        %select_n3A_284 = arith.select %eq3A_282, %select_n3A_283, %select_n3A_280 : i32
        %add3A_285 = arith.addi %select_n3A_284, %mul3A_11 : i32
        %ne3A = arith.cmpi ne, %add3A_258, %add3A_276 : i32
        %or3A = arith.constant false
        %or3A_286 = arith.ori %or3A, %ne3A : i1
        %ge3A = arith.constant 24 : i32
        %ge3A_287 = arith.cmpi sge, %scan3A_238, %ge3A : i32
        %not3A = arith.constant true
        %not3A_288 = arith.xori %ge3A_287, %not3A : i1
        %and3A = arith.andi %or3A_286, %not3A_288 : i1
        %convert_element_type3A = arith.extui %and3A : i1 to i32
        %cond3A = arith.constant 0 : i32
        %cond3A_289 = arith.cmpi ne, %convert_element_type3A, %cond3A : i32
        scf.if %cond3A_289 {
          "tpu.trace_start"() <{level = 10 : i32, message = "ep_copy_in"}> : () -> ()
          %rem3A_661 = arith.constant 2 : i32
          %rem3A_662 = arith.remui %scan3A_239, %rem3A_661 : i32
          %mul3A_663 = arith.constant 2000 : i32
          %mul3A_664 = arith.muli %mul3A_663, %add3A_276 : i32
          %mul3A_665 = arith.constant 2000 : i32
          %mul3A_666 = arith.muli %rem3A_662, %mul3A_665 : i32
          %add3A_667 = arith.constant 0 : i32
          %add3A_668 = arith.addi %mul3A_666, %add3A_667 : i32
          %dma_start3A_669 = tpu.memref_slice %run_scoped3A[%add3A_668] : memref<4000xf32, #tpu.memory_space<vmem>> -> memref<2000xf32, #tpu.memory_space<vmem>>
          %dma_start3A_670 = tpu.memref_slice %arg2[%mul3A_664] : memref<1600000xf32, #tpu.memory_space<hbm>> -> memref<2000xf32, #tpu.memory_space<hbm>>
          %dma_start3A_671 = tpu.memref_slice %run_scoped3A_12[%rem3A_662] : memref<2x!tpu.dma_semaphore, #tpu.memory_space<semaphore_mem>> -> memref<1x!tpu.dma_semaphore, #tpu.memory_space<semaphore_mem>>
          %dma_start3A_672 = tpu.memref_squeeze %dma_start3A_671 : memref<1x!tpu.dma_semaphore, #tpu.memory_space<semaphore_mem>> -> memref<!tpu.dma_semaphore, #tpu.memory_space<semaphore_mem>>
          %dma_start3A_673 = tpu.memref_slice %run_scoped3A[%add3A_668] : memref<4000xf32, #tpu.memory_space<vmem>> -> memref<2000xf32, #tpu.memory_space<vmem>>
          %dma_start3A_674 = tpu.memref_slice %arg2[%mul3A_664] : memref<1600000xf32, #tpu.memory_space<hbm>> -> memref<2000xf32, #tpu.memory_space<hbm>>
          tpu.enqueue_dma source(%dma_start3A_674 : memref<2000xf32, #tpu.memory_space<hbm>>) target(%dma_start3A_673 : memref<2000xf32, #tpu.memory_space<vmem>>) target_semaphore(%dma_start3A_672 : memref<!tpu.dma_semaphore, #tpu.memory_space<semaphore_mem>>)
          "tpu.trace_stop"() : () -> ()
        } else {
        }
        %and3A_290 = arith.constant true
        %and3A_291 = arith.andi %and3A, %and3A_290 : i1
        %add3A_292 = arith.constant 1 : i32
        %add3A_293 = arith.addi %scan3A_239, %add3A_292 : i32
        %select_n3A_294 = arith.select %and3A_291, %add3A_293, %scan3A_239 : i32
        %ne3A_295 = arith.cmpi ne, %add3A_258, %add3A_276 : i32
        %or3A_296 = arith.constant false
        %or3A_297 = arith.ori %or3A_296, %ne3A_295 : i1
        %ge3A_298 = arith.constant 24 : i32
        %ge3A_299 = arith.cmpi sge, %scan3A_238, %ge3A_298 : i32
        %not3A_300 = arith.constant true
        %not3A_301 = arith.xori %ge3A_299, %not3A_300 : i1
        %and3A_302 = arith.andi %or3A_297, %not3A_301 : i1
        %convert_element_type3A_303 = arith.extui %and3A_302 : i1 to i32
        %cond3A_304 = arith.constant 0 : i32
        %cond3A_305 = arith.cmpi ne, %convert_element_type3A_303, %cond3A_304 : i32
        scf.if %cond3A_305 {
          "tpu.trace_start"() <{level = 10 : i32, message = "ep_copy_in"}> : () -> ()
          %rem3A_661 = arith.constant 2 : i32
          %rem3A_662 = arith.remui %scan3A_241, %rem3A_661 : i32
          %mul3A_663 = arith.constant 2000 : i32
          %mul3A_664 = arith.muli %mul3A_663, %add3A_276 : i32
          %mul3A_665 = arith.constant 2000 : i32
          %mul3A_666 = arith.muli %rem3A_662, %mul3A_665 : i32
          %add3A_667 = arith.constant 0 : i32
          %add3A_668 = arith.addi %mul3A_666, %add3A_667 : i32
          %dma_start3A_669 = tpu.memref_slice %run_scoped3A_13[%add3A_668] : memref<4000xf32, #tpu.memory_space<vmem>> -> memref<2000xf32, #tpu.memory_space<vmem>>
          %dma_start3A_670 = tpu.memref_slice %arg3[%mul3A_664] : memref<1600000xf32, #tpu.memory_space<hbm>> -> memref<2000xf32, #tpu.memory_space<hbm>>
          %dma_start3A_671 = tpu.memref_slice %run_scoped3A_14[%rem3A_662] : memref<2x!tpu.dma_semaphore, #tpu.memory_space<semaphore_mem>> -> memref<1x!tpu.dma_semaphore, #tpu.memory_space<semaphore_mem>>
          %dma_start3A_672 = tpu.memref_squeeze %dma_start3A_671 : memref<1x!tpu.dma_semaphore, #tpu.memory_space<semaphore_mem>> -> memref<!tpu.dma_semaphore, #tpu.memory_space<semaphore_mem>>
          %dma_start3A_673 = tpu.memref_slice %run_scoped3A_13[%add3A_668] : memref<4000xf32, #tpu.memory_space<vmem>> -> memref<2000xf32, #tpu.memory_space<vmem>>
          %dma_start3A_674 = tpu.memref_slice %arg3[%mul3A_664] : memref<1600000xf32, #tpu.memory_space<hbm>> -> memref<2000xf32, #tpu.memory_space<hbm>>
          tpu.enqueue_dma source(%dma_start3A_674 : memref<2000xf32, #tpu.memory_space<hbm>>) target(%dma_start3A_673 : memref<2000xf32, #tpu.memory_space<vmem>>) target_semaphore(%dma_start3A_672 : memref<!tpu.dma_semaphore, #tpu.memory_space<semaphore_mem>>)
          "tpu.trace_stop"() : () -> ()
        } else {
        }
        %and3A_306 = arith.constant true
        %and3A_307 = arith.andi %and3A_302, %and3A_306 : i1
        %add3A_308 = arith.constant 1 : i32
        %add3A_309 = arith.addi %scan3A_241, %add3A_308 : i32
        %select_n3A_310 = arith.select %and3A_307, %add3A_309, %scan3A_241 : i32
        %ne3A_311 = arith.cmpi ne, %add3A_258, %add3A_276 : i32
        %or3A_312 = arith.constant false
        %or3A_313 = arith.ori %or3A_312, %ne3A_311 : i1
        %ge3A_314 = arith.constant 24 : i32
        %ge3A_315 = arith.cmpi sge, %scan3A_238, %ge3A_314 : i32
        %not3A_316 = arith.constant true
        %not3A_317 = arith.xori %ge3A_315, %not3A_316 : i1
        %and3A_318 = arith.andi %or3A_313, %not3A_317 : i1
        %convert_element_type3A_319 = arith.extui %and3A_318 : i1 to i32
        %cond3A_320 = arith.constant 0 : i32
        %cond3A_321 = arith.cmpi ne, %convert_element_type3A_319, %cond3A_320 : i32
        scf.if %cond3A_321 {
          "tpu.trace_start"() <{level = 10 : i32, message = "ep_copy_in"}> : () -> ()
          %rem3A_661 = arith.constant 2 : i32
          %rem3A_662 = arith.remui %scan3A_243, %rem3A_661 : i32
          %mul3A_663 = arith.constant 2000 : i32
          %mul3A_664 = arith.muli %mul3A_663, %add3A_276 : i32
          %mul3A_665 = arith.constant 2000 : i32
          %mul3A_666 = arith.muli %rem3A_662, %mul3A_665 : i32
          %add3A_667 = arith.constant 0 : i32
          %add3A_668 = arith.addi %mul3A_666, %add3A_667 : i32
          %dma_start3A_669 = tpu.memref_slice %run_scoped3A_15[%add3A_668] : memref<4000xf32, #tpu.memory_space<vmem>> -> memref<2000xf32, #tpu.memory_space<vmem>>
          %dma_start3A_670 = tpu.memref_slice %arg4[%mul3A_664] : memref<1600000xf32, #tpu.memory_space<hbm>> -> memref<2000xf32, #tpu.memory_space<hbm>>
          %dma_start3A_671 = tpu.memref_slice %run_scoped3A_16[%rem3A_662] : memref<2x!tpu.dma_semaphore, #tpu.memory_space<semaphore_mem>> -> memref<1x!tpu.dma_semaphore, #tpu.memory_space<semaphore_mem>>
          %dma_start3A_672 = tpu.memref_squeeze %dma_start3A_671 : memref<1x!tpu.dma_semaphore, #tpu.memory_space<semaphore_mem>> -> memref<!tpu.dma_semaphore, #tpu.memory_space<semaphore_mem>>
          %dma_start3A_673 = tpu.memref_slice %run_scoped3A_15[%add3A_668] : memref<4000xf32, #tpu.memory_space<vmem>> -> memref<2000xf32, #tpu.memory_space<vmem>>
          %dma_start3A_674 = tpu.memref_slice %arg4[%mul3A_664] : memref<1600000xf32, #tpu.memory_space<hbm>> -> memref<2000xf32, #tpu.memory_space<hbm>>
          tpu.enqueue_dma source(%dma_start3A_674 : memref<2000xf32, #tpu.memory_space<hbm>>) target(%dma_start3A_673 : memref<2000xf32, #tpu.memory_space<vmem>>) target_semaphore(%dma_start3A_672 : memref<!tpu.dma_semaphore, #tpu.memory_space<semaphore_mem>>)
          "tpu.trace_stop"() : () -> ()
        } else {
        }
        %and3A_322 = arith.constant true
        %and3A_323 = arith.andi %and3A_318, %and3A_322 : i1
        %add3A_324 = arith.constant 1 : i32
        %add3A_325 = arith.addi %scan3A_243, %add3A_324 : i32
        %select_n3A_326 = arith.select %and3A_323, %add3A_325, %scan3A_243 : i32
        %ne3A_327 = arith.cmpi ne, %add3A_258, %add3A_276 : i32
        %or3A_328 = arith.constant false
        %or3A_329 = arith.ori %or3A_328, %ne3A_327 : i1
        %ge3A_330 = arith.constant 24 : i32
        %ge3A_331 = arith.cmpi sge, %scan3A_238, %ge3A_330 : i32
        %not3A_332 = arith.constant true
        %not3A_333 = arith.xori %ge3A_331, %not3A_332 : i1
        %and3A_334 = arith.andi %or3A_329, %not3A_333 : i1
        %convert_element_type3A_335 = arith.extui %and3A_334 : i1 to i32
        %cond3A_336 = arith.constant 0 : i32
        %cond3A_337 = arith.cmpi ne, %convert_element_type3A_335, %cond3A_336 : i32
        scf.if %cond3A_337 {
          "tpu.trace_start"() <{level = 10 : i32, message = "ep_copy_in"}> : () -> ()
          %rem3A_661 = arith.constant 2 : i32
          %rem3A_662 = arith.remui %scan3A_245, %rem3A_661 : i32
          %mul3A_663 = arith.constant 2000 : i32
          %mul3A_664 = arith.muli %mul3A_663, %add3A_276 : i32
          %mul3A_665 = arith.constant 2000 : i32
          %mul3A_666 = arith.muli %rem3A_662, %mul3A_665 : i32
          %add3A_667 = arith.constant 0 : i32
          %add3A_668 = arith.addi %mul3A_666, %add3A_667 : i32
          %dma_start3A_669 = tpu.memref_slice %run_scoped3A_17[%add3A_668] : memref<4000xi32, #tpu.memory_space<vmem>> -> memref<2000xi32, #tpu.memory_space<vmem>>
          %dma_start3A_670 = tpu.memref_slice %arg5[%mul3A_664] : memref<1600000xi32, #tpu.memory_space<hbm>> -> memref<2000xi32, #tpu.memory_space<hbm>>
          %dma_start3A_671 = tpu.memref_slice %run_scoped3A_18[%rem3A_662] : memref<2x!tpu.dma_semaphore, #tpu.memory_space<semaphore_mem>> -> memref<1x!tpu.dma_semaphore, #tpu.memory_space<semaphore_mem>>
          %dma_start3A_672 = tpu.memref_squeeze %dma_start3A_671 : memref<1x!tpu.dma_semaphore, #tpu.memory_space<semaphore_mem>> -> memref<!tpu.dma_semaphore, #tpu.memory_space<semaphore_mem>>
          %dma_start3A_673 = tpu.memref_slice %run_scoped3A_17[%add3A_668] : memref<4000xi32, #tpu.memory_space<vmem>> -> memref<2000xi32, #tpu.memory_space<vmem>>
          %dma_start3A_674 = tpu.memref_slice %arg5[%mul3A_664] : memref<1600000xi32, #tpu.memory_space<hbm>> -> memref<2000xi32, #tpu.memory_space<hbm>>
          tpu.enqueue_dma source(%dma_start3A_674 : memref<2000xi32, #tpu.memory_space<hbm>>) target(%dma_start3A_673 : memref<2000xi32, #tpu.memory_space<vmem>>) target_semaphore(%dma_start3A_672 : memref<!tpu.dma_semaphore, #tpu.memory_space<semaphore_mem>>)
          "tpu.trace_stop"() : () -> ()
        } else {
        }
        %and3A_338 = arith.constant true
        %and3A_339 = arith.andi %and3A_334, %and3A_338 : i1
        %add3A_340 = arith.constant 1 : i32
        %add3A_341 = arith.addi %scan3A_245, %add3A_340 : i32
        %select_n3A_342 = arith.select %and3A_339, %add3A_341, %scan3A_245 : i32
        %ne3A_343 = arith.cmpi ne, %add3A_258, %add3A_276 : i32
        %or3A_344 = arith.constant false
        %or3A_345 = arith.ori %or3A_344, %ne3A_343 : i1
        %ge3A_346 = arith.constant 24 : i32
        %ge3A_347 = arith.cmpi sge, %scan3A_238, %ge3A_346 : i32
        %not3A_348 = arith.constant true
        %not3A_349 = arith.xori %ge3A_347, %not3A_348 : i1
        %and3A_350 = arith.andi %or3A_345, %not3A_349 : i1
        %convert_element_type3A_351 = arith.extui %and3A_350 : i1 to i32
        %cond3A_352 = arith.constant 0 : i32
        %cond3A_353 = arith.cmpi ne, %convert_element_type3A_351, %cond3A_352 : i32
        scf.if %cond3A_353 {
          "tpu.trace_start"() <{level = 10 : i32, message = "ep_copy_in"}> : () -> ()
          %rem3A_661 = arith.constant 2 : i32
          %rem3A_662 = arith.remui %scan3A_247, %rem3A_661 : i32
          %mul3A_663 = arith.constant 2000 : i32
          %mul3A_664 = arith.muli %mul3A_663, %add3A_276 : i32
          %mul3A_665 = arith.constant 2000 : i32
          %mul3A_666 = arith.muli %rem3A_662, %mul3A_665 : i32
          %add3A_667 = arith.constant 0 : i32
          %add3A_668 = arith.addi %mul3A_666, %add3A_667 : i32
          %dma_start3A_669 = tpu.memref_slice %run_scoped3A_19[%add3A_668] : memref<4000xi32, #tpu.memory_space<vmem>> -> memref<2000xi32, #tpu.memory_space<vmem>>
          %dma_start3A_670 = tpu.memref_slice %arg6[%mul3A_664] : memref<1600000xi32, #tpu.memory_space<hbm>> -> memref<2000xi32, #tpu.memory_space<hbm>>
          %dma_start3A_671 = tpu.memref_slice %run_scoped3A_20[%rem3A_662] : memref<2x!tpu.dma_semaphore, #tpu.memory_space<semaphore_mem>> -> memref<1x!tpu.dma_semaphore, #tpu.memory_space<semaphore_mem>>
          %dma_start3A_672 = tpu.memref_squeeze %dma_start3A_671 : memref<1x!tpu.dma_semaphore, #tpu.memory_space<semaphore_mem>> -> memref<!tpu.dma_semaphore, #tpu.memory_space<semaphore_mem>>
          %dma_start3A_673 = tpu.memref_slice %run_scoped3A_19[%add3A_668] : memref<4000xi32, #tpu.memory_space<vmem>> -> memref<2000xi32, #tpu.memory_space<vmem>>
          %dma_start3A_674 = tpu.memref_slice %arg6[%mul3A_664] : memref<1600000xi32, #tpu.memory_space<hbm>> -> memref<2000xi32, #tpu.memory_space<hbm>>
          tpu.enqueue_dma source(%dma_start3A_674 : memref<2000xi32, #tpu.memory_space<hbm>>) target(%dma_start3A_673 : memref<2000xi32, #tpu.memory_space<vmem>>) target_semaphore(%dma_start3A_672 : memref<!tpu.dma_semaphore, #tpu.memory_space<semaphore_mem>>)
          "tpu.trace_stop"() : () -> ()
        } else {
        }
        %and3A_354 = arith.constant true
        %and3A_355 = arith.andi %and3A_350, %and3A_354 : i1
        %add3A_356 = arith.constant 1 : i32
        %add3A_357 = arith.addi %scan3A_247, %add3A_356 : i32
        %select_n3A_358 = arith.select %and3A_355, %add3A_357, %scan3A_247 : i32
        %ne3A_359 = arith.cmpi ne, %add3A_258, %add3A_276 : i32
        %or3A_360 = arith.constant false
        %or3A_361 = arith.ori %or3A_360, %ne3A_359 : i1
        %ge3A_362 = arith.constant 24 : i32
        %ge3A_363 = arith.cmpi sge, %scan3A_238, %ge3A_362 : i32
        %not3A_364 = arith.constant true
        %not3A_365 = arith.xori %ge3A_363, %not3A_364 : i1
        %and3A_366 = arith.andi %or3A_361, %not3A_365 : i1
        %convert_element_type3A_367 = arith.extui %and3A_366 : i1 to i32
        %cond3A_368 = arith.constant 0 : i32
        %cond3A_369 = arith.cmpi ne, %convert_element_type3A_367, %cond3A_368 : i32
        scf.if %cond3A_369 {
          "tpu.trace_start"() <{level = 10 : i32, message = "ep_copy_in"}> : () -> ()
          %rem3A_661 = arith.constant 2 : i32
          %rem3A_662 = arith.remui %scan3A_249, %rem3A_661 : i32
          %mul3A_663 = arith.constant 2000 : i32
          %mul3A_664 = arith.muli %mul3A_663, %add3A_276 : i32
          %mul3A_665 = arith.constant 2000 : i32
          %mul3A_666 = arith.muli %rem3A_662, %mul3A_665 : i32
          %add3A_667 = arith.constant 0 : i32
          %add3A_668 = arith.addi %mul3A_666, %add3A_667 : i32
          %dma_start3A_669 = tpu.memref_slice %run_scoped3A_21[%add3A_668] : memref<4000xi32, #tpu.memory_space<vmem>> -> memref<2000xi32, #tpu.memory_space<vmem>>
          %dma_start3A_670 = tpu.memref_slice %arg7[%mul3A_664] : memref<1600000xi32, #tpu.memory_space<hbm>> -> memref<2000xi32, #tpu.memory_space<hbm>>
          %dma_start3A_671 = tpu.memref_slice %run_scoped3A_22[%rem3A_662] : memref<2x!tpu.dma_semaphore, #tpu.memory_space<semaphore_mem>> -> memref<1x!tpu.dma_semaphore, #tpu.memory_space<semaphore_mem>>
          %dma_start3A_672 = tpu.memref_squeeze %dma_start3A_671 : memref<1x!tpu.dma_semaphore, #tpu.memory_space<semaphore_mem>> -> memref<!tpu.dma_semaphore, #tpu.memory_space<semaphore_mem>>
          %dma_start3A_673 = tpu.memref_slice %run_scoped3A_21[%add3A_668] : memref<4000xi32, #tpu.memory_space<vmem>> -> memref<2000xi32, #tpu.memory_space<vmem>>
          %dma_start3A_674 = tpu.memref_slice %arg7[%mul3A_664] : memref<1600000xi32, #tpu.memory_space<hbm>> -> memref<2000xi32, #tpu.memory_space<hbm>>
          tpu.enqueue_dma source(%dma_start3A_674 : memref<2000xi32, #tpu.memory_space<hbm>>) target(%dma_start3A_673 : memref<2000xi32, #tpu.memory_space<vmem>>) target_semaphore(%dma_start3A_672 : memref<!tpu.dma_semaphore, #tpu.memory_space<semaphore_mem>>)
          "tpu.trace_stop"() : () -> ()
        } else {
        }
        %and3A_370 = arith.constant true
        %and3A_371 = arith.andi %and3A_366, %and3A_370 : i1
        %add3A_372 = arith.constant 1 : i32
        %add3A_373 = arith.addi %scan3A_249, %add3A_372 : i32
        %select_n3A_374 = arith.select %and3A_371, %add3A_373, %scan3A_249 : i32
        %ne3A_375 = arith.cmpi ne, %add3A_258, %add3A_276 : i32
        %or3A_376 = arith.constant false
        %or3A_377 = arith.ori %or3A_376, %ne3A_375 : i1
        %ge3A_378 = arith.constant 24 : i32
        %ge3A_379 = arith.cmpi sge, %scan3A_238, %ge3A_378 : i32
        %not3A_380 = arith.constant true
        %not3A_381 = arith.xori %ge3A_379, %not3A_380 : i1
        %and3A_382 = arith.andi %or3A_377, %not3A_381 : i1
        %ne3A_383 = arith.cmpi ne, %add3A_258, %add3A_267 : i32
        %or3A_384 = arith.constant false
        %or3A_385 = arith.ori %or3A_384, %ne3A_383 : i1
        %or3A_386 = arith.ori %or3A_385, %eq3A_255 : i1
        %convert_element_type3A_387 = arith.extui %or3A_386 : i1 to i32
        %cond3A_388 = arith.constant 0 : i32
        %cond3A_389 = arith.cmpi ne, %convert_element_type3A_387, %cond3A_388 : i32
        scf.if %cond3A_389 {
          "tpu.trace_start"() <{level = 10 : i32, message = "ep_wait_in"}> : () -> ()
          %mul3A_661 = arith.constant 2000 : i32
          %mul3A_662 = arith.muli %mul3A_661, %add3A_258 : i32
          %rem3A_663 = arith.constant 2 : i32
          %rem3A_664 = arith.remui %scan3A_240, %rem3A_663 : i32
          %mul3A_665 = arith.constant 2000 : i32
          %mul3A_666 = arith.muli %rem3A_664, %mul3A_665 : i32
          %add3A_667 = arith.constant 0 : i32
          %add3A_668 = arith.addi %mul3A_666, %add3A_667 : i32
          %dma_wait3A_669 = tpu.memref_slice %run_scoped3A[%add3A_668] : memref<4000xf32, #tpu.memory_space<vmem>> -> memref<2000xf32, #tpu.memory_space<vmem>>
          %dma_wait3A_670 = tpu.memref_slice %arg2[%mul3A_662] : memref<1600000xf32, #tpu.memory_space<hbm>> -> memref<2000xf32, #tpu.memory_space<hbm>>
          %dma_wait3A_671 = tpu.memref_slice %run_scoped3A_12[%rem3A_664] : memref<2x!tpu.dma_semaphore, #tpu.memory_space<semaphore_mem>> -> memref<1x!tpu.dma_semaphore, #tpu.memory_space<semaphore_mem>>
          %dma_wait3A_672 = tpu.memref_squeeze %dma_wait3A_671 : memref<1x!tpu.dma_semaphore, #tpu.memory_space<semaphore_mem>> -> memref<!tpu.dma_semaphore, #tpu.memory_space<semaphore_mem>>
          %dma_wait3A_673 = tpu.memref_slice %run_scoped3A[%add3A_668] : memref<4000xf32, #tpu.memory_space<vmem>> -> memref<2000xf32, #tpu.memory_space<vmem>>
          %dma_wait3A_674 = tpu.memref_slice %arg2[%mul3A_662] : memref<1600000xf32, #tpu.memory_space<hbm>> -> memref<2000xf32, #tpu.memory_space<hbm>>
          tpu.wait_dma2 semaphore(%dma_wait3A_672 : memref<!tpu.dma_semaphore, #tpu.memory_space<semaphore_mem>>) src(%dma_wait3A_674 : memref<2000xf32, #tpu.memory_space<hbm>>) dst(%dma_wait3A_673 : memref<2000xf32, #tpu.memory_space<vmem>>)
          "tpu.trace_stop"() : () -> ()
        } else {
        }
        %ne3A_390 = arith.cmpi ne, %add3A_258, %add3A_267 : i32
        %or3A_391 = arith.constant false
        %or3A_392 = arith.ori %or3A_391, %ne3A_390 : i1
        %or3A_393 = arith.ori %or3A_392, %eq3A_255 : i1
        %convert_element_type3A_394 = arith.extui %or3A_393 : i1 to i32
        %cond3A_395 = arith.constant 0 : i32
        %cond3A_396 = arith.cmpi ne, %convert_element_type3A_394, %cond3A_395 : i32
        scf.if %cond3A_396 {
          "tpu.trace_start"() <{level = 10 : i32, message = "ep_wait_in"}> : () -> ()
          %mul3A_661 = arith.constant 2000 : i32
          %mul3A_662 = arith.muli %mul3A_661, %add3A_258 : i32
          %rem3A_663 = arith.constant 2 : i32
          %rem3A_664 = arith.remui %scan3A_242, %rem3A_663 : i32
          %mul3A_665 = arith.constant 2000 : i32
          %mul3A_666 = arith.muli %rem3A_664, %mul3A_665 : i32
          %add3A_667 = arith.constant 0 : i32
          %add3A_668 = arith.addi %mul3A_666, %add3A_667 : i32
          %dma_wait3A_669 = tpu.memref_slice %run_scoped3A_13[%add3A_668] : memref<4000xf32, #tpu.memory_space<vmem>> -> memref<2000xf32, #tpu.memory_space<vmem>>
          %dma_wait3A_670 = tpu.memref_slice %arg3[%mul3A_662] : memref<1600000xf32, #tpu.memory_space<hbm>> -> memref<2000xf32, #tpu.memory_space<hbm>>
          %dma_wait3A_671 = tpu.memref_slice %run_scoped3A_14[%rem3A_664] : memref<2x!tpu.dma_semaphore, #tpu.memory_space<semaphore_mem>> -> memref<1x!tpu.dma_semaphore, #tpu.memory_space<semaphore_mem>>
          %dma_wait3A_672 = tpu.memref_squeeze %dma_wait3A_671 : memref<1x!tpu.dma_semaphore, #tpu.memory_space<semaphore_mem>> -> memref<!tpu.dma_semaphore, #tpu.memory_space<semaphore_mem>>
          %dma_wait3A_673 = tpu.memref_slice %run_scoped3A_13[%add3A_668] : memref<4000xf32, #tpu.memory_space<vmem>> -> memref<2000xf32, #tpu.memory_space<vmem>>
          %dma_wait3A_674 = tpu.memref_slice %arg3[%mul3A_662] : memref<1600000xf32, #tpu.memory_space<hbm>> -> memref<2000xf32, #tpu.memory_space<hbm>>
          tpu.wait_dma2 semaphore(%dma_wait3A_672 : memref<!tpu.dma_semaphore, #tpu.memory_space<semaphore_mem>>) src(%dma_wait3A_674 : memref<2000xf32, #tpu.memory_space<hbm>>) dst(%dma_wait3A_673 : memref<2000xf32, #tpu.memory_space<vmem>>)
          "tpu.trace_stop"() : () -> ()
        } else {
        }
        %ne3A_397 = arith.cmpi ne, %add3A_258, %add3A_267 : i32
        %or3A_398 = arith.constant false
        %or3A_399 = arith.ori %or3A_398, %ne3A_397 : i1
        %or3A_400 = arith.ori %or3A_399, %eq3A_255 : i1
        %convert_element_type3A_401 = arith.extui %or3A_400 : i1 to i32
        %cond3A_402 = arith.constant 0 : i32
        %cond3A_403 = arith.cmpi ne, %convert_element_type3A_401, %cond3A_402 : i32
        scf.if %cond3A_403 {
          "tpu.trace_start"() <{level = 10 : i32, message = "ep_wait_in"}> : () -> ()
          %mul3A_661 = arith.constant 2000 : i32
          %mul3A_662 = arith.muli %mul3A_661, %add3A_258 : i32
          %rem3A_663 = arith.constant 2 : i32
          %rem3A_664 = arith.remui %scan3A_244, %rem3A_663 : i32
          %mul3A_665 = arith.constant 2000 : i32
          %mul3A_666 = arith.muli %rem3A_664, %mul3A_665 : i32
          %add3A_667 = arith.constant 0 : i32
          %add3A_668 = arith.addi %mul3A_666, %add3A_667 : i32
          %dma_wait3A_669 = tpu.memref_slice %run_scoped3A_15[%add3A_668] : memref<4000xf32, #tpu.memory_space<vmem>> -> memref<2000xf32, #tpu.memory_space<vmem>>
          %dma_wait3A_670 = tpu.memref_slice %arg4[%mul3A_662] : memref<1600000xf32, #tpu.memory_space<hbm>> -> memref<2000xf32, #tpu.memory_space<hbm>>
          %dma_wait3A_671 = tpu.memref_slice %run_scoped3A_16[%rem3A_664] : memref<2x!tpu.dma_semaphore, #tpu.memory_space<semaphore_mem>> -> memref<1x!tpu.dma_semaphore, #tpu.memory_space<semaphore_mem>>
          %dma_wait3A_672 = tpu.memref_squeeze %dma_wait3A_671 : memref<1x!tpu.dma_semaphore, #tpu.memory_space<semaphore_mem>> -> memref<!tpu.dma_semaphore, #tpu.memory_space<semaphore_mem>>
          %dma_wait3A_673 = tpu.memref_slice %run_scoped3A_15[%add3A_668] : memref<4000xf32, #tpu.memory_space<vmem>> -> memref<2000xf32, #tpu.memory_space<vmem>>
          %dma_wait3A_674 = tpu.memref_slice %arg4[%mul3A_662] : memref<1600000xf32, #tpu.memory_space<hbm>> -> memref<2000xf32, #tpu.memory_space<hbm>>
          tpu.wait_dma2 semaphore(%dma_wait3A_672 : memref<!tpu.dma_semaphore, #tpu.memory_space<semaphore_mem>>) src(%dma_wait3A_674 : memref<2000xf32, #tpu.memory_space<hbm>>) dst(%dma_wait3A_673 : memref<2000xf32, #tpu.memory_space<vmem>>)
          "tpu.trace_stop"() : () -> ()
        } else {
        }
        %ne3A_404 = arith.cmpi ne, %add3A_258, %add3A_267 : i32
        %or3A_405 = arith.constant false
        %or3A_406 = arith.ori %or3A_405, %ne3A_404 : i1
        %or3A_407 = arith.ori %or3A_406, %eq3A_255 : i1
        %convert_element_type3A_408 = arith.extui %or3A_407 : i1 to i32
        %cond3A_409 = arith.constant 0 : i32
        %cond3A_410 = arith.cmpi ne, %convert_element_type3A_408, %cond3A_409 : i32
        scf.if %cond3A_410 {
          "tpu.trace_start"() <{level = 10 : i32, message = "ep_wait_in"}> : () -> ()
          %mul3A_661 = arith.constant 2000 : i32
          %mul3A_662 = arith.muli %mul3A_661, %add3A_258 : i32
          %rem3A_663 = arith.constant 2 : i32
          %rem3A_664 = arith.remui %scan3A_246, %rem3A_663 : i32
          %mul3A_665 = arith.constant 2000 : i32
          %mul3A_666 = arith.muli %rem3A_664, %mul3A_665 : i32
          %add3A_667 = arith.constant 0 : i32
          %add3A_668 = arith.addi %mul3A_666, %add3A_667 : i32
          %dma_wait3A_669 = tpu.memref_slice %run_scoped3A_17[%add3A_668] : memref<4000xi32, #tpu.memory_space<vmem>> -> memref<2000xi32, #tpu.memory_space<vmem>>
          %dma_wait3A_670 = tpu.memref_slice %arg5[%mul3A_662] : memref<1600000xi32, #tpu.memory_space<hbm>> -> memref<2000xi32, #tpu.memory_space<hbm>>
          %dma_wait3A_671 = tpu.memref_slice %run_scoped3A_18[%rem3A_664] : memref<2x!tpu.dma_semaphore, #tpu.memory_space<semaphore_mem>> -> memref<1x!tpu.dma_semaphore, #tpu.memory_space<semaphore_mem>>
          %dma_wait3A_672 = tpu.memref_squeeze %dma_wait3A_671 : memref<1x!tpu.dma_semaphore, #tpu.memory_space<semaphore_mem>> -> memref<!tpu.dma_semaphore, #tpu.memory_space<semaphore_mem>>
          %dma_wait3A_673 = tpu.memref_slice %run_scoped3A_17[%add3A_668] : memref<4000xi32, #tpu.memory_space<vmem>> -> memref<2000xi32, #tpu.memory_space<vmem>>
          %dma_wait3A_674 = tpu.memref_slice %arg5[%mul3A_662] : memref<1600000xi32, #tpu.memory_space<hbm>> -> memref<2000xi32, #tpu.memory_space<hbm>>
          tpu.wait_dma2 semaphore(%dma_wait3A_672 : memref<!tpu.dma_semaphore, #tpu.memory_space<semaphore_mem>>) src(%dma_wait3A_674 : memref<2000xi32, #tpu.memory_space<hbm>>) dst(%dma_wait3A_673 : memref<2000xi32, #tpu.memory_space<vmem>>)
          "tpu.trace_stop"() : () -> ()
        } else {
        }
        %ne3A_411 = arith.cmpi ne, %add3A_258, %add3A_267 : i32
        %or3A_412 = arith.constant false
        %or3A_413 = arith.ori %or3A_412, %ne3A_411 : i1
        %or3A_414 = arith.ori %or3A_413, %eq3A_255 : i1
        %convert_element_type3A_415 = arith.extui %or3A_414 : i1 to i32
        %cond3A_416 = arith.constant 0 : i32
        %cond3A_417 = arith.cmpi ne, %convert_element_type3A_415, %cond3A_416 : i32
        scf.if %cond3A_417 {
          "tpu.trace_start"() <{level = 10 : i32, message = "ep_wait_in"}> : () -> ()
          %mul3A_661 = arith.constant 2000 : i32
          %mul3A_662 = arith.muli %mul3A_661, %add3A_258 : i32
          %rem3A_663 = arith.constant 2 : i32
          %rem3A_664 = arith.remui %scan3A_248, %rem3A_663 : i32
          %mul3A_665 = arith.constant 2000 : i32
          %mul3A_666 = arith.muli %rem3A_664, %mul3A_665 : i32
          %add3A_667 = arith.constant 0 : i32
          %add3A_668 = arith.addi %mul3A_666, %add3A_667 : i32
          %dma_wait3A_669 = tpu.memref_slice %run_scoped3A_19[%add3A_668] : memref<4000xi32, #tpu.memory_space<vmem>> -> memref<2000xi32, #tpu.memory_space<vmem>>
          %dma_wait3A_670 = tpu.memref_slice %arg6[%mul3A_662] : memref<1600000xi32, #tpu.memory_space<hbm>> -> memref<2000xi32, #tpu.memory_space<hbm>>
          %dma_wait3A_671 = tpu.memref_slice %run_scoped3A_20[%rem3A_664] : memref<2x!tpu.dma_semaphore, #tpu.memory_space<semaphore_mem>> -> memref<1x!tpu.dma_semaphore, #tpu.memory_space<semaphore_mem>>
          %dma_wait3A_672 = tpu.memref_squeeze %dma_wait3A_671 : memref<1x!tpu.dma_semaphore, #tpu.memory_space<semaphore_mem>> -> memref<!tpu.dma_semaphore, #tpu.memory_space<semaphore_mem>>
          %dma_wait3A_673 = tpu.memref_slice %run_scoped3A_19[%add3A_668] : memref<4000xi32, #tpu.memory_space<vmem>> -> memref<2000xi32, #tpu.memory_space<vmem>>
          %dma_wait3A_674 = tpu.memref_slice %arg6[%mul3A_662] : memref<1600000xi32, #tpu.memory_space<hbm>> -> memref<2000xi32, #tpu.memory_space<hbm>>
          tpu.wait_dma2 semaphore(%dma_wait3A_672 : memref<!tpu.dma_semaphore, #tpu.memory_space<semaphore_mem>>) src(%dma_wait3A_674 : memref<2000xi32, #tpu.memory_space<hbm>>) dst(%dma_wait3A_673 : memref<2000xi32, #tpu.memory_space<vmem>>)
          "tpu.trace_stop"() : () -> ()
        } else {
        }
        %ne3A_418 = arith.cmpi ne, %add3A_258, %add3A_267 : i32
        %or3A_419 = arith.constant false
        %or3A_420 = arith.ori %or3A_419, %ne3A_418 : i1
        %or3A_421 = arith.ori %or3A_420, %eq3A_255 : i1
        %convert_element_type3A_422 = arith.extui %or3A_421 : i1 to i32
        %cond3A_423 = arith.constant 0 : i32
        %cond3A_424 = arith.cmpi ne, %convert_element_type3A_422, %cond3A_423 : i32
        scf.if %cond3A_424 {
          "tpu.trace_start"() <{level = 10 : i32, message = "ep_wait_in"}> : () -> ()
          %mul3A_661 = arith.constant 2000 : i32
          %mul3A_662 = arith.muli %mul3A_661, %add3A_258 : i32
          %rem3A_663 = arith.constant 2 : i32
          %rem3A_664 = arith.remui %scan3A_250, %rem3A_663 : i32
          %mul3A_665 = arith.constant 2000 : i32
          %mul3A_666 = arith.muli %rem3A_664, %mul3A_665 : i32
          %add3A_667 = arith.constant 0 : i32
          %add3A_668 = arith.addi %mul3A_666, %add3A_667 : i32
          %dma_wait3A_669 = tpu.memref_slice %run_scoped3A_21[%add3A_668] : memref<4000xi32, #tpu.memory_space<vmem>> -> memref<2000xi32, #tpu.memory_space<vmem>>
          %dma_wait3A_670 = tpu.memref_slice %arg7[%mul3A_662] : memref<1600000xi32, #tpu.memory_space<hbm>> -> memref<2000xi32, #tpu.memory_space<hbm>>
          %dma_wait3A_671 = tpu.memref_slice %run_scoped3A_22[%rem3A_664] : memref<2x!tpu.dma_semaphore, #tpu.memory_space<semaphore_mem>> -> memref<1x!tpu.dma_semaphore, #tpu.memory_space<semaphore_mem>>
          %dma_wait3A_672 = tpu.memref_squeeze %dma_wait3A_671 : memref<1x!tpu.dma_semaphore, #tpu.memory_space<semaphore_mem>> -> memref<!tpu.dma_semaphore, #tpu.memory_space<semaphore_mem>>
          %dma_wait3A_673 = tpu.memref_slice %run_scoped3A_21[%add3A_668] : memref<4000xi32, #tpu.memory_space<vmem>> -> memref<2000xi32, #tpu.memory_space<vmem>>
          %dma_wait3A_674 = tpu.memref_slice %arg7[%mul3A_662] : memref<1600000xi32, #tpu.memory_space<hbm>> -> memref<2000xi32, #tpu.memory_space<hbm>>
          tpu.wait_dma2 semaphore(%dma_wait3A_672 : memref<!tpu.dma_semaphore, #tpu.memory_space<semaphore_mem>>) src(%dma_wait3A_674 : memref<2000xi32, #tpu.memory_space<hbm>>) dst(%dma_wait3A_673 : memref<2000xi32, #tpu.memory_space<vmem>>)
          "tpu.trace_stop"() : () -> ()
        } else {
        }
        %ne3A_425 = arith.cmpi ne, %add3A_258, %add3A_267 : i32
        %or3A_426 = arith.constant false
        %or3A_427 = arith.ori %or3A_426, %ne3A_425 : i1
        %or3A_428 = arith.ori %or3A_427, %eq3A_255 : i1
        %convert_element_type3A_429 = arith.extui %or3A_428 : i1 to i32
        %cond3A_430 = arith.constant 0 : i32
        %cond3A_431 = arith.cmpi ne, %convert_element_type3A_429, %cond3A_430 : i32
        scf.if %cond3A_431 {
        } else {
        }
        %rem3A_432 = arith.constant 2 : i32
        %rem3A_433 = arith.remui %scan3A_240, %rem3A_432 : i32
        %mul3A_434 = arith.constant 2000 : i32
        %mul3A_435 = arith.muli %rem3A_433, %mul3A_434 : i32
        %rem3A_436 = arith.constant 2 : i32
        %rem3A_437 = arith.remui %scan3A_242, %rem3A_436 : i32
        %mul3A_438 = arith.constant 2000 : i32
        %mul3A_439 = arith.muli %rem3A_437, %mul3A_438 : i32
        %rem3A_440 = arith.constant 2 : i32
        %rem3A_441 = arith.remui %scan3A_244, %rem3A_440 : i32
        %mul3A_442 = arith.constant 2000 : i32
        %mul3A_443 = arith.muli %rem3A_441, %mul3A_442 : i32
        %rem3A_444 = arith.constant 2 : i32
        %rem3A_445 = arith.remui %scan3A_246, %rem3A_444 : i32
        %mul3A_446 = arith.constant 2000 : i32
        %mul3A_447 = arith.muli %rem3A_445, %mul3A_446 : i32
        %rem3A_448 = arith.constant 2 : i32
        %rem3A_449 = arith.remui %scan3A_248, %rem3A_448 : i32
        %mul3A_450 = arith.constant 2000 : i32
        %mul3A_451 = arith.muli %rem3A_449, %mul3A_450 : i32
        %rem3A_452 = arith.constant 2 : i32
        %rem3A_453 = arith.remui %scan3A_250, %rem3A_452 : i32
        %mul3A_454 = arith.constant 2000 : i32
        %mul3A_455 = arith.muli %rem3A_453, %mul3A_454 : i32
        %rem3A_456 = arith.constant 2 : i32
        %rem3A_457 = arith.remui %scan3A_251, %rem3A_456 : i32
        %mul3A_458 = arith.constant 2000 : i32
        %mul3A_459 = arith.muli %rem3A_457, %mul3A_458 : i32
        "tpu.trace_start"() <{level = 10 : i32, message = "ep_run_kernel"}> : () -> ()
        %scan3A_460 = arith.constant 0 : i32
        %scan3A_461 = arith.constant 125 : i32
        %scan3A_462 = arith.addi %scan3A_460, %scan3A_461 : i32
        %scan3A_463 = arith.constant 1 : i32
        scf.for %scan3A_661 = %scan3A_460 to %scan3A_462 step %scan3A_463  : i32 {
          %mul3A_662 = arith.constant 16 : i32
          %mul3A_663 = arith.muli %scan3A_661, %mul3A_662 : i32
          %add3A_664 = arith.constant 0 : i32
          %add3A_665 = arith.addi %add3A_664, %mul3A_663 : i32
          %get3A_666 = tpu.memref_slice %run_scoped3A[%mul3A_435] : memref<4000xf32, #tpu.memory_space<vmem>> -> memref<2000xf32, #tpu.memory_space<vmem>>
          %get3A_667 = arith.index_cast %add3A_665 : i32 to index
          %get3A_668 = tpu.vector_load %get3A_666[%get3A_667] {strides = array<i32>} : memref<2000xf32, #tpu.memory_space<vmem>>, vector<16xf32>,
          %get3A_669 = tpu.memref_slice %run_scoped3A_13[%mul3A_439] : memref<4000xf32, #tpu.memory_space<vmem>> -> memref<2000xf32, #tpu.memory_space<vmem>>
          %get3A_670 = arith.index_cast %add3A_665 : i32 to index
          %get3A_671 = tpu.vector_load %get3A_669[%get3A_670] {strides = array<i32>} : memref<2000xf32, #tpu.memory_space<vmem>>, vector<16xf32>,
          %get3A_672 = tpu.memref_slice %run_scoped3A_15[%mul3A_443] : memref<4000xf32, #tpu.memory_space<vmem>> -> memref<2000xf32, #tpu.memory_space<vmem>>
          %get3A_673 = arith.index_cast %add3A_665 : i32 to index
          %get3A_674 = tpu.vector_load %get3A_672[%get3A_673] {strides = array<i32>} : memref<2000xf32, #tpu.memory_space<vmem>>, vector<16xf32>,
          %get3A_675 = tpu.memref_slice %run_scoped3A_17[%mul3A_447] : memref<4000xi32, #tpu.memory_space<vmem>> -> memref<2000xi32, #tpu.memory_space<vmem>>
          %get3A_676 = arith.index_cast %add3A_665 : i32 to index
          %get3A_677 = tpu.vector_load %get3A_675[%get3A_676] {strides = array<i32>} : memref<2000xi32, #tpu.memory_space<vmem>>, vector<16xi32>,
          %gather3A = tpu.vector_load_idx %arg11[%get3A_677] : memref<50000xf32, #tpu.memory_space<vmem>>[vector<16xi32>], vector<16xf32>,
          %get3A_678 = tpu.memref_slice %run_scoped3A_19[%mul3A_451] : memref<4000xi32, #tpu.memory_space<vmem>> -> memref<2000xi32, #tpu.memory_space<vmem>>
          %get3A_679 = arith.index_cast %add3A_665 : i32 to index
          %get3A_680 = tpu.vector_load %get3A_678[%get3A_679] {strides = array<i32>} : memref<2000xi32, #tpu.memory_space<vmem>>, vector<16xi32>,
          %gather3A_681 = tpu.vector_load_idx %arg11[%get3A_680] : memref<50000xf32, #tpu.memory_space<vmem>>[vector<16xi32>], vector<16xf32>,
          %get3A_682 = tpu.memref_slice %run_scoped3A_21[%mul3A_455] : memref<4000xi32, #tpu.memory_space<vmem>> -> memref<2000xi32, #tpu.memory_space<vmem>>
          %get3A_683 = arith.index_cast %add3A_665 : i32 to index
          %get3A_684 = tpu.vector_load %get3A_682[%get3A_683] {strides = array<i32>} : memref<2000xi32, #tpu.memory_space<vmem>>, vector<16xi32>,
          %gather3A_685 = tpu.vector_load_idx %arg11[%get3A_684] : memref<50000xf32, #tpu.memory_space<vmem>>[vector<16xi32>], vector<16xf32>,
          %mul3A_686 = arith.mulf %get3A_671, %get3A_0 : vector<16xf32>
          %exp3A = math.exp %mul3A_686 : vector<16xf32>
          %mul3A_687 = arith.mulf %get3A_668, %exp3A : vector<16xf32>
          %mul3A_688 = arith.mulf %get3A_671, %get3A_2 : vector<16xf32>
          %add3A_689 = arith.addf %mul3A_687, %mul3A_688 : vector<16xf32>
          %mul3A_690 = arith.mulf %get3A_674, %get3A_4 : vector<16xf32>
          %add3A_691 = arith.addf %add3A_689, %mul3A_690 : vector<16xf32>
          %mul3A_692 = arith.mulf %gather3A, %gather3A_681 : vector<16xf32>
          %mul3A_693 = arith.mulf %mul3A_692, %gather3A_685 : vector<16xf32>
          %mul3A_694 = arith.mulf %add3A_691, %mul3A_693 : vector<16xf32>
          %swap3A = tpu.memref_slice %run_scoped3A_23[%mul3A_459] : memref<4000xf32, #tpu.memory_space<vmem>> -> memref<2000xf32, #tpu.memory_space<vmem>>
          %swap3A_695 = arith.index_cast %add3A_665 : i32 to index
          %swap3A_696 = tpu.vector_load %swap3A[%swap3A_695] {strides = array<i32>} : memref<2000xf32, #tpu.memory_space<vmem>>, vector<16xf32>,
          tpu.vector_store %swap3A[%swap3A_695], %mul3A_694 {strides = array<i32>} : memref<2000xf32, #tpu.memory_space<vmem>>, vector<16xf32>,
        }
        %scan3A_464 = arith.constant 125 : i32
        "tpu.trace_stop"() : () -> ()
        %ne3A_465 = arith.cmpi ne, %add3A_258, %add3A_276 : i32
        %or3A_466 = arith.constant false
        %or3A_467 = arith.ori %or3A_466, %ne3A_465 : i1
        %or3A_468 = arith.ori %or3A_467, %eq3A_257 : i1
        %convert_element_type3A_469 = arith.extui %or3A_468 : i1 to i32
        %cond3A_470 = arith.constant 0 : i32
        %cond3A_471 = arith.cmpi ne, %convert_element_type3A_469, %cond3A_470 : i32
        scf.if %cond3A_471 {
        } else {
        }
        %and3A_472 = arith.constant false
        %and3A_473 = arith.andi %or3A_468, %and3A_472 : i1
        %ne3A_474 = arith.cmpi ne, %add3A_258, %add3A_276 : i32
        %or3A_475 = arith.constant false
        %or3A_476 = arith.ori %or3A_475, %ne3A_474 : i1
        %or3A_477 = arith.ori %or3A_476, %eq3A_257 : i1
        %convert_element_type3A_478 = arith.extui %or3A_477 : i1 to i32
        %cond3A_479 = arith.constant 0 : i32
        %cond3A_480 = arith.cmpi ne, %convert_element_type3A_478, %cond3A_479 : i32
        scf.if %cond3A_480 {
        } else {
        }
        %and3A_481 = arith.constant false
        %and3A_482 = arith.andi %or3A_477, %and3A_481 : i1
        %ne3A_483 = arith.cmpi ne, %add3A_258, %add3A_276 : i32
        %or3A_484 = arith.constant false
        %or3A_485 = arith.ori %or3A_484, %ne3A_483 : i1
        %or3A_486 = arith.ori %or3A_485, %eq3A_257 : i1
        %convert_element_type3A_487 = arith.extui %or3A_486 : i1 to i32
        %cond3A_488 = arith.constant 0 : i32
        %cond3A_489 = arith.cmpi ne, %convert_element_type3A_487, %cond3A_488 : i32
        scf.if %cond3A_489 {
        } else {
        }
        %and3A_490 = arith.constant false
        %and3A_491 = arith.andi %or3A_486, %and3A_490 : i1
        %ne3A_492 = arith.cmpi ne, %add3A_258, %add3A_276 : i32
        %or3A_493 = arith.constant false
        %or3A_494 = arith.ori %or3A_493, %ne3A_492 : i1
        %or3A_495 = arith.ori %or3A_494, %eq3A_257 : i1
        %convert_element_type3A_496 = arith.extui %or3A_495 : i1 to i32
        %cond3A_497 = arith.constant 0 : i32
        %cond3A_498 = arith.cmpi ne, %convert_element_type3A_496, %cond3A_497 : i32
        scf.if %cond3A_498 {
        } else {
        }
        %and3A_499 = arith.constant false
        %and3A_500 = arith.andi %or3A_495, %and3A_499 : i1
        %ne3A_501 = arith.cmpi ne, %add3A_258, %add3A_276 : i32
        %or3A_502 = arith.constant false
        %or3A_503 = arith.ori %or3A_502, %ne3A_501 : i1
        %or3A_504 = arith.ori %or3A_503, %eq3A_257 : i1
        %convert_element_type3A_505 = arith.extui %or3A_504 : i1 to i32
        %cond3A_506 = arith.constant 0 : i32
        %cond3A_507 = arith.cmpi ne, %convert_element_type3A_505, %cond3A_506 : i32
        scf.if %cond3A_507 {
        } else {
        }
        %and3A_508 = arith.constant false
        %and3A_509 = arith.andi %or3A_504, %and3A_508 : i1
        %ne3A_510 = arith.cmpi ne, %add3A_258, %add3A_276 : i32
        %or3A_511 = arith.constant false
        %or3A_512 = arith.ori %or3A_511, %ne3A_510 : i1
        %or3A_513 = arith.ori %or3A_512, %eq3A_257 : i1
        %convert_element_type3A_514 = arith.extui %or3A_513 : i1 to i32
        %cond3A_515 = arith.constant 0 : i32
        %cond3A_516 = arith.cmpi ne, %convert_element_type3A_514, %cond3A_515 : i32
        scf.if %cond3A_516 {
        } else {
        }
        %and3A_517 = arith.constant false
        %and3A_518 = arith.andi %or3A_513, %and3A_517 : i1
        %ne3A_519 = arith.cmpi ne, %add3A_258, %add3A_276 : i32
        %or3A_520 = arith.constant false
        %or3A_521 = arith.ori %or3A_520, %ne3A_519 : i1
        %or3A_522 = arith.ori %or3A_521, %eq3A_257 : i1
        %convert_element_type3A_523 = arith.extui %or3A_522 : i1 to i32
        %cond3A_524 = arith.constant 0 : i32
        %cond3A_525 = arith.cmpi ne, %convert_element_type3A_523, %cond3A_524 : i32
        scf.if %cond3A_525 {
          "tpu.trace_start"() <{level = 10 : i32, message = "ep_copy_out"}> : () -> ()
          %rem3A_661 = arith.constant 2 : i32
          %rem3A_662 = arith.remui %scan3A_251, %rem3A_661 : i32
          %mul3A_663 = arith.constant 2000 : i32
          %mul3A_664 = arith.muli %mul3A_663, %add3A_258 : i32
          %mul3A_665 = arith.constant 2000 : i32
          %mul3A_666 = arith.muli %rem3A_662, %mul3A_665 : i32
          %add3A_667 = arith.constant 0 : i32
          %add3A_668 = arith.addi %mul3A_666, %add3A_667 : i32
          %dma_start3A_669 = tpu.memref_slice %run_scoped3A_23[%add3A_668] : memref<4000xf32, #tpu.memory_space<vmem>> -> memref<2000xf32, #tpu.memory_space<vmem>>
          %dma_start3A_670 = tpu.memref_slice %arg10[%mul3A_664] : memref<1600000xf32, #tpu.memory_space<hbm>> -> memref<2000xf32, #tpu.memory_space<hbm>>
          %dma_start3A_671 = tpu.memref_slice %run_scoped3A_24[%rem3A_662] : memref<2x!tpu.dma_semaphore, #tpu.memory_space<semaphore_mem>> -> memref<1x!tpu.dma_semaphore, #tpu.memory_space<semaphore_mem>>
          %dma_start3A_672 = tpu.memref_squeeze %dma_start3A_671 : memref<1x!tpu.dma_semaphore, #tpu.memory_space<semaphore_mem>> -> memref<!tpu.dma_semaphore, #tpu.memory_space<semaphore_mem>>
          %dma_start3A_673 = tpu.memref_slice %arg10[%mul3A_664] : memref<1600000xf32, #tpu.memory_space<hbm>> -> memref<2000xf32, #tpu.memory_space<hbm>>
          %dma_start3A_674 = tpu.memref_slice %run_scoped3A_23[%add3A_668] : memref<4000xf32, #tpu.memory_space<vmem>> -> memref<2000xf32, #tpu.memory_space<vmem>>
          tpu.enqueue_dma source(%dma_start3A_674 : memref<2000xf32, #tpu.memory_space<vmem>>) target(%dma_start3A_673 : memref<2000xf32, #tpu.memory_space<hbm>>) target_semaphore(%dma_start3A_672 : memref<!tpu.dma_semaphore, #tpu.memory_space<semaphore_mem>>)
          "tpu.trace_stop"() : () -> ()
        } else {
        }
        %and3A_526 = arith.constant true
        %and3A_527 = arith.andi %or3A_522, %and3A_526 : i1
        %add3A_528 = arith.constant 1 : i32
        %add3A_529 = arith.addi %scan3A_251, %add3A_528 : i32
        %select_n3A_530 = arith.select %and3A_527, %add3A_529, %scan3A_251 : i32
        %ne3A_531 = arith.cmpi ne, %add3A_258, %add3A_267 : i32
        %or3A_532 = arith.constant false
        %or3A_533 = arith.ori %or3A_532, %ne3A_531 : i1
        %not3A_534 = arith.constant true
        %not3A_535 = arith.xori %eq3A_255, %not3A_534 : i1
        %and3A_536 = arith.andi %or3A_533, %not3A_535 : i1
        %convert_element_type3A_537 = arith.extui %and3A_536 : i1 to i32
        %cond3A_538 = arith.constant 0 : i32
        %cond3A_539 = arith.cmpi ne, %convert_element_type3A_537, %cond3A_538 : i32
        scf.if %cond3A_539 {
        } else {
        }
        %and3A_540 = arith.constant false
        %and3A_541 = arith.andi %and3A_536, %and3A_540 : i1
        %ne3A_542 = arith.cmpi ne, %add3A_258, %add3A_267 : i32
        %or3A_543 = arith.constant false
        %or3A_544 = arith.ori %or3A_543, %ne3A_542 : i1
        %not3A_545 = arith.constant true
        %not3A_546 = arith.xori %eq3A_255, %not3A_545 : i1
        %and3A_547 = arith.andi %or3A_544, %not3A_546 : i1
        %convert_element_type3A_548 = arith.extui %and3A_547 : i1 to i32
        %cond3A_549 = arith.constant 0 : i32
        %cond3A_550 = arith.cmpi ne, %convert_element_type3A_548, %cond3A_549 : i32
        scf.if %cond3A_550 {
        } else {
        }
        %and3A_551 = arith.constant false
        %and3A_552 = arith.andi %and3A_547, %and3A_551 : i1
        %ne3A_553 = arith.cmpi ne, %add3A_258, %add3A_267 : i32
        %or3A_554 = arith.constant false
        %or3A_555 = arith.ori %or3A_554, %ne3A_553 : i1
        %not3A_556 = arith.constant true
        %not3A_557 = arith.xori %eq3A_255, %not3A_556 : i1
        %and3A_558 = arith.andi %or3A_555, %not3A_557 : i1
        %convert_element_type3A_559 = arith.extui %and3A_558 : i1 to i32
        %cond3A_560 = arith.constant 0 : i32
        %cond3A_561 = arith.cmpi ne, %convert_element_type3A_559, %cond3A_560 : i32
        scf.if %cond3A_561 {
        } else {
        }
        %and3A_562 = arith.constant false
        %and3A_563 = arith.andi %and3A_558, %and3A_562 : i1
        %ne3A_564 = arith.cmpi ne, %add3A_258, %add3A_267 : i32
        %or3A_565 = arith.constant false
        %or3A_566 = arith.ori %or3A_565, %ne3A_564 : i1
        %not3A_567 = arith.constant true
        %not3A_568 = arith.xori %eq3A_255, %not3A_567 : i1
        %and3A_569 = arith.andi %or3A_566, %not3A_568 : i1
        %convert_element_type3A_570 = arith.extui %and3A_569 : i1 to i32
        %cond3A_571 = arith.constant 0 : i32
        %cond3A_572 = arith.cmpi ne, %convert_element_type3A_570, %cond3A_571 : i32
        scf.if %cond3A_572 {
        } else {
        }
        %and3A_573 = arith.constant false
        %and3A_574 = arith.andi %and3A_569, %and3A_573 : i1
        %ne3A_575 = arith.cmpi ne, %add3A_258, %add3A_267 : i32
        %or3A_576 = arith.constant false
        %or3A_577 = arith.ori %or3A_576, %ne3A_575 : i1
        %not3A_578 = arith.constant true
        %not3A_579 = arith.xori %eq3A_255, %not3A_578 : i1
        %and3A_580 = arith.andi %or3A_577, %not3A_579 : i1
        %convert_element_type3A_581 = arith.extui %and3A_580 : i1 to i32
        %cond3A_582 = arith.constant 0 : i32
        %cond3A_583 = arith.cmpi ne, %convert_element_type3A_581, %cond3A_582 : i32
        scf.if %cond3A_583 {
        } else {
        }
        %and3A_584 = arith.constant false
        %and3A_585 = arith.andi %and3A_580, %and3A_584 : i1
        %ne3A_586 = arith.cmpi ne, %add3A_258, %add3A_267 : i32
        %or3A_587 = arith.constant false
        %or3A_588 = arith.ori %or3A_587, %ne3A_586 : i1
        %not3A_589 = arith.constant true
        %not3A_590 = arith.xori %eq3A_255, %not3A_589 : i1
        %and3A_591 = arith.andi %or3A_588, %not3A_590 : i1
        %convert_element_type3A_592 = arith.extui %and3A_591 : i1 to i32
        %cond3A_593 = arith.constant 0 : i32
        %cond3A_594 = arith.cmpi ne, %convert_element_type3A_592, %cond3A_593 : i32
        scf.if %cond3A_594 {
        } else {
        }
        %and3A_595 = arith.constant false
        %and3A_596 = arith.andi %and3A_591, %and3A_595 : i1
        %ne3A_597 = arith.cmpi ne, %add3A_258, %add3A_267 : i32
        %or3A_598 = arith.constant false
        %or3A_599 = arith.ori %or3A_598, %ne3A_597 : i1
        %not3A_600 = arith.constant true
        %not3A_601 = arith.xori %eq3A_255, %not3A_600 : i1
        %and3A_602 = arith.andi %or3A_599, %not3A_601 : i1
        %convert_element_type3A_603 = arith.extui %and3A_602 : i1 to i32
        %cond3A_604 = arith.constant 0 : i32
        %cond3A_605 = arith.cmpi ne, %convert_element_type3A_603, %cond3A_604 : i32
        scf.if %cond3A_605 {
          "tpu.trace_start"() <{level = 10 : i32, message = "ep_wait_out"}> : () -> ()
          %rem3A_661 = arith.constant 2 : i32
          %rem3A_662 = arith.remui %scan3A_252, %rem3A_661 : i32
          %mul3A_663 = arith.constant 2000 : i32
          %mul3A_664 = arith.muli %mul3A_663, %add3A_267 : i32
          %mul3A_665 = arith.constant 2000 : i32
          %mul3A_666 = arith.muli %rem3A_662, %mul3A_665 : i32
          %add3A_667 = arith.constant 0 : i32
          %add3A_668 = arith.addi %mul3A_666, %add3A_667 : i32
          %dma_wait3A_669 = tpu.memref_slice %run_scoped3A_23[%add3A_668] : memref<4000xf32, #tpu.memory_space<vmem>> -> memref<2000xf32, #tpu.memory_space<vmem>>
          %dma_wait3A_670 = tpu.memref_slice %arg10[%mul3A_664] : memref<1600000xf32, #tpu.memory_space<hbm>> -> memref<2000xf32, #tpu.memory_space<hbm>>
          %dma_wait3A_671 = tpu.memref_slice %run_scoped3A_24[%rem3A_662] : memref<2x!tpu.dma_semaphore, #tpu.memory_space<semaphore_mem>> -> memref<1x!tpu.dma_semaphore, #tpu.memory_space<semaphore_mem>>
          %dma_wait3A_672 = tpu.memref_squeeze %dma_wait3A_671 : memref<1x!tpu.dma_semaphore, #tpu.memory_space<semaphore_mem>> -> memref<!tpu.dma_semaphore, #tpu.memory_space<semaphore_mem>>
          %dma_wait3A_673 = tpu.memref_slice %arg10[%mul3A_664] : memref<1600000xf32, #tpu.memory_space<hbm>> -> memref<2000xf32, #tpu.memory_space<hbm>>
          %dma_wait3A_674 = tpu.memref_slice %run_scoped3A_23[%add3A_668] : memref<4000xf32, #tpu.memory_space<vmem>> -> memref<2000xf32, #tpu.memory_space<vmem>>
          tpu.wait_dma2 semaphore(%dma_wait3A_672 : memref<!tpu.dma_semaphore, #tpu.memory_space<semaphore_mem>>) src(%dma_wait3A_674 : memref<2000xf32, #tpu.memory_space<vmem>>) dst(%dma_wait3A_673 : memref<2000xf32, #tpu.memory_space<hbm>>)
          "tpu.trace_stop"() : () -> ()
        } else {
        }
        %and3A_606 = arith.constant true
        %and3A_607 = arith.andi %and3A_602, %and3A_606 : i1
        %add3A_608 = arith.constant 1 : i32
        %add3A_609 = arith.addi %scan3A_252, %add3A_608 : i32
        %select_n3A_610 = arith.select %and3A_607, %add3A_609, %scan3A_252 : i32
        %ne3A_611 = arith.cmpi ne, %add3A_258, %add3A_276 : i32
        %or3A_612 = arith.constant false
        %or3A_613 = arith.ori %or3A_612, %ne3A_611 : i1
        %or3A_614 = arith.ori %or3A_613, %eq3A_257 : i1
        %add3A_615 = arith.constant 1 : i32
        %add3A_616 = arith.addi %scan3A_240, %add3A_615 : i32
        %select_n3A_617 = arith.select %or3A_614, %add3A_616, %scan3A_240 : i32
        %ne3A_618 = arith.cmpi ne, %add3A_258, %add3A_276 : i32
        %or3A_619 = arith.constant false
        %or3A_620 = arith.ori %or3A_619, %ne3A_618 : i1
        %or3A_621 = arith.ori %or3A_620, %eq3A_257 : i1
        %add3A_622 = arith.constant 1 : i32
        %add3A_623 = arith.addi %scan3A_242, %add3A_622 : i32
        %select_n3A_624 = arith.select %or3A_621, %add3A_623, %scan3A_242 : i32
        %ne3A_625 = arith.cmpi ne, %add3A_258, %add3A_276 : i32
        %or3A_626 = arith.constant false
        %or3A_627 = arith.ori %or3A_626, %ne3A_625 : i1
        %or3A_628 = arith.ori %or3A_627, %eq3A_257 : i1
        %add3A_629 = arith.constant 1 : i32
        %add3A_630 = arith.addi %scan3A_244, %add3A_629 : i32
        %select_n3A_631 = arith.select %or3A_628, %add3A_630, %scan3A_244 : i32
        %ne3A_632 = arith.cmpi ne, %add3A_258, %add3A_276 : i32
        %or3A_633 = arith.constant false
        %or3A_634 = arith.ori %or3A_633, %ne3A_632 : i1
        %or3A_635 = arith.ori %or3A_634, %eq3A_257 : i1
        %add3A_636 = arith.constant 1 : i32
        %add3A_637 = arith.addi %scan3A_246, %add3A_636 : i32
        %select_n3A_638 = arith.select %or3A_635, %add3A_637, %scan3A_246 : i32
        %ne3A_639 = arith.cmpi ne, %add3A_258, %add3A_276 : i32
        %or3A_640 = arith.constant false
        %or3A_641 = arith.ori %or3A_640, %ne3A_639 : i1
        %or3A_642 = arith.ori %or3A_641, %eq3A_257 : i1
        %add3A_643 = arith.constant 1 : i32
        %add3A_644 = arith.addi %scan3A_248, %add3A_643 : i32
        %select_n3A_645 = arith.select %or3A_642, %add3A_644, %scan3A_248 : i32
        %ne3A_646 = arith.cmpi ne, %add3A_258, %add3A_276 : i32
        %or3A_647 = arith.constant false
        %or3A_648 = arith.ori %or3A_647, %ne3A_646 : i1
        %or3A_649 = arith.ori %or3A_648, %eq3A_257 : i1
        %add3A_650 = arith.constant 1 : i32
        %add3A_651 = arith.addi %scan3A_250, %add3A_650 : i32
        %select_n3A_652 = arith.select %or3A_649, %add3A_651, %scan3A_250 : i32
        %add3A_653 = arith.constant 1 : i32
        %add3A_654 = arith.addi %scan3A_253, %add3A_653 : i32
        %select_n3A_655 = arith.constant true
        %select_n3A_656 = arith.select %select_n3A_655, %add3A_654, %scan3A_253 : i32
        %eq3A_657 = arith.constant 25 : i32
        %eq3A_658 = arith.cmpi eq, %select_n3A_656, %eq3A_657 : i32
        %select_n3A_659 = arith.constant 0 : i32
        %select_n3A_660 = arith.select %eq3A_658, %select_n3A_659, %select_n3A_656 : i32
        scf.yield %select_n3A_294, %select_n3A_617, %select_n3A_310, %select_n3A_624, %select_n3A_326, %select_n3A_631, %select_n3A_342, %select_n3A_638, %select_n3A_358, %select_n3A_645, %select_n3A_374, %select_n3A_652, %select_n3A_530, %select_n3A_610, %select_n3A_660 : i32, i32, i32, i32, i32, i32, i32, i32, i32, i32, i32, i32, i32, i32, i32
      }
      %scan3A_189 = arith.constant 25 : i32
      %sub3A = arith.constant 1 : i32
      %sub3A_190 = arith.subi %scan3A_188#14, %sub3A : i32
      %select_n3A_191 = arith.constant true
      %select_n3A_192 = arith.select %select_n3A_191, %sub3A_190, %scan3A_188#14 : i32
      %eq3A_193 = arith.constant -1 : i32
      %eq3A_194 = arith.cmpi eq, %select_n3A_192, %eq3A_193 : i32
      %select_n3A_195 = arith.constant 24 : i32
      %select_n3A_196 = arith.select %eq3A_194, %select_n3A_195, %select_n3A_192 : i32
      %add3A_197 = arith.addi %select_n3A_196, %mul3A_11 : i32
      %sub3A_198 = arith.constant 1 : i32
      %sub3A_199 = arith.subi %select_n3A_196, %sub3A_198 : i32
      %select_n3A_200 = arith.constant true
      %select_n3A_201 = arith.select %select_n3A_200, %sub3A_199, %select_n3A_196 : i32
      %eq3A_202 = arith.constant -1 : i32
      %eq3A_203 = arith.cmpi eq, %select_n3A_201, %eq3A_202 : i32
      %select_n3A_204 = arith.constant 24 : i32
      %select_n3A_205 = arith.select %eq3A_203, %select_n3A_204, %select_n3A_201 : i32
      %add3A_206 = arith.addi %select_n3A_205, %mul3A_11 : i32
      %add3A_207 = arith.constant 1 : i32
      %add3A_208 = arith.addi %select_n3A_196, %add3A_207 : i32
      %select_n3A_209 = arith.constant true
      %select_n3A_210 = arith.select %select_n3A_209, %add3A_208, %select_n3A_196 : i32
      %eq3A_211 = arith.constant 25 : i32
      %eq3A_212 = arith.cmpi eq, %select_n3A_210, %eq3A_211 : i32
      %select_n3A_213 = arith.constant 0 : i32
      %select_n3A_214 = arith.select %eq3A_212, %select_n3A_213, %select_n3A_210 : i32
      %add3A_215 = arith.addi %select_n3A_214, %mul3A_11 : i32
      %add3A_216 = arith.constant 1 : i32
      %add3A_217 = arith.addi %select_n3A_214, %add3A_216 : i32
      %select_n3A_218 = arith.constant true
      %select_n3A_219 = arith.select %select_n3A_218, %add3A_217, %select_n3A_214 : i32
      %eq3A_220 = arith.constant 25 : i32
      %eq3A_221 = arith.cmpi eq, %select_n3A_219, %eq3A_220 : i32
      %select_n3A_222 = arith.constant 0 : i32
      %select_n3A_223 = arith.select %eq3A_221, %select_n3A_222, %select_n3A_219 : i32
      %add3A_224 = arith.addi %select_n3A_223, %mul3A_11 : i32
      "tpu.trace_start"() <{level = 10 : i32, message = "ep_finalize"}> : () -> ()
      %rem3A_225 = arith.constant 2 : i32
      %rem3A_226 = arith.remui %scan3A_188#13, %rem3A_225 : i32
      %mul3A_227 = arith.constant 2000 : i32
      %mul3A_228 = arith.muli %mul3A_227, %add3A_197 : i32
      %mul3A_229 = arith.constant 2000 : i32
      %mul3A_230 = arith.muli %rem3A_226, %mul3A_229 : i32
      %add3A_231 = arith.constant 0 : i32
      %add3A_232 = arith.addi %mul3A_230, %add3A_231 : i32
      %dma_wait3A = tpu.memref_slice %run_scoped3A_23[%add3A_232] : memref<4000xf32, #tpu.memory_space<vmem>> -> memref<2000xf32, #tpu.memory_space<vmem>>
      %dma_wait3A_233 = tpu.memref_slice %arg10[%mul3A_228] : memref<1600000xf32, #tpu.memory_space<hbm>> -> memref<2000xf32, #tpu.memory_space<hbm>>
      %dma_wait3A_234 = tpu.memref_slice %run_scoped3A_24[%rem3A_226] : memref<2x!tpu.dma_semaphore, #tpu.memory_space<semaphore_mem>> -> memref<1x!tpu.dma_semaphore, #tpu.memory_space<semaphore_mem>>
      %dma_wait3A_235 = tpu.memref_squeeze %dma_wait3A_234 : memref<1x!tpu.dma_semaphore, #tpu.memory_space<semaphore_mem>> -> memref<!tpu.dma_semaphore, #tpu.memory_space<semaphore_mem>>
      %dma_wait3A_236 = tpu.memref_slice %arg10[%mul3A_228] : memref<1600000xf32, #tpu.memory_space<hbm>> -> memref<2000xf32, #tpu.memory_space<hbm>>
      %dma_wait3A_237 = tpu.memref_slice %run_scoped3A_23[%add3A_232] : memref<4000xf32, #tpu.memory_space<vmem>> -> memref<2000xf32, #tpu.memory_space<vmem>>
      tpu.wait_dma2 semaphore(%dma_wait3A_235 : memref<!tpu.dma_semaphore, #tpu.memory_space<semaphore_mem>>) src(%dma_wait3A_237 : memref<2000xf32, #tpu.memory_space<vmem>>) dst(%dma_wait3A_236 : memref<2000xf32, #tpu.memory_space<hbm>>)
      "tpu.trace_stop"() : () -> ()
      tpu.yield
    }) : () -> ()
    return
  }
}

#map = affine_map<(d0, d1) -> (0)>
module attributes {stable_mosaic.version = 14 : i64} {
  func.func @_matvec_body(%arg0: i32, %arg1: i32, %arg2: memref<1600000xf32, #tpu.memory_space<hbm>>, %arg3: memref<6400000xi32, #tpu.memory_space<hbm>>, %arg4: memref<6400000xi32, #tpu.memory_space<hbm>>, %arg5: memref<6400000xf32, #tpu.memory_space<hbm>>, %arg6: memref<100352xf32, #tpu.memory_space<hbm>>, %arg7: memref<1600000xf32, #tpu.memory_space<vmem_shared>>, %arg8: memref<50176xf32, #tpu.memory_space<vmem_shared>>, %arg9: memref<3136xf32, #tpu.memory_space<vmem>>, %arg10: memref<2048xf32, #tpu.memory_space<vmem>>, %arg11: memref<5000xf32, #tpu.memory_space<vmem>>, %arg12: memref<!tpu.dma_semaphore, #tpu.memory_space<semaphore_mem>>, %arg13: memref<!tpu.dma_semaphore, #tpu.memory_space<semaphore_mem>>) attributes {dimension_semantics = [#tpu.dimension_semantics<core_parallel>, #tpu.dimension_semantics<subcore_parallel>], iteration_bounds = array<i64: 2, 16>, scalar_prefetch = 0 : i64, scratch_operands = 7 : i64, tpu.core_type = #tpu.core_type<sc_vector_subcore>, window_params = [{transform_indices = #map}, {transform_indices = #map}, {transform_indices = #map}, {transform_indices = #map}, {transform_indices = #map}]} {
    %scan3A = arith.constant 0 : i32
    %scan3A_0 = arith.constant 196 : i32
    %scan3A_1 = arith.addi %scan3A, %scan3A_0 : i32
    %scan3A_2 = arith.constant 1 : i32
    scf.for %scan3A_36 = %scan3A to %scan3A_1 step %scan3A_2  : i32 {
      %mul3A_37 = arith.constant 16 : i32
      %mul3A_38 = arith.muli %scan3A_36, %mul3A_37 : i32
      %add3A_39 = arith.constant 0 : i32
      %add3A_40 = arith.addi %add3A_39, %mul3A_38 : i32
      %broadcast_in_dim3A = arith.constant 0.000000e+00 : f32
      %broadcast_in_dim3A_41 = vector.broadcast %broadcast_in_dim3A : f32 to vector<16xf32>
      %swap3A = arith.index_cast %add3A_40 : i32 to index
      %swap3A_42 = tpu.vector_load %arg9[%swap3A] {strides = array<i32>} : memref<3136xf32, #tpu.memory_space<vmem>>, vector<16xf32>,
      tpu.vector_store %arg9[%swap3A], %broadcast_in_dim3A_41 {strides = array<i32>} : memref<3136xf32, #tpu.memory_space<vmem>>, vector<16xf32>,
    }
    %scan3A_3 = arith.constant 196 : i32
    %mul3A = arith.constant 3136 : i32
    %mul3A_4 = arith.muli %arg1, %mul3A : i32
    "tpu.region"() ({
      %run_scoped3A = tpu.sem_alloc : memref<!tpu.dma_semaphore, #tpu.memory_space<semaphore_mem>>
      %dma_start3A = tpu.memref_slice %arg8[%mul3A_4] : memref<50176xf32, #tpu.memory_space<vmem_shared>> -> memref<3136xf32, #tpu.memory_space<vmem_shared>>
      %dma_start3A_36 = tpu.memref_slice %arg8[%mul3A_4] : memref<50176xf32, #tpu.memory_space<vmem_shared>> -> memref<3136xf32, #tpu.memory_space<vmem_shared>>
      tpu.enqueue_dma source(%arg9 : memref<3136xf32, #tpu.memory_space<vmem>>) target(%dma_start3A_36 : memref<3136xf32, #tpu.memory_space<vmem_shared>>) target_semaphore(%run_scoped3A : memref<!tpu.dma_semaphore, #tpu.memory_space<semaphore_mem>>)
      %dma_wait3A = tpu.memref_slice %arg8[%mul3A_4] : memref<50176xf32, #tpu.memory_space<vmem_shared>> -> memref<3136xf32, #tpu.memory_space<vmem_shared>>
      %dma_wait3A_37 = tpu.memref_slice %arg8[%mul3A_4] : memref<50176xf32, #tpu.memory_space<vmem_shared>> -> memref<3136xf32, #tpu.memory_space<vmem_shared>>
      tpu.wait_dma2 semaphore(%run_scoped3A : memref<!tpu.dma_semaphore, #tpu.memory_space<semaphore_mem>>) src(%arg9 : memref<3136xf32, #tpu.memory_space<vmem>>) dst(%dma_wait3A_37 : memref<3136xf32, #tpu.memory_space<vmem_shared>>)
      tpu.yield
    }) : () -> ()
    %scan3A_5 = arith.constant 0 : i32
    %scan3A_6 = arith.constant 20 : i32
    %scan3A_7 = arith.addi %scan3A_5, %scan3A_6 : i32
    %scan3A_8 = arith.constant 1 : i32
    scf.for %scan3A_36 = %scan3A_5 to %scan3A_7 step %scan3A_8  : i32 {
      %mul3A_37 = arith.constant 1 : i32
      %mul3A_38 = arith.muli %scan3A_36, %mul3A_37 : i32
      %add3A_39 = arith.constant 0 : i32
      %add3A_40 = arith.addi %add3A_39, %mul3A_38 : i32
      %mul3A_41 = arith.constant 100000 : i32
      %mul3A_42 = arith.muli %arg1, %mul3A_41 : i32
      %mul3A_43 = arith.constant 5000 : i32
      %mul3A_44 = arith.muli %add3A_40, %mul3A_43 : i32
      %add3A_45 = arith.addi %mul3A_42, %mul3A_44 : i32
      "tpu.region"() ({
        %run_scoped3A = tpu.sem_alloc : memref<!tpu.dma_semaphore, #tpu.memory_space<semaphore_mem>>
        %dma_start3A = tpu.memref_slice %arg2[%add3A_45] : memref<1600000xf32, #tpu.memory_space<hbm>> -> memref<5000xf32, #tpu.memory_space<hbm>>
        %dma_start3A_46 = tpu.memref_slice %arg2[%add3A_45] : memref<1600000xf32, #tpu.memory_space<hbm>> -> memref<5000xf32, #tpu.memory_space<hbm>>
        tpu.enqueue_dma source(%dma_start3A_46 : memref<5000xf32, #tpu.memory_space<hbm>>) target(%arg11 : memref<5000xf32, #tpu.memory_space<vmem>>) target_semaphore(%run_scoped3A : memref<!tpu.dma_semaphore, #tpu.memory_space<semaphore_mem>>)
        %dma_wait3A = tpu.memref_slice %arg2[%add3A_45] : memref<1600000xf32, #tpu.memory_space<hbm>> -> memref<5000xf32, #tpu.memory_space<hbm>>
        %dma_wait3A_47 = tpu.memref_slice %arg2[%add3A_45] : memref<1600000xf32, #tpu.memory_space<hbm>> -> memref<5000xf32, #tpu.memory_space<hbm>>
        tpu.wait_dma2 semaphore(%run_scoped3A : memref<!tpu.dma_semaphore, #tpu.memory_space<semaphore_mem>>) src(%dma_wait3A_47 : memref<5000xf32, #tpu.memory_space<hbm>>) dst(%arg11 : memref<5000xf32, #tpu.memory_space<vmem>>)
        tpu.yield
      }) : () -> ()
      "tpu.region"() ({
        %run_scoped3A = tpu.sem_alloc : memref<!tpu.dma_semaphore, #tpu.memory_space<semaphore_mem>>
        %dma_start3A = tpu.memref_slice %arg7[%add3A_45] : memref<1600000xf32, #tpu.memory_space<vmem_shared>> -> memref<5000xf32, #tpu.memory_space<vmem_shared>>
        %dma_start3A_46 = tpu.memref_slice %arg7[%add3A_45] : memref<1600000xf32, #tpu.memory_space<vmem_shared>> -> memref<5000xf32, #tpu.memory_space<vmem_shared>>
        tpu.enqueue_dma source(%arg11 : memref<5000xf32, #tpu.memory_space<vmem>>) target(%dma_start3A_46 : memref<5000xf32, #tpu.memory_space<vmem_shared>>) target_semaphore(%run_scoped3A : memref<!tpu.dma_semaphore, #tpu.memory_space<semaphore_mem>>)
        %dma_wait3A = tpu.memref_slice %arg7[%add3A_45] : memref<1600000xf32, #tpu.memory_space<vmem_shared>> -> memref<5000xf32, #tpu.memory_space<vmem_shared>>
        %dma_wait3A_47 = tpu.memref_slice %arg7[%add3A_45] : memref<1600000xf32, #tpu.memory_space<vmem_shared>> -> memref<5000xf32, #tpu.memory_space<vmem_shared>>
        tpu.wait_dma2 semaphore(%run_scoped3A : memref<!tpu.dma_semaphore, #tpu.memory_space<semaphore_mem>>) src(%arg11 : memref<5000xf32, #tpu.memory_space<vmem>>) dst(%dma_wait3A_47 : memref<5000xf32, #tpu.memory_space<vmem_shared>>)
        tpu.yield
      }) : () -> ()
    }
    %scan3A_9 = arith.constant 20 : i32
    %barrier3A = arith.constant 0 : index
    tpu.barrier barrier_id(%barrier3A)
    %mul3A_10 = arith.constant 1 : i32
    %mul3A_11 = arith.muli %arg1, %mul3A_10 : i32
    %add3A = arith.constant 0 : i32
    %add3A_12 = arith.addi %add3A, %mul3A_11 : i32
    %mul3A_13 = arith.constant 16 : i32
    %mul3A_14 = arith.muli %arg0, %mul3A_13 : i32
    %add3A_15 = arith.addi %add3A_12, %mul3A_14 : i32
    %lt3A = arith.constant 21 : i32
    %lt3A_16 = arith.cmpi slt, %add3A_15, %lt3A : i32
    %jit3A = arith.constant 98 : i32
    %jit3A_17 = arith.constant 97 : i32
    %select_n3A = arith.select %lt3A_16, %jit3A, %jit3A_17 : i32
    %lt3A_18 = arith.constant 21 : i32
    %lt3A_19 = arith.cmpi slt, %add3A_15, %lt3A_18 : i32
    %mul3A_20 = arith.muli %add3A_15, %select_n3A : i32
    %mul3A_21 = arith.constant 97 : i32
    %mul3A_22 = arith.muli %add3A_15, %mul3A_21 : i32
    %add3A_23 = arith.constant 21 : i32
    %add3A_24 = arith.addi %mul3A_22, %add3A_23 : i32
    %select_n3A_25 = arith.select %lt3A_19, %mul3A_20, %add3A_24 : i32
    %mul3A_26 = arith.constant 1 : i32
    %mul3A_27 = arith.muli %mul3A_26, %select_n3A : i32
    "tpu.region"() ({
      %run_scoped3A = memref.alloca() : memref<4096xi32, #tpu.memory_space<vmem>>
      %run_scoped3A_36 = tpu.sem_alloc : memref<2x!tpu.dma_semaphore, #tpu.memory_space<semaphore_mem>>
      %run_scoped3A_37 = memref.alloca() : memref<4096xi32, #tpu.memory_space<vmem>>
      %run_scoped3A_38 = tpu.sem_alloc : memref<2x!tpu.dma_semaphore, #tpu.memory_space<semaphore_mem>>
      %run_scoped3A_39 = memref.alloca() : memref<4096xf32, #tpu.memory_space<vmem>>
      %run_scoped3A_40 = tpu.sem_alloc : memref<2x!tpu.dma_semaphore, #tpu.memory_space<semaphore_mem>>
      %gt3A = arith.constant 0 : i32
      %gt3A_41 = arith.cmpi sgt, %mul3A_27, %gt3A : i32
      %convert_element_type3A = arith.extui %gt3A_41 : i1 to i32
      %cond3A = arith.constant 0 : i32
      %cond3A_42 = arith.cmpi ne, %convert_element_type3A, %cond3A : i32
      scf.if %cond3A_42 {
        %mul3A_43 = arith.constant 1 : i32
        %mul3A_44 = arith.muli %mul3A_43, %select_n3A : i32
        %sub3A = arith.constant 1 : i32
        %sub3A_45 = arith.subi %mul3A_44, %sub3A : i32
        %eq3A = arith.constant 0 : i32
        %eq3A_46 = arith.cmpi eq, %sub3A_45, %eq3A : i32
        %add3A_47 = arith.constant 0 : i32
        %add3A_48 = arith.addi %add3A_47, %select_n3A_25 : i32
        %select_n3A_49 = arith.constant true
        %select_n3A_50 = arith.constant 0 : i32
        %select_n3A_51 = arith.constant -1 : i32
        %select_n3A_52 = arith.select %select_n3A_49, %select_n3A_51, %select_n3A_50 : i32
        %eq3A_53 = arith.constant -1 : i32
        %eq3A_54 = arith.cmpi eq, %select_n3A_52, %eq3A_53 : i32
        %sub3A_55 = arith.constant 1 : i32
        %sub3A_56 = arith.subi %select_n3A, %sub3A_55 : i32
        %select_n3A_57 = arith.select %eq3A_54, %sub3A_56, %select_n3A_52 : i32
        %add3A_58 = arith.addi %select_n3A_57, %select_n3A_25 : i32
        %select_n3A_59 = arith.constant true
        %select_n3A_60 = arith.constant 0 : i32
        %select_n3A_61 = arith.constant 1 : i32
        %select_n3A_62 = arith.select %select_n3A_59, %select_n3A_61, %select_n3A_60 : i32
        %eq3A_63 = arith.cmpi eq, %select_n3A_62, %select_n3A : i32
        %select_n3A_64 = arith.constant 0 : i32
        %select_n3A_65 = arith.select %eq3A_63, %select_n3A_64, %select_n3A_62 : i32
        %add3A_66 = arith.addi %select_n3A_65, %select_n3A_25 : i32
        %add3A_67 = arith.constant 1 : i32
        %add3A_68 = arith.addi %select_n3A_65, %add3A_67 : i32
        %select_n3A_69 = arith.constant true
        %select_n3A_70 = arith.select %select_n3A_69, %add3A_68, %select_n3A_65 : i32
        %eq3A_71 = arith.cmpi eq, %select_n3A_70, %select_n3A : i32
        %select_n3A_72 = arith.constant 0 : i32
        %select_n3A_73 = arith.select %eq3A_71, %select_n3A_72, %select_n3A_70 : i32
        %add3A_74 = arith.addi %select_n3A_73, %select_n3A_25 : i32
        "tpu.trace_start"() <{level = 10 : i32, message = "ep_initialize_0"}> : () -> ()
        %rem3A = arith.constant 0 : i32
        %rem3A_75 = arith.constant 2 : i32
        %rem3A_76 = arith.remui %rem3A, %rem3A_75 : i32
        %mul3A_77 = arith.constant 2048 : i32
        %mul3A_78 = arith.muli %mul3A_77, %add3A_48 : i32
        %mul3A_79 = arith.constant 2048 : i32
        %mul3A_80 = arith.muli %rem3A_76, %mul3A_79 : i32
        %add3A_81 = arith.constant 0 : i32
        %add3A_82 = arith.addi %mul3A_80, %add3A_81 : i32
        %dma_start3A = tpu.memref_slice %run_scoped3A[%add3A_82] : memref<4096xi32, #tpu.memory_space<vmem>> -> memref<2048xi32, #tpu.memory_space<vmem>>
        %dma_start3A_83 = tpu.memref_slice %arg3[%mul3A_78] : memref<6400000xi32, #tpu.memory_space<hbm>> -> memref<2048xi32, #tpu.memory_space<hbm>>
        %dma_start3A_84 = tpu.memref_slice %run_scoped3A_36[%rem3A_76] : memref<2x!tpu.dma_semaphore, #tpu.memory_space<semaphore_mem>> -> memref<1x!tpu.dma_semaphore, #tpu.memory_space<semaphore_mem>>
        %dma_start3A_85 = tpu.memref_squeeze %dma_start3A_84 : memref<1x!tpu.dma_semaphore, #tpu.memory_space<semaphore_mem>> -> memref<!tpu.dma_semaphore, #tpu.memory_space<semaphore_mem>>
        %dma_start3A_86 = tpu.memref_slice %run_scoped3A[%add3A_82] : memref<4096xi32, #tpu.memory_space<vmem>> -> memref<2048xi32, #tpu.memory_space<vmem>>
        %dma_start3A_87 = tpu.memref_slice %arg3[%mul3A_78] : memref<6400000xi32, #tpu.memory_space<hbm>> -> memref<2048xi32, #tpu.memory_space<hbm>>
        tpu.enqueue_dma source(%dma_start3A_87 : memref<2048xi32, #tpu.memory_space<hbm>>) target(%dma_start3A_86 : memref<2048xi32, #tpu.memory_space<vmem>>) target_semaphore(%dma_start3A_85 : memref<!tpu.dma_semaphore, #tpu.memory_space<semaphore_mem>>)
        %add3A_88 = arith.constant 0 : i32
        %add3A_89 = arith.constant 1 : i32
        %add3A_90 = arith.addi %add3A_88, %add3A_89 : i32
        %select_n3A_91 = arith.constant true
        %select_n3A_92 = arith.constant 0 : i32
        %select_n3A_93 = arith.select %select_n3A_91, %add3A_90, %select_n3A_92 : i32
        %rem3A_94 = arith.constant 0 : i32
        %rem3A_95 = arith.constant 2 : i32
        %rem3A_96 = arith.remui %rem3A_94, %rem3A_95 : i32
        %mul3A_97 = arith.constant 2048 : i32
        %mul3A_98 = arith.muli %mul3A_97, %add3A_48 : i32
        %mul3A_99 = arith.constant 2048 : i32
        %mul3A_100 = arith.muli %rem3A_96, %mul3A_99 : i32
        %add3A_101 = arith.constant 0 : i32
        %add3A_102 = arith.addi %mul3A_100, %add3A_101 : i32
        %dma_start3A_103 = tpu.memref_slice %run_scoped3A_37[%add3A_102] : memref<4096xi32, #tpu.memory_space<vmem>> -> memref<2048xi32, #tpu.memory_space<vmem>>
        %dma_start3A_104 = tpu.memref_slice %arg4[%mul3A_98] : memref<6400000xi32, #tpu.memory_space<hbm>> -> memref<2048xi32, #tpu.memory_space<hbm>>
        %dma_start3A_105 = tpu.memref_slice %run_scoped3A_38[%rem3A_96] : memref<2x!tpu.dma_semaphore, #tpu.memory_space<semaphore_mem>> -> memref<1x!tpu.dma_semaphore, #tpu.memory_space<semaphore_mem>>
        %dma_start3A_106 = tpu.memref_squeeze %dma_start3A_105 : memref<1x!tpu.dma_semaphore, #tpu.memory_space<semaphore_mem>> -> memref<!tpu.dma_semaphore, #tpu.memory_space<semaphore_mem>>
        %dma_start3A_107 = tpu.memref_slice %run_scoped3A_37[%add3A_102] : memref<4096xi32, #tpu.memory_space<vmem>> -> memref<2048xi32, #tpu.memory_space<vmem>>
        %dma_start3A_108 = tpu.memref_slice %arg4[%mul3A_98] : memref<6400000xi32, #tpu.memory_space<hbm>> -> memref<2048xi32, #tpu.memory_space<hbm>>
        tpu.enqueue_dma source(%dma_start3A_108 : memref<2048xi32, #tpu.memory_space<hbm>>) target(%dma_start3A_107 : memref<2048xi32, #tpu.memory_space<vmem>>) target_semaphore(%dma_start3A_106 : memref<!tpu.dma_semaphore, #tpu.memory_space<semaphore_mem>>)
        %add3A_109 = arith.constant 0 : i32
        %add3A_110 = arith.constant 1 : i32
        %add3A_111 = arith.addi %add3A_109, %add3A_110 : i32
        %select_n3A_112 = arith.constant true
        %select_n3A_113 = arith.constant 0 : i32
        %select_n3A_114 = arith.select %select_n3A_112, %add3A_111, %select_n3A_113 : i32
        %rem3A_115 = arith.constant 0 : i32
        %rem3A_116 = arith.constant 2 : i32
        %rem3A_117 = arith.remui %rem3A_115, %rem3A_116 : i32
        %mul3A_118 = arith.constant 2048 : i32
        %mul3A_119 = arith.muli %mul3A_118, %add3A_48 : i32
        %mul3A_120 = arith.constant 2048 : i32
        %mul3A_121 = arith.muli %rem3A_117, %mul3A_120 : i32
        %add3A_122 = arith.constant 0 : i32
        %add3A_123 = arith.addi %mul3A_121, %add3A_122 : i32
        %dma_start3A_124 = tpu.memref_slice %run_scoped3A_39[%add3A_123] : memref<4096xf32, #tpu.memory_space<vmem>> -> memref<2048xf32, #tpu.memory_space<vmem>>
        %dma_start3A_125 = tpu.memref_slice %arg5[%mul3A_119] : memref<6400000xf32, #tpu.memory_space<hbm>> -> memref<2048xf32, #tpu.memory_space<hbm>>
        %dma_start3A_126 = tpu.memref_slice %run_scoped3A_40[%rem3A_117] : memref<2x!tpu.dma_semaphore, #tpu.memory_space<semaphore_mem>> -> memref<1x!tpu.dma_semaphore, #tpu.memory_space<semaphore_mem>>
        %dma_start3A_127 = tpu.memref_squeeze %dma_start3A_126 : memref<1x!tpu.dma_semaphore, #tpu.memory_space<semaphore_mem>> -> memref<!tpu.dma_semaphore, #tpu.memory_space<semaphore_mem>>
        %dma_start3A_128 = tpu.memref_slice %run_scoped3A_39[%add3A_123] : memref<4096xf32, #tpu.memory_space<vmem>> -> memref<2048xf32, #tpu.memory_space<vmem>>
        %dma_start3A_129 = tpu.memref_slice %arg5[%mul3A_119] : memref<6400000xf32, #tpu.memory_space<hbm>> -> memref<2048xf32, #tpu.memory_space<hbm>>
        tpu.enqueue_dma source(%dma_start3A_129 : memref<2048xf32, #tpu.memory_space<hbm>>) target(%dma_start3A_128 : memref<2048xf32, #tpu.memory_space<vmem>>) target_semaphore(%dma_start3A_127 : memref<!tpu.dma_semaphore, #tpu.memory_space<semaphore_mem>>)
        %add3A_130 = arith.constant 0 : i32
        %add3A_131 = arith.constant 1 : i32
        %add3A_132 = arith.addi %add3A_130, %add3A_131 : i32
        %select_n3A_133 = arith.constant true
        %select_n3A_134 = arith.constant 0 : i32
        %select_n3A_135 = arith.select %select_n3A_133, %add3A_132, %select_n3A_134 : i32
        %while3A = arith.constant 0 : i32
        %while3A_136 = arith.constant 0 : i32
        %while3A_137 = arith.constant 0 : i32
        %while3A_138 = arith.constant 0 : i32
        %while3A_139 = arith.constant 0 : i32
        "tpu.trace_stop"() : () -> ()
        %while3A_140 = arith.subi %mul3A_27, %while3A : i32
        %while3A_141 = arith.addi %while3A, %while3A_140 : i32
        %while3A_142 = arith.constant 1 : i32
        %while3A_143 = arith.divsi %while3A_140, %while3A_142 : i32
        %while3A_144 = arith.muli %while3A_143, %while3A_142 : i32
        %while3A_145 = arith.addi %while3A, %while3A_144 : i32
        %while3A_146 = arith.constant 1 : i32
        %while3A_147:7 = scf.for %while3A_204 = %while3A to %while3A_145 step %while3A_146 iter_args(%while3A_205 = %select_n3A_93, %while3A_206 = %while3A_136, %while3A_207 = %select_n3A_114, %while3A_208 = %while3A_137, %while3A_209 = %select_n3A_135, %while3A_210 = %while3A_138, %while3A_211 = %while3A_139) -> (i32, i32, i32, i32, i32, i32, i32)  : i32 {
          %mul3A_212 = arith.constant 1 : i32
          %mul3A_213 = arith.muli %mul3A_212, %select_n3A : i32
          %eq3A_214 = arith.constant 0 : i32
          %eq3A_215 = arith.cmpi eq, %while3A_204, %eq3A_214 : i32
          %sub3A_216 = arith.constant 1 : i32
          %sub3A_217 = arith.subi %mul3A_213, %sub3A_216 : i32
          %eq3A_218 = arith.cmpi eq, %while3A_204, %sub3A_217 : i32
          %add3A_219 = arith.addi %while3A_211, %select_n3A_25 : i32
          %sub3A_220 = arith.constant 1 : i32
          %sub3A_221 = arith.subi %while3A_211, %sub3A_220 : i32
          %select_n3A_222 = arith.constant true
          %select_n3A_223 = arith.select %select_n3A_222, %sub3A_221, %while3A_211 : i32
          %eq3A_224 = arith.constant -1 : i32
          %eq3A_225 = arith.cmpi eq, %select_n3A_223, %eq3A_224 : i32
          %sub3A_226 = arith.constant 1 : i32
          %sub3A_227 = arith.subi %select_n3A, %sub3A_226 : i32
          %select_n3A_228 = arith.select %eq3A_225, %sub3A_227, %select_n3A_223 : i32
          %add3A_229 = arith.addi %select_n3A_228, %select_n3A_25 : i32
          %add3A_230 = arith.constant 1 : i32
          %add3A_231 = arith.addi %while3A_211, %add3A_230 : i32
          %select_n3A_232 = arith.constant true
          %select_n3A_233 = arith.select %select_n3A_232, %add3A_231, %while3A_211 : i32
          %eq3A_234 = arith.cmpi eq, %select_n3A_233, %select_n3A : i32
          %select_n3A_235 = arith.constant 0 : i32
          %select_n3A_236 = arith.select %eq3A_234, %select_n3A_235, %select_n3A_233 : i32
          %add3A_237 = arith.addi %select_n3A_236, %select_n3A_25 : i32
          %add3A_238 = arith.constant 1 : i32
          %add3A_239 = arith.addi %select_n3A_236, %add3A_238 : i32
          %select_n3A_240 = arith.constant true
          %select_n3A_241 = arith.select %select_n3A_240, %add3A_239, %select_n3A_236 : i32
          %eq3A_242 = arith.cmpi eq, %select_n3A_241, %select_n3A : i32
          %select_n3A_243 = arith.constant 0 : i32
          %select_n3A_244 = arith.select %eq3A_242, %select_n3A_243, %select_n3A_241 : i32
          %add3A_245 = arith.addi %select_n3A_244, %select_n3A_25 : i32
          %ne3A = arith.cmpi ne, %add3A_219, %add3A_237 : i32
          %or3A = arith.constant false
          %or3A_246 = arith.ori %or3A, %ne3A : i1
          %sub3A_247 = arith.constant 2 : i32
          %sub3A_248 = arith.subi %mul3A_213, %sub3A_247 : i32
          %add3A_249 = arith.constant 1 : i32
          %add3A_250 = arith.addi %sub3A_248, %add3A_249 : i32
          %ge3A = arith.cmpi sge, %while3A_204, %add3A_250 : i32
          %not3A = arith.constant true
          %not3A_251 = arith.xori %ge3A, %not3A : i1
          %and3A = arith.andi %or3A_246, %not3A_251 : i1
          %convert_element_type3A_252 = arith.extui %and3A : i1 to i32
          %cond3A_253 = arith.constant 0 : i32
          %cond3A_254 = arith.cmpi ne, %convert_element_type3A_252, %cond3A_253 : i32
          scf.if %cond3A_254 {
            "tpu.trace_start"() <{level = 10 : i32, message = "ep_copy_in"}> : () -> ()
            %rem3A_444 = arith.constant 2 : i32
            %rem3A_445 = arith.remui %while3A_205, %rem3A_444 : i32
            %mul3A_446 = arith.constant 2048 : i32
            %mul3A_447 = arith.muli %mul3A_446, %add3A_237 : i32
            %mul3A_448 = arith.constant 2048 : i32
            %mul3A_449 = arith.muli %rem3A_445, %mul3A_448 : i32
            %add3A_450 = arith.constant 0 : i32
            %add3A_451 = arith.addi %mul3A_449, %add3A_450 : i32
            %dma_start3A_452 = tpu.memref_slice %run_scoped3A[%add3A_451] : memref<4096xi32, #tpu.memory_space<vmem>> -> memref<2048xi32, #tpu.memory_space<vmem>>
            %dma_start3A_453 = tpu.memref_slice %arg3[%mul3A_447] : memref<6400000xi32, #tpu.memory_space<hbm>> -> memref<2048xi32, #tpu.memory_space<hbm>>
            %dma_start3A_454 = tpu.memref_slice %run_scoped3A_36[%rem3A_445] : memref<2x!tpu.dma_semaphore, #tpu.memory_space<semaphore_mem>> -> memref<1x!tpu.dma_semaphore, #tpu.memory_space<semaphore_mem>>
            %dma_start3A_455 = tpu.memref_squeeze %dma_start3A_454 : memref<1x!tpu.dma_semaphore, #tpu.memory_space<semaphore_mem>> -> memref<!tpu.dma_semaphore, #tpu.memory_space<semaphore_mem>>
            %dma_start3A_456 = tpu.memref_slice %run_scoped3A[%add3A_451] : memref<4096xi32, #tpu.memory_space<vmem>> -> memref<2048xi32, #tpu.memory_space<vmem>>
            %dma_start3A_457 = tpu.memref_slice %arg3[%mul3A_447] : memref<6400000xi32, #tpu.memory_space<hbm>> -> memref<2048xi32, #tpu.memory_space<hbm>>
            tpu.enqueue_dma source(%dma_start3A_457 : memref<2048xi32, #tpu.memory_space<hbm>>) target(%dma_start3A_456 : memref<2048xi32, #tpu.memory_space<vmem>>) target_semaphore(%dma_start3A_455 : memref<!tpu.dma_semaphore, #tpu.memory_space<semaphore_mem>>)
            "tpu.trace_stop"() : () -> ()
          } else {
          }
          %and3A_255 = arith.constant true
          %and3A_256 = arith.andi %and3A, %and3A_255 : i1
          %add3A_257 = arith.constant 1 : i32
          %add3A_258 = arith.addi %while3A_205, %add3A_257 : i32
          %select_n3A_259 = arith.select %and3A_256, %add3A_258, %while3A_205 : i32
          %ne3A_260 = arith.cmpi ne, %add3A_219, %add3A_237 : i32
          %or3A_261 = arith.constant false
          %or3A_262 = arith.ori %or3A_261, %ne3A_260 : i1
          %sub3A_263 = arith.constant 2 : i32
          %sub3A_264 = arith.subi %mul3A_213, %sub3A_263 : i32
          %add3A_265 = arith.constant 1 : i32
          %add3A_266 = arith.addi %sub3A_264, %add3A_265 : i32
          %ge3A_267 = arith.cmpi sge, %while3A_204, %add3A_266 : i32
          %not3A_268 = arith.constant true
          %not3A_269 = arith.xori %ge3A_267, %not3A_268 : i1
          %and3A_270 = arith.andi %or3A_262, %not3A_269 : i1
          %convert_element_type3A_271 = arith.extui %and3A_270 : i1 to i32
          %cond3A_272 = arith.constant 0 : i32
          %cond3A_273 = arith.cmpi ne, %convert_element_type3A_271, %cond3A_272 : i32
          scf.if %cond3A_273 {
            "tpu.trace_start"() <{level = 10 : i32, message = "ep_copy_in"}> : () -> ()
            %rem3A_444 = arith.constant 2 : i32
            %rem3A_445 = arith.remui %while3A_207, %rem3A_444 : i32
            %mul3A_446 = arith.constant 2048 : i32
            %mul3A_447 = arith.muli %mul3A_446, %add3A_237 : i32
            %mul3A_448 = arith.constant 2048 : i32
            %mul3A_449 = arith.muli %rem3A_445, %mul3A_448 : i32
            %add3A_450 = arith.constant 0 : i32
            %add3A_451 = arith.addi %mul3A_449, %add3A_450 : i32
            %dma_start3A_452 = tpu.memref_slice %run_scoped3A_37[%add3A_451] : memref<4096xi32, #tpu.memory_space<vmem>> -> memref<2048xi32, #tpu.memory_space<vmem>>
            %dma_start3A_453 = tpu.memref_slice %arg4[%mul3A_447] : memref<6400000xi32, #tpu.memory_space<hbm>> -> memref<2048xi32, #tpu.memory_space<hbm>>
            %dma_start3A_454 = tpu.memref_slice %run_scoped3A_38[%rem3A_445] : memref<2x!tpu.dma_semaphore, #tpu.memory_space<semaphore_mem>> -> memref<1x!tpu.dma_semaphore, #tpu.memory_space<semaphore_mem>>
            %dma_start3A_455 = tpu.memref_squeeze %dma_start3A_454 : memref<1x!tpu.dma_semaphore, #tpu.memory_space<semaphore_mem>> -> memref<!tpu.dma_semaphore, #tpu.memory_space<semaphore_mem>>
            %dma_start3A_456 = tpu.memref_slice %run_scoped3A_37[%add3A_451] : memref<4096xi32, #tpu.memory_space<vmem>> -> memref<2048xi32, #tpu.memory_space<vmem>>
            %dma_start3A_457 = tpu.memref_slice %arg4[%mul3A_447] : memref<6400000xi32, #tpu.memory_space<hbm>> -> memref<2048xi32, #tpu.memory_space<hbm>>
            tpu.enqueue_dma source(%dma_start3A_457 : memref<2048xi32, #tpu.memory_space<hbm>>) target(%dma_start3A_456 : memref<2048xi32, #tpu.memory_space<vmem>>) target_semaphore(%dma_start3A_455 : memref<!tpu.dma_semaphore, #tpu.memory_space<semaphore_mem>>)
            "tpu.trace_stop"() : () -> ()
          } else {
          }
          %and3A_274 = arith.constant true
          %and3A_275 = arith.andi %and3A_270, %and3A_274 : i1
          %add3A_276 = arith.constant 1 : i32
          %add3A_277 = arith.addi %while3A_207, %add3A_276 : i32
          %select_n3A_278 = arith.select %and3A_275, %add3A_277, %while3A_207 : i32
          %ne3A_279 = arith.cmpi ne, %add3A_219, %add3A_237 : i32
          %or3A_280 = arith.constant false
          %or3A_281 = arith.ori %or3A_280, %ne3A_279 : i1
          %sub3A_282 = arith.constant 2 : i32
          %sub3A_283 = arith.subi %mul3A_213, %sub3A_282 : i32
          %add3A_284 = arith.constant 1 : i32
          %add3A_285 = arith.addi %sub3A_283, %add3A_284 : i32
          %ge3A_286 = arith.cmpi sge, %while3A_204, %add3A_285 : i32
          %not3A_287 = arith.constant true
          %not3A_288 = arith.xori %ge3A_286, %not3A_287 : i1
          %and3A_289 = arith.andi %or3A_281, %not3A_288 : i1
          %convert_element_type3A_290 = arith.extui %and3A_289 : i1 to i32
          %cond3A_291 = arith.constant 0 : i32
          %cond3A_292 = arith.cmpi ne, %convert_element_type3A_290, %cond3A_291 : i32
          scf.if %cond3A_292 {
            "tpu.trace_start"() <{level = 10 : i32, message = "ep_copy_in"}> : () -> ()
            %rem3A_444 = arith.constant 2 : i32
            %rem3A_445 = arith.remui %while3A_209, %rem3A_444 : i32
            %mul3A_446 = arith.constant 2048 : i32
            %mul3A_447 = arith.muli %mul3A_446, %add3A_237 : i32
            %mul3A_448 = arith.constant 2048 : i32
            %mul3A_449 = arith.muli %rem3A_445, %mul3A_448 : i32
            %add3A_450 = arith.constant 0 : i32
            %add3A_451 = arith.addi %mul3A_449, %add3A_450 : i32
            %dma_start3A_452 = tpu.memref_slice %run_scoped3A_39[%add3A_451] : memref<4096xf32, #tpu.memory_space<vmem>> -> memref<2048xf32, #tpu.memory_space<vmem>>
            %dma_start3A_453 = tpu.memref_slice %arg5[%mul3A_447] : memref<6400000xf32, #tpu.memory_space<hbm>> -> memref<2048xf32, #tpu.memory_space<hbm>>
            %dma_start3A_454 = tpu.memref_slice %run_scoped3A_40[%rem3A_445] : memref<2x!tpu.dma_semaphore, #tpu.memory_space<semaphore_mem>> -> memref<1x!tpu.dma_semaphore, #tpu.memory_space<semaphore_mem>>
            %dma_start3A_455 = tpu.memref_squeeze %dma_start3A_454 : memref<1x!tpu.dma_semaphore, #tpu.memory_space<semaphore_mem>> -> memref<!tpu.dma_semaphore, #tpu.memory_space<semaphore_mem>>
            %dma_start3A_456 = tpu.memref_slice %run_scoped3A_39[%add3A_451] : memref<4096xf32, #tpu.memory_space<vmem>> -> memref<2048xf32, #tpu.memory_space<vmem>>
            %dma_start3A_457 = tpu.memref_slice %arg5[%mul3A_447] : memref<6400000xf32, #tpu.memory_space<hbm>> -> memref<2048xf32, #tpu.memory_space<hbm>>
            tpu.enqueue_dma source(%dma_start3A_457 : memref<2048xf32, #tpu.memory_space<hbm>>) target(%dma_start3A_456 : memref<2048xf32, #tpu.memory_space<vmem>>) target_semaphore(%dma_start3A_455 : memref<!tpu.dma_semaphore, #tpu.memory_space<semaphore_mem>>)
            "tpu.trace_stop"() : () -> ()
          } else {
          }
          %and3A_293 = arith.constant true
          %and3A_294 = arith.andi %and3A_289, %and3A_293 : i1
          %add3A_295 = arith.constant 1 : i32
          %add3A_296 = arith.addi %while3A_209, %add3A_295 : i32
          %select_n3A_297 = arith.select %and3A_294, %add3A_296, %while3A_209 : i32
          %ne3A_298 = arith.cmpi ne, %add3A_219, %add3A_229 : i32
          %or3A_299 = arith.constant false
          %or3A_300 = arith.ori %or3A_299, %ne3A_298 : i1
          %or3A_301 = arith.ori %or3A_300, %eq3A_215 : i1
          %convert_element_type3A_302 = arith.extui %or3A_301 : i1 to i32
          %cond3A_303 = arith.constant 0 : i32
          %cond3A_304 = arith.cmpi ne, %convert_element_type3A_302, %cond3A_303 : i32
          scf.if %cond3A_304 {
            "tpu.trace_start"() <{level = 10 : i32, message = "ep_wait_in"}> : () -> ()
            %mul3A_444 = arith.constant 2048 : i32
            %mul3A_445 = arith.muli %mul3A_444, %add3A_219 : i32
            %rem3A_446 = arith.constant 2 : i32
            %rem3A_447 = arith.remui %while3A_206, %rem3A_446 : i32
            %mul3A_448 = arith.constant 2048 : i32
            %mul3A_449 = arith.muli %rem3A_447, %mul3A_448 : i32
            %add3A_450 = arith.constant 0 : i32
            %add3A_451 = arith.addi %mul3A_449, %add3A_450 : i32
            %dma_wait3A = tpu.memref_slice %run_scoped3A[%add3A_451] : memref<4096xi32, #tpu.memory_space<vmem>> -> memref<2048xi32, #tpu.memory_space<vmem>>
            %dma_wait3A_452 = tpu.memref_slice %arg3[%mul3A_445] : memref<6400000xi32, #tpu.memory_space<hbm>> -> memref<2048xi32, #tpu.memory_space<hbm>>
            %dma_wait3A_453 = tpu.memref_slice %run_scoped3A_36[%rem3A_447] : memref<2x!tpu.dma_semaphore, #tpu.memory_space<semaphore_mem>> -> memref<1x!tpu.dma_semaphore, #tpu.memory_space<semaphore_mem>>
            %dma_wait3A_454 = tpu.memref_squeeze %dma_wait3A_453 : memref<1x!tpu.dma_semaphore, #tpu.memory_space<semaphore_mem>> -> memref<!tpu.dma_semaphore, #tpu.memory_space<semaphore_mem>>
            %dma_wait3A_455 = tpu.memref_slice %run_scoped3A[%add3A_451] : memref<4096xi32, #tpu.memory_space<vmem>> -> memref<2048xi32, #tpu.memory_space<vmem>>
            %dma_wait3A_456 = tpu.memref_slice %arg3[%mul3A_445] : memref<6400000xi32, #tpu.memory_space<hbm>> -> memref<2048xi32, #tpu.memory_space<hbm>>
            tpu.wait_dma2 semaphore(%dma_wait3A_454 : memref<!tpu.dma_semaphore, #tpu.memory_space<semaphore_mem>>) src(%dma_wait3A_456 : memref<2048xi32, #tpu.memory_space<hbm>>) dst(%dma_wait3A_455 : memref<2048xi32, #tpu.memory_space<vmem>>)
            "tpu.trace_stop"() : () -> ()
          } else {
          }
          %ne3A_305 = arith.cmpi ne, %add3A_219, %add3A_229 : i32
          %or3A_306 = arith.constant false
          %or3A_307 = arith.ori %or3A_306, %ne3A_305 : i1
          %or3A_308 = arith.ori %or3A_307, %eq3A_215 : i1
          %convert_element_type3A_309 = arith.extui %or3A_308 : i1 to i32
          %cond3A_310 = arith.constant 0 : i32
          %cond3A_311 = arith.cmpi ne, %convert_element_type3A_309, %cond3A_310 : i32
          scf.if %cond3A_311 {
            "tpu.trace_start"() <{level = 10 : i32, message = "ep_wait_in"}> : () -> ()
            %mul3A_444 = arith.constant 2048 : i32
            %mul3A_445 = arith.muli %mul3A_444, %add3A_219 : i32
            %rem3A_446 = arith.constant 2 : i32
            %rem3A_447 = arith.remui %while3A_208, %rem3A_446 : i32
            %mul3A_448 = arith.constant 2048 : i32
            %mul3A_449 = arith.muli %rem3A_447, %mul3A_448 : i32
            %add3A_450 = arith.constant 0 : i32
            %add3A_451 = arith.addi %mul3A_449, %add3A_450 : i32
            %dma_wait3A = tpu.memref_slice %run_scoped3A_37[%add3A_451] : memref<4096xi32, #tpu.memory_space<vmem>> -> memref<2048xi32, #tpu.memory_space<vmem>>
            %dma_wait3A_452 = tpu.memref_slice %arg4[%mul3A_445] : memref<6400000xi32, #tpu.memory_space<hbm>> -> memref<2048xi32, #tpu.memory_space<hbm>>
            %dma_wait3A_453 = tpu.memref_slice %run_scoped3A_38[%rem3A_447] : memref<2x!tpu.dma_semaphore, #tpu.memory_space<semaphore_mem>> -> memref<1x!tpu.dma_semaphore, #tpu.memory_space<semaphore_mem>>
            %dma_wait3A_454 = tpu.memref_squeeze %dma_wait3A_453 : memref<1x!tpu.dma_semaphore, #tpu.memory_space<semaphore_mem>> -> memref<!tpu.dma_semaphore, #tpu.memory_space<semaphore_mem>>
            %dma_wait3A_455 = tpu.memref_slice %run_scoped3A_37[%add3A_451] : memref<4096xi32, #tpu.memory_space<vmem>> -> memref<2048xi32, #tpu.memory_space<vmem>>
            %dma_wait3A_456 = tpu.memref_slice %arg4[%mul3A_445] : memref<6400000xi32, #tpu.memory_space<hbm>> -> memref<2048xi32, #tpu.memory_space<hbm>>
            tpu.wait_dma2 semaphore(%dma_wait3A_454 : memref<!tpu.dma_semaphore, #tpu.memory_space<semaphore_mem>>) src(%dma_wait3A_456 : memref<2048xi32, #tpu.memory_space<hbm>>) dst(%dma_wait3A_455 : memref<2048xi32, #tpu.memory_space<vmem>>)
            "tpu.trace_stop"() : () -> ()
          } else {
          }
          %ne3A_312 = arith.cmpi ne, %add3A_219, %add3A_229 : i32
          %or3A_313 = arith.constant false
          %or3A_314 = arith.ori %or3A_313, %ne3A_312 : i1
          %or3A_315 = arith.ori %or3A_314, %eq3A_215 : i1
          %convert_element_type3A_316 = arith.extui %or3A_315 : i1 to i32
          %cond3A_317 = arith.constant 0 : i32
          %cond3A_318 = arith.cmpi ne, %convert_element_type3A_316, %cond3A_317 : i32
          scf.if %cond3A_318 {
            "tpu.trace_start"() <{level = 10 : i32, message = "ep_wait_in"}> : () -> ()
            %mul3A_444 = arith.constant 2048 : i32
            %mul3A_445 = arith.muli %mul3A_444, %add3A_219 : i32
            %rem3A_446 = arith.constant 2 : i32
            %rem3A_447 = arith.remui %while3A_210, %rem3A_446 : i32
            %mul3A_448 = arith.constant 2048 : i32
            %mul3A_449 = arith.muli %rem3A_447, %mul3A_448 : i32
            %add3A_450 = arith.constant 0 : i32
            %add3A_451 = arith.addi %mul3A_449, %add3A_450 : i32
            %dma_wait3A = tpu.memref_slice %run_scoped3A_39[%add3A_451] : memref<4096xf32, #tpu.memory_space<vmem>> -> memref<2048xf32, #tpu.memory_space<vmem>>
            %dma_wait3A_452 = tpu.memref_slice %arg5[%mul3A_445] : memref<6400000xf32, #tpu.memory_space<hbm>> -> memref<2048xf32, #tpu.memory_space<hbm>>
            %dma_wait3A_453 = tpu.memref_slice %run_scoped3A_40[%rem3A_447] : memref<2x!tpu.dma_semaphore, #tpu.memory_space<semaphore_mem>> -> memref<1x!tpu.dma_semaphore, #tpu.memory_space<semaphore_mem>>
            %dma_wait3A_454 = tpu.memref_squeeze %dma_wait3A_453 : memref<1x!tpu.dma_semaphore, #tpu.memory_space<semaphore_mem>> -> memref<!tpu.dma_semaphore, #tpu.memory_space<semaphore_mem>>
            %dma_wait3A_455 = tpu.memref_slice %run_scoped3A_39[%add3A_451] : memref<4096xf32, #tpu.memory_space<vmem>> -> memref<2048xf32, #tpu.memory_space<vmem>>
            %dma_wait3A_456 = tpu.memref_slice %arg5[%mul3A_445] : memref<6400000xf32, #tpu.memory_space<hbm>> -> memref<2048xf32, #tpu.memory_space<hbm>>
            tpu.wait_dma2 semaphore(%dma_wait3A_454 : memref<!tpu.dma_semaphore, #tpu.memory_space<semaphore_mem>>) src(%dma_wait3A_456 : memref<2048xf32, #tpu.memory_space<hbm>>) dst(%dma_wait3A_455 : memref<2048xf32, #tpu.memory_space<vmem>>)
            "tpu.trace_stop"() : () -> ()
          } else {
          }
          %rem3A_319 = arith.constant 2 : i32
          %rem3A_320 = arith.remui %while3A_206, %rem3A_319 : i32
          %mul3A_321 = arith.constant 2048 : i32
          %mul3A_322 = arith.muli %rem3A_320, %mul3A_321 : i32
          %rem3A_323 = arith.constant 2 : i32
          %rem3A_324 = arith.remui %while3A_208, %rem3A_323 : i32
          %mul3A_325 = arith.constant 2048 : i32
          %mul3A_326 = arith.muli %rem3A_324, %mul3A_325 : i32
          %rem3A_327 = arith.constant 2 : i32
          %rem3A_328 = arith.remui %while3A_210, %rem3A_327 : i32
          %mul3A_329 = arith.constant 2048 : i32
          %mul3A_330 = arith.muli %rem3A_328, %mul3A_329 : i32
          "tpu.trace_start"() <{level = 10 : i32, message = "ep_run_kernel"}> : () -> ()
          %scan3A_331 = arith.constant 0 : i32
          %scan3A_332 = arith.constant 16 : i32
          %scan3A_333 = arith.addi %scan3A_331, %scan3A_332 : i32
          %scan3A_334 = arith.constant 1 : i32
          scf.for %scan3A_444 = %scan3A_331 to %scan3A_333 step %scan3A_334  : i32 {
            %mul3A_445 = arith.constant 1 : i32
            %mul3A_446 = arith.muli %scan3A_444, %mul3A_445 : i32
            %add3A_447 = arith.constant 0 : i32
            %add3A_448 = arith.addi %add3A_447, %mul3A_446 : i32
            %mul3A_449 = arith.constant 128 : i32
            %mul3A_450 = arith.muli %add3A_448, %mul3A_449 : i32
            %mul3A_451 = arith.constant 128 : i32
            %mul3A_452 = arith.muli %add3A_448, %mul3A_451 : i32
            %dma_start3A_453 = tpu.memref_slice %arg10[%mul3A_452] : memref<2048xf32, #tpu.memory_space<vmem>> -> memref<128xf32, #tpu.memory_space<vmem>>
            %dma_start3A_454 = tpu.memref_slice %run_scoped3A_37[%mul3A_326] : memref<4096xi32, #tpu.memory_space<vmem>> -> memref<2048xi32, #tpu.memory_space<vmem>>
            %dma_start3A_455 = tpu.memref_slice %dma_start3A_454[%mul3A_450] : memref<2048xi32, #tpu.memory_space<vmem>> -> memref<128xi32, #tpu.memory_space<vmem>>
            %dma_start3A_456 = arith.constant 0 : i32
            %dma_start3A_457 = tpu.memref_slice %arg7[%dma_start3A_456] : memref<1600000xf32, #tpu.memory_space<vmem_shared>> -> memref<1600000xf32, #tpu.memory_space<vmem_shared>>
            tpu.enqueue_indirect_dma source(%dma_start3A_457 : memref<1600000xf32, #tpu.memory_space<vmem_shared>>) target(%dma_start3A_453 : memref<128xf32, #tpu.memory_space<vmem>>) offsets(%dma_start3A_455 : memref<128xi32, #tpu.memory_space<vmem>>) semaphore(%arg12 : memref<!tpu.dma_semaphore, #tpu.memory_space<semaphore_mem>>)
          }
          %scan3A_335 = arith.constant 16 : i32
          %scan3A_336 = arith.constant 0 : i32
          %scan3A_337 = arith.constant 16 : i32
          %scan3A_338 = arith.addi %scan3A_336, %scan3A_337 : i32
          %scan3A_339 = arith.constant 1 : i32
          scf.for %scan3A_444 = %scan3A_336 to %scan3A_338 step %scan3A_339  : i32 {
            %mul3A_445 = arith.constant 1 : i32
            %mul3A_446 = arith.muli %scan3A_444, %mul3A_445 : i32
            %add3A_447 = arith.constant 0 : i32
            %add3A_448 = arith.addi %add3A_447, %mul3A_446 : i32
            %mul3A_449 = arith.constant 128 : i32
            %mul3A_450 = arith.muli %add3A_448, %mul3A_449 : i32
            %mul3A_451 = arith.constant 128 : i32
            %mul3A_452 = arith.muli %add3A_448, %mul3A_451 : i32
            %dma_wait3A = tpu.memref_slice %arg10[%mul3A_452] : memref<2048xf32, #tpu.memory_space<vmem>> -> memref<128xf32, #tpu.memory_space<vmem>>
            %dma_wait3A_453 = tpu.memref_slice %run_scoped3A_37[%mul3A_326] : memref<4096xi32, #tpu.memory_space<vmem>> -> memref<2048xi32, #tpu.memory_space<vmem>>
            %dma_wait3A_454 = tpu.memref_slice %dma_wait3A_453[%mul3A_450] : memref<2048xi32, #tpu.memory_space<vmem>> -> memref<128xi32, #tpu.memory_space<vmem>>
            %dma_wait3A_455 = arith.constant 0 : i32
            %dma_wait3A_456 = tpu.memref_slice %arg7[%dma_wait3A_455] : memref<1600000xf32, #tpu.memory_space<vmem_shared>> -> memref<1600000xf32, #tpu.memory_space<vmem_shared>>
            tpu.wait_indirect_dma semaphore(%arg12 : memref<!tpu.dma_semaphore, #tpu.memory_space<semaphore_mem>>) src(%dma_wait3A_456 : memref<1600000xf32, #tpu.memory_space<vmem_shared>>) dst(%dma_wait3A : memref<128xf32, #tpu.memory_space<vmem>>)
          }
          %scan3A_340 = arith.constant 16 : i32
          %scan3A_341 = arith.constant 0 : i32
          %scan3A_342 = arith.constant 128 : i32
          %scan3A_343 = arith.addi %scan3A_341, %scan3A_342 : i32
          %scan3A_344 = arith.constant 1 : i32
          scf.for %scan3A_444 = %scan3A_341 to %scan3A_343 step %scan3A_344  : i32 {
            %mul3A_445 = arith.constant 16 : i32
            %mul3A_446 = arith.muli %scan3A_444, %mul3A_445 : i32
            %add3A_447 = arith.constant 0 : i32
            %add3A_448 = arith.addi %add3A_447, %mul3A_446 : i32
            %get3A = arith.index_cast %add3A_448 : i32 to index
            %get3A_449 = tpu.vector_load %arg10[%get3A] {strides = array<i32>} : memref<2048xf32, #tpu.memory_space<vmem>>, vector<16xf32>,
            %get3A_450 = tpu.memref_slice %run_scoped3A_39[%mul3A_330] : memref<4096xf32, #tpu.memory_space<vmem>> -> memref<2048xf32, #tpu.memory_space<vmem>>
            %get3A_451 = arith.index_cast %add3A_448 : i32 to index
            %get3A_452 = tpu.vector_load %get3A_450[%get3A_451] {strides = array<i32>} : memref<2048xf32, #tpu.memory_space<vmem>>, vector<16xf32>,
            %mul3A_453 = arith.mulf %get3A_449, %get3A_452 : vector<16xf32>
            %swap3A = arith.index_cast %add3A_448 : i32 to index
            %swap3A_454 = tpu.vector_load %arg10[%swap3A] {strides = array<i32>} : memref<2048xf32, #tpu.memory_space<vmem>>, vector<16xf32>,
            tpu.vector_store %arg10[%swap3A], %mul3A_453 {strides = array<i32>} : memref<2048xf32, #tpu.memory_space<vmem>>, vector<16xf32>,
          }
          %scan3A_345 = arith.constant 128 : i32
          %scan3A_346 = arith.constant 0 : i32
          %scan3A_347 = arith.constant 16 : i32
          %scan3A_348 = arith.addi %scan3A_346, %scan3A_347 : i32
          %scan3A_349 = arith.constant 1 : i32
          scf.for %scan3A_444 = %scan3A_346 to %scan3A_348 step %scan3A_349  : i32 {
            %mul3A_445 = arith.constant 1 : i32
            %mul3A_446 = arith.muli %scan3A_444, %mul3A_445 : i32
            %add3A_447 = arith.constant 0 : i32
            %add3A_448 = arith.addi %add3A_447, %mul3A_446 : i32
            %mul3A_449 = arith.constant 128 : i32
            %mul3A_450 = arith.muli %add3A_448, %mul3A_449 : i32
            %mul3A_451 = arith.constant 128 : i32
            %mul3A_452 = arith.muli %add3A_448, %mul3A_451 : i32
            %dma_start3A_453 = tpu.memref_slice %arg10[%mul3A_450] : memref<2048xf32, #tpu.memory_space<vmem>> -> memref<128xf32, #tpu.memory_space<vmem>>
            %dma_start3A_454 = tpu.memref_slice %run_scoped3A[%mul3A_322] : memref<4096xi32, #tpu.memory_space<vmem>> -> memref<2048xi32, #tpu.memory_space<vmem>>
            %dma_start3A_455 = tpu.memref_slice %dma_start3A_454[%mul3A_452] : memref<2048xi32, #tpu.memory_space<vmem>> -> memref<128xi32, #tpu.memory_space<vmem>>
            %dma_start3A_456 = arith.constant 0 : i32
            %dma_start3A_457 = tpu.memref_slice %arg8[%dma_start3A_456] : memref<50176xf32, #tpu.memory_space<vmem_shared>> -> memref<50176xf32, #tpu.memory_space<vmem_shared>>
            tpu.enqueue_indirect_dma source(%dma_start3A_453 : memref<128xf32, #tpu.memory_space<vmem>>) target(%dma_start3A_457 : memref<50176xf32, #tpu.memory_space<vmem_shared>>) offsets(%dma_start3A_455 : memref<128xi32, #tpu.memory_space<vmem>>) semaphore(%arg13 : memref<!tpu.dma_semaphore, #tpu.memory_space<semaphore_mem>>) {add = true}
          }
          %scan3A_350 = arith.constant 16 : i32
          %scan3A_351 = arith.constant 0 : i32
          %scan3A_352 = arith.constant 16 : i32
          %scan3A_353 = arith.addi %scan3A_351, %scan3A_352 : i32
          %scan3A_354 = arith.constant 1 : i32
          scf.for %scan3A_444 = %scan3A_351 to %scan3A_353 step %scan3A_354  : i32 {
            %mul3A_445 = arith.constant 1 : i32
            %mul3A_446 = arith.muli %scan3A_444, %mul3A_445 : i32
            %add3A_447 = arith.constant 0 : i32
            %add3A_448 = arith.addi %add3A_447, %mul3A_446 : i32
            %mul3A_449 = arith.constant 128 : i32
            %mul3A_450 = arith.muli %add3A_448, %mul3A_449 : i32
            %mul3A_451 = arith.constant 128 : i32
            %mul3A_452 = arith.muli %add3A_448, %mul3A_451 : i32
            %dma_wait3A = tpu.memref_slice %arg10[%mul3A_450] : memref<2048xf32, #tpu.memory_space<vmem>> -> memref<128xf32, #tpu.memory_space<vmem>>
            %dma_wait3A_453 = tpu.memref_slice %run_scoped3A[%mul3A_322] : memref<4096xi32, #tpu.memory_space<vmem>> -> memref<2048xi32, #tpu.memory_space<vmem>>
            %dma_wait3A_454 = tpu.memref_slice %dma_wait3A_453[%mul3A_452] : memref<2048xi32, #tpu.memory_space<vmem>> -> memref<128xi32, #tpu.memory_space<vmem>>
            %dma_wait3A_455 = arith.constant 0 : i32
            %dma_wait3A_456 = tpu.memref_slice %arg8[%dma_wait3A_455] : memref<50176xf32, #tpu.memory_space<vmem_shared>> -> memref<50176xf32, #tpu.memory_space<vmem_shared>>
            tpu.wait_indirect_dma semaphore(%arg13 : memref<!tpu.dma_semaphore, #tpu.memory_space<semaphore_mem>>) src(%dma_wait3A : memref<128xf32, #tpu.memory_space<vmem>>) dst(%dma_wait3A_456 : memref<50176xf32, #tpu.memory_space<vmem_shared>>)
          }
          %scan3A_355 = arith.constant 16 : i32
          "tpu.trace_stop"() : () -> ()
          %ne3A_356 = arith.cmpi ne, %add3A_219, %add3A_237 : i32
          %or3A_357 = arith.constant false
          %or3A_358 = arith.ori %or3A_357, %ne3A_356 : i1
          %or3A_359 = arith.ori %or3A_358, %eq3A_218 : i1
          %convert_element_type3A_360 = arith.extui %or3A_359 : i1 to i32
          %cond3A_361 = arith.constant 0 : i32
          %cond3A_362 = arith.cmpi ne, %convert_element_type3A_360, %cond3A_361 : i32
          scf.if %cond3A_362 {
          } else {
          }
          %and3A_363 = arith.constant false
          %and3A_364 = arith.andi %or3A_359, %and3A_363 : i1
          %ne3A_365 = arith.cmpi ne, %add3A_219, %add3A_237 : i32
          %or3A_366 = arith.constant false
          %or3A_367 = arith.ori %or3A_366, %ne3A_365 : i1
          %or3A_368 = arith.ori %or3A_367, %eq3A_218 : i1
          %convert_element_type3A_369 = arith.extui %or3A_368 : i1 to i32
          %cond3A_370 = arith.constant 0 : i32
          %cond3A_371 = arith.cmpi ne, %convert_element_type3A_369, %cond3A_370 : i32
          scf.if %cond3A_371 {
          } else {
          }
          %and3A_372 = arith.constant false
          %and3A_373 = arith.andi %or3A_368, %and3A_372 : i1
          %ne3A_374 = arith.cmpi ne, %add3A_219, %add3A_237 : i32
          %or3A_375 = arith.constant false
          %or3A_376 = arith.ori %or3A_375, %ne3A_374 : i1
          %or3A_377 = arith.ori %or3A_376, %eq3A_218 : i1
          %convert_element_type3A_378 = arith.extui %or3A_377 : i1 to i32
          %cond3A_379 = arith.constant 0 : i32
          %cond3A_380 = arith.cmpi ne, %convert_element_type3A_378, %cond3A_379 : i32
          scf.if %cond3A_380 {
          } else {
          }
          %and3A_381 = arith.constant false
          %and3A_382 = arith.andi %or3A_377, %and3A_381 : i1
          %ne3A_383 = arith.cmpi ne, %add3A_219, %add3A_229 : i32
          %or3A_384 = arith.constant false
          %or3A_385 = arith.ori %or3A_384, %ne3A_383 : i1
          %not3A_386 = arith.constant true
          %not3A_387 = arith.xori %eq3A_215, %not3A_386 : i1
          %and3A_388 = arith.andi %or3A_385, %not3A_387 : i1
          %convert_element_type3A_389 = arith.extui %and3A_388 : i1 to i32
          %cond3A_390 = arith.constant 0 : i32
          %cond3A_391 = arith.cmpi ne, %convert_element_type3A_389, %cond3A_390 : i32
          scf.if %cond3A_391 {
          } else {
          }
          %and3A_392 = arith.constant false
          %and3A_393 = arith.andi %and3A_388, %and3A_392 : i1
          %ne3A_394 = arith.cmpi ne, %add3A_219, %add3A_229 : i32
          %or3A_395 = arith.constant false
          %or3A_396 = arith.ori %or3A_395, %ne3A_394 : i1
          %not3A_397 = arith.constant true
          %not3A_398 = arith.xori %eq3A_215, %not3A_397 : i1
          %and3A_399 = arith.andi %or3A_396, %not3A_398 : i1
          %convert_element_type3A_400 = arith.extui %and3A_399 : i1 to i32
          %cond3A_401 = arith.constant 0 : i32
          %cond3A_402 = arith.cmpi ne, %convert_element_type3A_400, %cond3A_401 : i32
          scf.if %cond3A_402 {
          } else {
          }
          %and3A_403 = arith.constant false
          %and3A_404 = arith.andi %and3A_399, %and3A_403 : i1
          %ne3A_405 = arith.cmpi ne, %add3A_219, %add3A_229 : i32
          %or3A_406 = arith.constant false
          %or3A_407 = arith.ori %or3A_406, %ne3A_405 : i1
          %not3A_408 = arith.constant true
          %not3A_409 = arith.xori %eq3A_215, %not3A_408 : i1
          %and3A_410 = arith.andi %or3A_407, %not3A_409 : i1
          %convert_element_type3A_411 = arith.extui %and3A_410 : i1 to i32
          %cond3A_412 = arith.constant 0 : i32
          %cond3A_413 = arith.cmpi ne, %convert_element_type3A_411, %cond3A_412 : i32
          scf.if %cond3A_413 {
          } else {
          }
          %and3A_414 = arith.constant false
          %and3A_415 = arith.andi %and3A_410, %and3A_414 : i1
          %ne3A_416 = arith.cmpi ne, %add3A_219, %add3A_237 : i32
          %or3A_417 = arith.constant false
          %or3A_418 = arith.ori %or3A_417, %ne3A_416 : i1
          %or3A_419 = arith.ori %or3A_418, %eq3A_218 : i1
          %add3A_420 = arith.constant 1 : i32
          %add3A_421 = arith.addi %while3A_206, %add3A_420 : i32
          %select_n3A_422 = arith.select %or3A_419, %add3A_421, %while3A_206 : i32
          %ne3A_423 = arith.cmpi ne, %add3A_219, %add3A_237 : i32
          %or3A_424 = arith.constant false
          %or3A_425 = arith.ori %or3A_424, %ne3A_423 : i1
          %or3A_426 = arith.ori %or3A_425, %eq3A_218 : i1
          %add3A_427 = arith.constant 1 : i32
          %add3A_428 = arith.addi %while3A_208, %add3A_427 : i32
          %select_n3A_429 = arith.select %or3A_426, %add3A_428, %while3A_208 : i32
          %ne3A_430 = arith.cmpi ne, %add3A_219, %add3A_237 : i32
          %or3A_431 = arith.constant false
          %or3A_432 = arith.ori %or3A_431, %ne3A_430 : i1
          %or3A_433 = arith.ori %or3A_432, %eq3A_218 : i1
          %add3A_434 = arith.constant 1 : i32
          %add3A_435 = arith.addi %while3A_210, %add3A_434 : i32
          %select_n3A_436 = arith.select %or3A_433, %add3A_435, %while3A_210 : i32
          %add3A_437 = arith.constant 1 : i32
          %add3A_438 = arith.addi %while3A_211, %add3A_437 : i32
          %select_n3A_439 = arith.constant true
          %select_n3A_440 = arith.select %select_n3A_439, %add3A_438, %while3A_211 : i32
          %eq3A_441 = arith.cmpi eq, %select_n3A_440, %select_n3A : i32
          %select_n3A_442 = arith.constant 0 : i32
          %select_n3A_443 = arith.select %eq3A_441, %select_n3A_442, %select_n3A_440 : i32
          scf.yield %select_n3A_259, %select_n3A_422, %select_n3A_278, %select_n3A_429, %select_n3A_297, %select_n3A_436, %select_n3A_443 : i32, i32, i32, i32, i32, i32, i32
        }
        %while3A_148 = arith.constant 1 : i32
        %while3A_149:7 = scf.for %while3A_204 = %while3A_145 to %while3A_141 step %while3A_148 iter_args(%while3A_205 = %while3A_147#0, %while3A_206 = %while3A_147#1, %while3A_207 = %while3A_147#2, %while3A_208 = %while3A_147#3, %while3A_209 = %while3A_147#4, %while3A_210 = %while3A_147#5, %while3A_211 = %while3A_147#6) -> (i32, i32, i32, i32, i32, i32, i32)  : i32 {
          %mul3A_212 = arith.constant 1 : i32
          %mul3A_213 = arith.muli %mul3A_212, %select_n3A : i32
          %eq3A_214 = arith.constant 0 : i32
          %eq3A_215 = arith.cmpi eq, %while3A_204, %eq3A_214 : i32
          %sub3A_216 = arith.constant 1 : i32
          %sub3A_217 = arith.subi %mul3A_213, %sub3A_216 : i32
          %eq3A_218 = arith.cmpi eq, %while3A_204, %sub3A_217 : i32
          %add3A_219 = arith.addi %while3A_211, %select_n3A_25 : i32
          %sub3A_220 = arith.constant 1 : i32
          %sub3A_221 = arith.subi %while3A_211, %sub3A_220 : i32
          %select_n3A_222 = arith.constant true
          %select_n3A_223 = arith.select %select_n3A_222, %sub3A_221, %while3A_211 : i32
          %eq3A_224 = arith.constant -1 : i32
          %eq3A_225 = arith.cmpi eq, %select_n3A_223, %eq3A_224 : i32
          %sub3A_226 = arith.constant 1 : i32
          %sub3A_227 = arith.subi %select_n3A, %sub3A_226 : i32
          %select_n3A_228 = arith.select %eq3A_225, %sub3A_227, %select_n3A_223 : i32
          %add3A_229 = arith.addi %select_n3A_228, %select_n3A_25 : i32
          %add3A_230 = arith.constant 1 : i32
          %add3A_231 = arith.addi %while3A_211, %add3A_230 : i32
          %select_n3A_232 = arith.constant true
          %select_n3A_233 = arith.select %select_n3A_232, %add3A_231, %while3A_211 : i32
          %eq3A_234 = arith.cmpi eq, %select_n3A_233, %select_n3A : i32
          %select_n3A_235 = arith.constant 0 : i32
          %select_n3A_236 = arith.select %eq3A_234, %select_n3A_235, %select_n3A_233 : i32
          %add3A_237 = arith.addi %select_n3A_236, %select_n3A_25 : i32
          %add3A_238 = arith.constant 1 : i32
          %add3A_239 = arith.addi %select_n3A_236, %add3A_238 : i32
          %select_n3A_240 = arith.constant true
          %select_n3A_241 = arith.select %select_n3A_240, %add3A_239, %select_n3A_236 : i32
          %eq3A_242 = arith.cmpi eq, %select_n3A_241, %select_n3A : i32
          %select_n3A_243 = arith.constant 0 : i32
          %select_n3A_244 = arith.select %eq3A_242, %select_n3A_243, %select_n3A_241 : i32
          %add3A_245 = arith.addi %select_n3A_244, %select_n3A_25 : i32
          %ne3A = arith.cmpi ne, %add3A_219, %add3A_237 : i32
          %or3A = arith.constant false
          %or3A_246 = arith.ori %or3A, %ne3A : i1
          %sub3A_247 = arith.constant 2 : i32
          %sub3A_248 = arith.subi %mul3A_213, %sub3A_247 : i32
          %add3A_249 = arith.constant 1 : i32
          %add3A_250 = arith.addi %sub3A_248, %add3A_249 : i32
          %ge3A = arith.cmpi sge, %while3A_204, %add3A_250 : i32
          %not3A = arith.constant true
          %not3A_251 = arith.xori %ge3A, %not3A : i1
          %and3A = arith.andi %or3A_246, %not3A_251 : i1
          %convert_element_type3A_252 = arith.extui %and3A : i1 to i32
          %cond3A_253 = arith.constant 0 : i32
          %cond3A_254 = arith.cmpi ne, %convert_element_type3A_252, %cond3A_253 : i32
          scf.if %cond3A_254 {
            "tpu.trace_start"() <{level = 10 : i32, message = "ep_copy_in"}> : () -> ()
            %rem3A_444 = arith.constant 2 : i32
            %rem3A_445 = arith.remui %while3A_205, %rem3A_444 : i32
            %mul3A_446 = arith.constant 2048 : i32
            %mul3A_447 = arith.muli %mul3A_446, %add3A_237 : i32
            %mul3A_448 = arith.constant 2048 : i32
            %mul3A_449 = arith.muli %rem3A_445, %mul3A_448 : i32
            %add3A_450 = arith.constant 0 : i32
            %add3A_451 = arith.addi %mul3A_449, %add3A_450 : i32
            %dma_start3A_452 = tpu.memref_slice %run_scoped3A[%add3A_451] : memref<4096xi32, #tpu.memory_space<vmem>> -> memref<2048xi32, #tpu.memory_space<vmem>>
            %dma_start3A_453 = tpu.memref_slice %arg3[%mul3A_447] : memref<6400000xi32, #tpu.memory_space<hbm>> -> memref<2048xi32, #tpu.memory_space<hbm>>
            %dma_start3A_454 = tpu.memref_slice %run_scoped3A_36[%rem3A_445] : memref<2x!tpu.dma_semaphore, #tpu.memory_space<semaphore_mem>> -> memref<1x!tpu.dma_semaphore, #tpu.memory_space<semaphore_mem>>
            %dma_start3A_455 = tpu.memref_squeeze %dma_start3A_454 : memref<1x!tpu.dma_semaphore, #tpu.memory_space<semaphore_mem>> -> memref<!tpu.dma_semaphore, #tpu.memory_space<semaphore_mem>>
            %dma_start3A_456 = tpu.memref_slice %run_scoped3A[%add3A_451] : memref<4096xi32, #tpu.memory_space<vmem>> -> memref<2048xi32, #tpu.memory_space<vmem>>
            %dma_start3A_457 = tpu.memref_slice %arg3[%mul3A_447] : memref<6400000xi32, #tpu.memory_space<hbm>> -> memref<2048xi32, #tpu.memory_space<hbm>>
            tpu.enqueue_dma source(%dma_start3A_457 : memref<2048xi32, #tpu.memory_space<hbm>>) target(%dma_start3A_456 : memref<2048xi32, #tpu.memory_space<vmem>>) target_semaphore(%dma_start3A_455 : memref<!tpu.dma_semaphore, #tpu.memory_space<semaphore_mem>>)
            "tpu.trace_stop"() : () -> ()
          } else {
          }
          %and3A_255 = arith.constant true
          %and3A_256 = arith.andi %and3A, %and3A_255 : i1
          %add3A_257 = arith.constant 1 : i32
          %add3A_258 = arith.addi %while3A_205, %add3A_257 : i32
          %select_n3A_259 = arith.select %and3A_256, %add3A_258, %while3A_205 : i32
          %ne3A_260 = arith.cmpi ne, %add3A_219, %add3A_237 : i32
          %or3A_261 = arith.constant false
          %or3A_262 = arith.ori %or3A_261, %ne3A_260 : i1
          %sub3A_263 = arith.constant 2 : i32
          %sub3A_264 = arith.subi %mul3A_213, %sub3A_263 : i32
          %add3A_265 = arith.constant 1 : i32
          %add3A_266 = arith.addi %sub3A_264, %add3A_265 : i32
          %ge3A_267 = arith.cmpi sge, %while3A_204, %add3A_266 : i32
          %not3A_268 = arith.constant true
          %not3A_269 = arith.xori %ge3A_267, %not3A_268 : i1
          %and3A_270 = arith.andi %or3A_262, %not3A_269 : i1
          %convert_element_type3A_271 = arith.extui %and3A_270 : i1 to i32
          %cond3A_272 = arith.constant 0 : i32
          %cond3A_273 = arith.cmpi ne, %convert_element_type3A_271, %cond3A_272 : i32
          scf.if %cond3A_273 {
            "tpu.trace_start"() <{level = 10 : i32, message = "ep_copy_in"}> : () -> ()
            %rem3A_444 = arith.constant 2 : i32
            %rem3A_445 = arith.remui %while3A_207, %rem3A_444 : i32
            %mul3A_446 = arith.constant 2048 : i32
            %mul3A_447 = arith.muli %mul3A_446, %add3A_237 : i32
            %mul3A_448 = arith.constant 2048 : i32
            %mul3A_449 = arith.muli %rem3A_445, %mul3A_448 : i32
            %add3A_450 = arith.constant 0 : i32
            %add3A_451 = arith.addi %mul3A_449, %add3A_450 : i32
            %dma_start3A_452 = tpu.memref_slice %run_scoped3A_37[%add3A_451] : memref<4096xi32, #tpu.memory_space<vmem>> -> memref<2048xi32, #tpu.memory_space<vmem>>
            %dma_start3A_453 = tpu.memref_slice %arg4[%mul3A_447] : memref<6400000xi32, #tpu.memory_space<hbm>> -> memref<2048xi32, #tpu.memory_space<hbm>>
            %dma_start3A_454 = tpu.memref_slice %run_scoped3A_38[%rem3A_445] : memref<2x!tpu.dma_semaphore, #tpu.memory_space<semaphore_mem>> -> memref<1x!tpu.dma_semaphore, #tpu.memory_space<semaphore_mem>>
            %dma_start3A_455 = tpu.memref_squeeze %dma_start3A_454 : memref<1x!tpu.dma_semaphore, #tpu.memory_space<semaphore_mem>> -> memref<!tpu.dma_semaphore, #tpu.memory_space<semaphore_mem>>
            %dma_start3A_456 = tpu.memref_slice %run_scoped3A_37[%add3A_451] : memref<4096xi32, #tpu.memory_space<vmem>> -> memref<2048xi32, #tpu.memory_space<vmem>>
            %dma_start3A_457 = tpu.memref_slice %arg4[%mul3A_447] : memref<6400000xi32, #tpu.memory_space<hbm>> -> memref<2048xi32, #tpu.memory_space<hbm>>
            tpu.enqueue_dma source(%dma_start3A_457 : memref<2048xi32, #tpu.memory_space<hbm>>) target(%dma_start3A_456 : memref<2048xi32, #tpu.memory_space<vmem>>) target_semaphore(%dma_start3A_455 : memref<!tpu.dma_semaphore, #tpu.memory_space<semaphore_mem>>)
            "tpu.trace_stop"() : () -> ()
          } else {
          }
          %and3A_274 = arith.constant true
          %and3A_275 = arith.andi %and3A_270, %and3A_274 : i1
          %add3A_276 = arith.constant 1 : i32
          %add3A_277 = arith.addi %while3A_207, %add3A_276 : i32
          %select_n3A_278 = arith.select %and3A_275, %add3A_277, %while3A_207 : i32
          %ne3A_279 = arith.cmpi ne, %add3A_219, %add3A_237 : i32
          %or3A_280 = arith.constant false
          %or3A_281 = arith.ori %or3A_280, %ne3A_279 : i1
          %sub3A_282 = arith.constant 2 : i32
          %sub3A_283 = arith.subi %mul3A_213, %sub3A_282 : i32
          %add3A_284 = arith.constant 1 : i32
          %add3A_285 = arith.addi %sub3A_283, %add3A_284 : i32
          %ge3A_286 = arith.cmpi sge, %while3A_204, %add3A_285 : i32
          %not3A_287 = arith.constant true
          %not3A_288 = arith.xori %ge3A_286, %not3A_287 : i1
          %and3A_289 = arith.andi %or3A_281, %not3A_288 : i1
          %convert_element_type3A_290 = arith.extui %and3A_289 : i1 to i32
          %cond3A_291 = arith.constant 0 : i32
          %cond3A_292 = arith.cmpi ne, %convert_element_type3A_290, %cond3A_291 : i32
          scf.if %cond3A_292 {
            "tpu.trace_start"() <{level = 10 : i32, message = "ep_copy_in"}> : () -> ()
            %rem3A_444 = arith.constant 2 : i32
            %rem3A_445 = arith.remui %while3A_209, %rem3A_444 : i32
            %mul3A_446 = arith.constant 2048 : i32
            %mul3A_447 = arith.muli %mul3A_446, %add3A_237 : i32
            %mul3A_448 = arith.constant 2048 : i32
            %mul3A_449 = arith.muli %rem3A_445, %mul3A_448 : i32
            %add3A_450 = arith.constant 0 : i32
            %add3A_451 = arith.addi %mul3A_449, %add3A_450 : i32
            %dma_start3A_452 = tpu.memref_slice %run_scoped3A_39[%add3A_451] : memref<4096xf32, #tpu.memory_space<vmem>> -> memref<2048xf32, #tpu.memory_space<vmem>>
            %dma_start3A_453 = tpu.memref_slice %arg5[%mul3A_447] : memref<6400000xf32, #tpu.memory_space<hbm>> -> memref<2048xf32, #tpu.memory_space<hbm>>
            %dma_start3A_454 = tpu.memref_slice %run_scoped3A_40[%rem3A_445] : memref<2x!tpu.dma_semaphore, #tpu.memory_space<semaphore_mem>> -> memref<1x!tpu.dma_semaphore, #tpu.memory_space<semaphore_mem>>
            %dma_start3A_455 = tpu.memref_squeeze %dma_start3A_454 : memref<1x!tpu.dma_semaphore, #tpu.memory_space<semaphore_mem>> -> memref<!tpu.dma_semaphore, #tpu.memory_space<semaphore_mem>>
            %dma_start3A_456 = tpu.memref_slice %run_scoped3A_39[%add3A_451] : memref<4096xf32, #tpu.memory_space<vmem>> -> memref<2048xf32, #tpu.memory_space<vmem>>
            %dma_start3A_457 = tpu.memref_slice %arg5[%mul3A_447] : memref<6400000xf32, #tpu.memory_space<hbm>> -> memref<2048xf32, #tpu.memory_space<hbm>>
            tpu.enqueue_dma source(%dma_start3A_457 : memref<2048xf32, #tpu.memory_space<hbm>>) target(%dma_start3A_456 : memref<2048xf32, #tpu.memory_space<vmem>>) target_semaphore(%dma_start3A_455 : memref<!tpu.dma_semaphore, #tpu.memory_space<semaphore_mem>>)
            "tpu.trace_stop"() : () -> ()
          } else {
          }
          %and3A_293 = arith.constant true
          %and3A_294 = arith.andi %and3A_289, %and3A_293 : i1
          %add3A_295 = arith.constant 1 : i32
          %add3A_296 = arith.addi %while3A_209, %add3A_295 : i32
          %select_n3A_297 = arith.select %and3A_294, %add3A_296, %while3A_209 : i32
          %ne3A_298 = arith.cmpi ne, %add3A_219, %add3A_229 : i32
          %or3A_299 = arith.constant false
          %or3A_300 = arith.ori %or3A_299, %ne3A_298 : i1
          %or3A_301 = arith.ori %or3A_300, %eq3A_215 : i1
          %convert_element_type3A_302 = arith.extui %or3A_301 : i1 to i32
          %cond3A_303 = arith.constant 0 : i32
          %cond3A_304 = arith.cmpi ne, %convert_element_type3A_302, %cond3A_303 : i32
          scf.if %cond3A_304 {
            "tpu.trace_start"() <{level = 10 : i32, message = "ep_wait_in"}> : () -> ()
            %mul3A_444 = arith.constant 2048 : i32
            %mul3A_445 = arith.muli %mul3A_444, %add3A_219 : i32
            %rem3A_446 = arith.constant 2 : i32
            %rem3A_447 = arith.remui %while3A_206, %rem3A_446 : i32
            %mul3A_448 = arith.constant 2048 : i32
            %mul3A_449 = arith.muli %rem3A_447, %mul3A_448 : i32
            %add3A_450 = arith.constant 0 : i32
            %add3A_451 = arith.addi %mul3A_449, %add3A_450 : i32
            %dma_wait3A = tpu.memref_slice %run_scoped3A[%add3A_451] : memref<4096xi32, #tpu.memory_space<vmem>> -> memref<2048xi32, #tpu.memory_space<vmem>>
            %dma_wait3A_452 = tpu.memref_slice %arg3[%mul3A_445] : memref<6400000xi32, #tpu.memory_space<hbm>> -> memref<2048xi32, #tpu.memory_space<hbm>>
            %dma_wait3A_453 = tpu.memref_slice %run_scoped3A_36[%rem3A_447] : memref<2x!tpu.dma_semaphore, #tpu.memory_space<semaphore_mem>> -> memref<1x!tpu.dma_semaphore, #tpu.memory_space<semaphore_mem>>
            %dma_wait3A_454 = tpu.memref_squeeze %dma_wait3A_453 : memref<1x!tpu.dma_semaphore, #tpu.memory_space<semaphore_mem>> -> memref<!tpu.dma_semaphore, #tpu.memory_space<semaphore_mem>>
            %dma_wait3A_455 = tpu.memref_slice %run_scoped3A[%add3A_451] : memref<4096xi32, #tpu.memory_space<vmem>> -> memref<2048xi32, #tpu.memory_space<vmem>>
            %dma_wait3A_456 = tpu.memref_slice %arg3[%mul3A_445] : memref<6400000xi32, #tpu.memory_space<hbm>> -> memref<2048xi32, #tpu.memory_space<hbm>>
            tpu.wait_dma2 semaphore(%dma_wait3A_454 : memref<!tpu.dma_semaphore, #tpu.memory_space<semaphore_mem>>) src(%dma_wait3A_456 : memref<2048xi32, #tpu.memory_space<hbm>>) dst(%dma_wait3A_455 : memref<2048xi32, #tpu.memory_space<vmem>>)
            "tpu.trace_stop"() : () -> ()
          } else {
          }
          %ne3A_305 = arith.cmpi ne, %add3A_219, %add3A_229 : i32
          %or3A_306 = arith.constant false
          %or3A_307 = arith.ori %or3A_306, %ne3A_305 : i1
          %or3A_308 = arith.ori %or3A_307, %eq3A_215 : i1
          %convert_element_type3A_309 = arith.extui %or3A_308 : i1 to i32
          %cond3A_310 = arith.constant 0 : i32
          %cond3A_311 = arith.cmpi ne, %convert_element_type3A_309, %cond3A_310 : i32
          scf.if %cond3A_311 {
            "tpu.trace_start"() <{level = 10 : i32, message = "ep_wait_in"}> : () -> ()
            %mul3A_444 = arith.constant 2048 : i32
            %mul3A_445 = arith.muli %mul3A_444, %add3A_219 : i32
            %rem3A_446 = arith.constant 2 : i32
            %rem3A_447 = arith.remui %while3A_208, %rem3A_446 : i32
            %mul3A_448 = arith.constant 2048 : i32
            %mul3A_449 = arith.muli %rem3A_447, %mul3A_448 : i32
            %add3A_450 = arith.constant 0 : i32
            %add3A_451 = arith.addi %mul3A_449, %add3A_450 : i32
            %dma_wait3A = tpu.memref_slice %run_scoped3A_37[%add3A_451] : memref<4096xi32, #tpu.memory_space<vmem>> -> memref<2048xi32, #tpu.memory_space<vmem>>
            %dma_wait3A_452 = tpu.memref_slice %arg4[%mul3A_445] : memref<6400000xi32, #tpu.memory_space<hbm>> -> memref<2048xi32, #tpu.memory_space<hbm>>
            %dma_wait3A_453 = tpu.memref_slice %run_scoped3A_38[%rem3A_447] : memref<2x!tpu.dma_semaphore, #tpu.memory_space<semaphore_mem>> -> memref<1x!tpu.dma_semaphore, #tpu.memory_space<semaphore_mem>>
            %dma_wait3A_454 = tpu.memref_squeeze %dma_wait3A_453 : memref<1x!tpu.dma_semaphore, #tpu.memory_space<semaphore_mem>> -> memref<!tpu.dma_semaphore, #tpu.memory_space<semaphore_mem>>
            %dma_wait3A_455 = tpu.memref_slice %run_scoped3A_37[%add3A_451] : memref<4096xi32, #tpu.memory_space<vmem>> -> memref<2048xi32, #tpu.memory_space<vmem>>
            %dma_wait3A_456 = tpu.memref_slice %arg4[%mul3A_445] : memref<6400000xi32, #tpu.memory_space<hbm>> -> memref<2048xi32, #tpu.memory_space<hbm>>
            tpu.wait_dma2 semaphore(%dma_wait3A_454 : memref<!tpu.dma_semaphore, #tpu.memory_space<semaphore_mem>>) src(%dma_wait3A_456 : memref<2048xi32, #tpu.memory_space<hbm>>) dst(%dma_wait3A_455 : memref<2048xi32, #tpu.memory_space<vmem>>)
            "tpu.trace_stop"() : () -> ()
          } else {
          }
          %ne3A_312 = arith.cmpi ne, %add3A_219, %add3A_229 : i32
          %or3A_313 = arith.constant false
          %or3A_314 = arith.ori %or3A_313, %ne3A_312 : i1
          %or3A_315 = arith.ori %or3A_314, %eq3A_215 : i1
          %convert_element_type3A_316 = arith.extui %or3A_315 : i1 to i32
          %cond3A_317 = arith.constant 0 : i32
          %cond3A_318 = arith.cmpi ne, %convert_element_type3A_316, %cond3A_317 : i32
          scf.if %cond3A_318 {
            "tpu.trace_start"() <{level = 10 : i32, message = "ep_wait_in"}> : () -> ()
            %mul3A_444 = arith.constant 2048 : i32
            %mul3A_445 = arith.muli %mul3A_444, %add3A_219 : i32
            %rem3A_446 = arith.constant 2 : i32
            %rem3A_447 = arith.remui %while3A_210, %rem3A_446 : i32
            %mul3A_448 = arith.constant 2048 : i32
            %mul3A_449 = arith.muli %rem3A_447, %mul3A_448 : i32
            %add3A_450 = arith.constant 0 : i32
            %add3A_451 = arith.addi %mul3A_449, %add3A_450 : i32
            %dma_wait3A = tpu.memref_slice %run_scoped3A_39[%add3A_451] : memref<4096xf32, #tpu.memory_space<vmem>> -> memref<2048xf32, #tpu.memory_space<vmem>>
            %dma_wait3A_452 = tpu.memref_slice %arg5[%mul3A_445] : memref<6400000xf32, #tpu.memory_space<hbm>> -> memref<2048xf32, #tpu.memory_space<hbm>>
            %dma_wait3A_453 = tpu.memref_slice %run_scoped3A_40[%rem3A_447] : memref<2x!tpu.dma_semaphore, #tpu.memory_space<semaphore_mem>> -> memref<1x!tpu.dma_semaphore, #tpu.memory_space<semaphore_mem>>
            %dma_wait3A_454 = tpu.memref_squeeze %dma_wait3A_453 : memref<1x!tpu.dma_semaphore, #tpu.memory_space<semaphore_mem>> -> memref<!tpu.dma_semaphore, #tpu.memory_space<semaphore_mem>>
            %dma_wait3A_455 = tpu.memref_slice %run_scoped3A_39[%add3A_451] : memref<4096xf32, #tpu.memory_space<vmem>> -> memref<2048xf32, #tpu.memory_space<vmem>>
            %dma_wait3A_456 = tpu.memref_slice %arg5[%mul3A_445] : memref<6400000xf32, #tpu.memory_space<hbm>> -> memref<2048xf32, #tpu.memory_space<hbm>>
            tpu.wait_dma2 semaphore(%dma_wait3A_454 : memref<!tpu.dma_semaphore, #tpu.memory_space<semaphore_mem>>) src(%dma_wait3A_456 : memref<2048xf32, #tpu.memory_space<hbm>>) dst(%dma_wait3A_455 : memref<2048xf32, #tpu.memory_space<vmem>>)
            "tpu.trace_stop"() : () -> ()
          } else {
          }
          %rem3A_319 = arith.constant 2 : i32
          %rem3A_320 = arith.remui %while3A_206, %rem3A_319 : i32
          %mul3A_321 = arith.constant 2048 : i32
          %mul3A_322 = arith.muli %rem3A_320, %mul3A_321 : i32
          %rem3A_323 = arith.constant 2 : i32
          %rem3A_324 = arith.remui %while3A_208, %rem3A_323 : i32
          %mul3A_325 = arith.constant 2048 : i32
          %mul3A_326 = arith.muli %rem3A_324, %mul3A_325 : i32
          %rem3A_327 = arith.constant 2 : i32
          %rem3A_328 = arith.remui %while3A_210, %rem3A_327 : i32
          %mul3A_329 = arith.constant 2048 : i32
          %mul3A_330 = arith.muli %rem3A_328, %mul3A_329 : i32
          "tpu.trace_start"() <{level = 10 : i32, message = "ep_run_kernel"}> : () -> ()
          %scan3A_331 = arith.constant 0 : i32
          %scan3A_332 = arith.constant 16 : i32
          %scan3A_333 = arith.addi %scan3A_331, %scan3A_332 : i32
          %scan3A_334 = arith.constant 1 : i32
          scf.for %scan3A_444 = %scan3A_331 to %scan3A_333 step %scan3A_334  : i32 {
            %mul3A_445 = arith.constant 1 : i32
            %mul3A_446 = arith.muli %scan3A_444, %mul3A_445 : i32
            %add3A_447 = arith.constant 0 : i32
            %add3A_448 = arith.addi %add3A_447, %mul3A_446 : i32
            %mul3A_449 = arith.constant 128 : i32
            %mul3A_450 = arith.muli %add3A_448, %mul3A_449 : i32
            %mul3A_451 = arith.constant 128 : i32
            %mul3A_452 = arith.muli %add3A_448, %mul3A_451 : i32
            %dma_start3A_453 = tpu.memref_slice %arg10[%mul3A_452] : memref<2048xf32, #tpu.memory_space<vmem>> -> memref<128xf32, #tpu.memory_space<vmem>>
            %dma_start3A_454 = tpu.memref_slice %run_scoped3A_37[%mul3A_326] : memref<4096xi32, #tpu.memory_space<vmem>> -> memref<2048xi32, #tpu.memory_space<vmem>>
            %dma_start3A_455 = tpu.memref_slice %dma_start3A_454[%mul3A_450] : memref<2048xi32, #tpu.memory_space<vmem>> -> memref<128xi32, #tpu.memory_space<vmem>>
            %dma_start3A_456 = arith.constant 0 : i32
            %dma_start3A_457 = tpu.memref_slice %arg7[%dma_start3A_456] : memref<1600000xf32, #tpu.memory_space<vmem_shared>> -> memref<1600000xf32, #tpu.memory_space<vmem_shared>>
            tpu.enqueue_indirect_dma source(%dma_start3A_457 : memref<1600000xf32, #tpu.memory_space<vmem_shared>>) target(%dma_start3A_453 : memref<128xf32, #tpu.memory_space<vmem>>) offsets(%dma_start3A_455 : memref<128xi32, #tpu.memory_space<vmem>>) semaphore(%arg12 : memref<!tpu.dma_semaphore, #tpu.memory_space<semaphore_mem>>)
          }
          %scan3A_335 = arith.constant 16 : i32
          %scan3A_336 = arith.constant 0 : i32
          %scan3A_337 = arith.constant 16 : i32
          %scan3A_338 = arith.addi %scan3A_336, %scan3A_337 : i32
          %scan3A_339 = arith.constant 1 : i32
          scf.for %scan3A_444 = %scan3A_336 to %scan3A_338 step %scan3A_339  : i32 {
            %mul3A_445 = arith.constant 1 : i32
            %mul3A_446 = arith.muli %scan3A_444, %mul3A_445 : i32
            %add3A_447 = arith.constant 0 : i32
            %add3A_448 = arith.addi %add3A_447, %mul3A_446 : i32
            %mul3A_449 = arith.constant 128 : i32
            %mul3A_450 = arith.muli %add3A_448, %mul3A_449 : i32
            %mul3A_451 = arith.constant 128 : i32
            %mul3A_452 = arith.muli %add3A_448, %mul3A_451 : i32
            %dma_wait3A = tpu.memref_slice %arg10[%mul3A_452] : memref<2048xf32, #tpu.memory_space<vmem>> -> memref<128xf32, #tpu.memory_space<vmem>>
            %dma_wait3A_453 = tpu.memref_slice %run_scoped3A_37[%mul3A_326] : memref<4096xi32, #tpu.memory_space<vmem>> -> memref<2048xi32, #tpu.memory_space<vmem>>
            %dma_wait3A_454 = tpu.memref_slice %dma_wait3A_453[%mul3A_450] : memref<2048xi32, #tpu.memory_space<vmem>> -> memref<128xi32, #tpu.memory_space<vmem>>
            %dma_wait3A_455 = arith.constant 0 : i32
            %dma_wait3A_456 = tpu.memref_slice %arg7[%dma_wait3A_455] : memref<1600000xf32, #tpu.memory_space<vmem_shared>> -> memref<1600000xf32, #tpu.memory_space<vmem_shared>>
            tpu.wait_indirect_dma semaphore(%arg12 : memref<!tpu.dma_semaphore, #tpu.memory_space<semaphore_mem>>) src(%dma_wait3A_456 : memref<1600000xf32, #tpu.memory_space<vmem_shared>>) dst(%dma_wait3A : memref<128xf32, #tpu.memory_space<vmem>>)
          }
          %scan3A_340 = arith.constant 16 : i32
          %scan3A_341 = arith.constant 0 : i32
          %scan3A_342 = arith.constant 128 : i32
          %scan3A_343 = arith.addi %scan3A_341, %scan3A_342 : i32
          %scan3A_344 = arith.constant 1 : i32
          scf.for %scan3A_444 = %scan3A_341 to %scan3A_343 step %scan3A_344  : i32 {
            %mul3A_445 = arith.constant 16 : i32
            %mul3A_446 = arith.muli %scan3A_444, %mul3A_445 : i32
            %add3A_447 = arith.constant 0 : i32
            %add3A_448 = arith.addi %add3A_447, %mul3A_446 : i32
            %get3A = arith.index_cast %add3A_448 : i32 to index
            %get3A_449 = tpu.vector_load %arg10[%get3A] {strides = array<i32>} : memref<2048xf32, #tpu.memory_space<vmem>>, vector<16xf32>,
            %get3A_450 = tpu.memref_slice %run_scoped3A_39[%mul3A_330] : memref<4096xf32, #tpu.memory_space<vmem>> -> memref<2048xf32, #tpu.memory_space<vmem>>
            %get3A_451 = arith.index_cast %add3A_448 : i32 to index
            %get3A_452 = tpu.vector_load %get3A_450[%get3A_451] {strides = array<i32>} : memref<2048xf32, #tpu.memory_space<vmem>>, vector<16xf32>,
            %mul3A_453 = arith.mulf %get3A_449, %get3A_452 : vector<16xf32>
            %swap3A = arith.index_cast %add3A_448 : i32 to index
            %swap3A_454 = tpu.vector_load %arg10[%swap3A] {strides = array<i32>} : memref<2048xf32, #tpu.memory_space<vmem>>, vector<16xf32>,
            tpu.vector_store %arg10[%swap3A], %mul3A_453 {strides = array<i32>} : memref<2048xf32, #tpu.memory_space<vmem>>, vector<16xf32>,
          }
          %scan3A_345 = arith.constant 128 : i32
          %scan3A_346 = arith.constant 0 : i32
          %scan3A_347 = arith.constant 16 : i32
          %scan3A_348 = arith.addi %scan3A_346, %scan3A_347 : i32
          %scan3A_349 = arith.constant 1 : i32
          scf.for %scan3A_444 = %scan3A_346 to %scan3A_348 step %scan3A_349  : i32 {
            %mul3A_445 = arith.constant 1 : i32
            %mul3A_446 = arith.muli %scan3A_444, %mul3A_445 : i32
            %add3A_447 = arith.constant 0 : i32
            %add3A_448 = arith.addi %add3A_447, %mul3A_446 : i32
            %mul3A_449 = arith.constant 128 : i32
            %mul3A_450 = arith.muli %add3A_448, %mul3A_449 : i32
            %mul3A_451 = arith.constant 128 : i32
            %mul3A_452 = arith.muli %add3A_448, %mul3A_451 : i32
            %dma_start3A_453 = tpu.memref_slice %arg10[%mul3A_450] : memref<2048xf32, #tpu.memory_space<vmem>> -> memref<128xf32, #tpu.memory_space<vmem>>
            %dma_start3A_454 = tpu.memref_slice %run_scoped3A[%mul3A_322] : memref<4096xi32, #tpu.memory_space<vmem>> -> memref<2048xi32, #tpu.memory_space<vmem>>
            %dma_start3A_455 = tpu.memref_slice %dma_start3A_454[%mul3A_452] : memref<2048xi32, #tpu.memory_space<vmem>> -> memref<128xi32, #tpu.memory_space<vmem>>
            %dma_start3A_456 = arith.constant 0 : i32
            %dma_start3A_457 = tpu.memref_slice %arg8[%dma_start3A_456] : memref<50176xf32, #tpu.memory_space<vmem_shared>> -> memref<50176xf32, #tpu.memory_space<vmem_shared>>
            tpu.enqueue_indirect_dma source(%dma_start3A_453 : memref<128xf32, #tpu.memory_space<vmem>>) target(%dma_start3A_457 : memref<50176xf32, #tpu.memory_space<vmem_shared>>) offsets(%dma_start3A_455 : memref<128xi32, #tpu.memory_space<vmem>>) semaphore(%arg13 : memref<!tpu.dma_semaphore, #tpu.memory_space<semaphore_mem>>) {add = true}
          }
          %scan3A_350 = arith.constant 16 : i32
          %scan3A_351 = arith.constant 0 : i32
          %scan3A_352 = arith.constant 16 : i32
          %scan3A_353 = arith.addi %scan3A_351, %scan3A_352 : i32
          %scan3A_354 = arith.constant 1 : i32
          scf.for %scan3A_444 = %scan3A_351 to %scan3A_353 step %scan3A_354  : i32 {
            %mul3A_445 = arith.constant 1 : i32
            %mul3A_446 = arith.muli %scan3A_444, %mul3A_445 : i32
            %add3A_447 = arith.constant 0 : i32
            %add3A_448 = arith.addi %add3A_447, %mul3A_446 : i32
            %mul3A_449 = arith.constant 128 : i32
            %mul3A_450 = arith.muli %add3A_448, %mul3A_449 : i32
            %mul3A_451 = arith.constant 128 : i32
            %mul3A_452 = arith.muli %add3A_448, %mul3A_451 : i32
            %dma_wait3A = tpu.memref_slice %arg10[%mul3A_450] : memref<2048xf32, #tpu.memory_space<vmem>> -> memref<128xf32, #tpu.memory_space<vmem>>
            %dma_wait3A_453 = tpu.memref_slice %run_scoped3A[%mul3A_322] : memref<4096xi32, #tpu.memory_space<vmem>> -> memref<2048xi32, #tpu.memory_space<vmem>>
            %dma_wait3A_454 = tpu.memref_slice %dma_wait3A_453[%mul3A_452] : memref<2048xi32, #tpu.memory_space<vmem>> -> memref<128xi32, #tpu.memory_space<vmem>>
            %dma_wait3A_455 = arith.constant 0 : i32
            %dma_wait3A_456 = tpu.memref_slice %arg8[%dma_wait3A_455] : memref<50176xf32, #tpu.memory_space<vmem_shared>> -> memref<50176xf32, #tpu.memory_space<vmem_shared>>
            tpu.wait_indirect_dma semaphore(%arg13 : memref<!tpu.dma_semaphore, #tpu.memory_space<semaphore_mem>>) src(%dma_wait3A : memref<128xf32, #tpu.memory_space<vmem>>) dst(%dma_wait3A_456 : memref<50176xf32, #tpu.memory_space<vmem_shared>>)
          }
          %scan3A_355 = arith.constant 16 : i32
          "tpu.trace_stop"() : () -> ()
          %ne3A_356 = arith.cmpi ne, %add3A_219, %add3A_237 : i32
          %or3A_357 = arith.constant false
          %or3A_358 = arith.ori %or3A_357, %ne3A_356 : i1
          %or3A_359 = arith.ori %or3A_358, %eq3A_218 : i1
          %convert_element_type3A_360 = arith.extui %or3A_359 : i1 to i32
          %cond3A_361 = arith.constant 0 : i32
          %cond3A_362 = arith.cmpi ne, %convert_element_type3A_360, %cond3A_361 : i32
          scf.if %cond3A_362 {
          } else {
          }
          %and3A_363 = arith.constant false
          %and3A_364 = arith.andi %or3A_359, %and3A_363 : i1
          %ne3A_365 = arith.cmpi ne, %add3A_219, %add3A_237 : i32
          %or3A_366 = arith.constant false
          %or3A_367 = arith.ori %or3A_366, %ne3A_365 : i1
          %or3A_368 = arith.ori %or3A_367, %eq3A_218 : i1
          %convert_element_type3A_369 = arith.extui %or3A_368 : i1 to i32
          %cond3A_370 = arith.constant 0 : i32
          %cond3A_371 = arith.cmpi ne, %convert_element_type3A_369, %cond3A_370 : i32
          scf.if %cond3A_371 {
          } else {
          }
          %and3A_372 = arith.constant false
          %and3A_373 = arith.andi %or3A_368, %and3A_372 : i1
          %ne3A_374 = arith.cmpi ne, %add3A_219, %add3A_237 : i32
          %or3A_375 = arith.constant false
          %or3A_376 = arith.ori %or3A_375, %ne3A_374 : i1
          %or3A_377 = arith.ori %or3A_376, %eq3A_218 : i1
          %convert_element_type3A_378 = arith.extui %or3A_377 : i1 to i32
          %cond3A_379 = arith.constant 0 : i32
          %cond3A_380 = arith.cmpi ne, %convert_element_type3A_378, %cond3A_379 : i32
          scf.if %cond3A_380 {
          } else {
          }
          %and3A_381 = arith.constant false
          %and3A_382 = arith.andi %or3A_377, %and3A_381 : i1
          %ne3A_383 = arith.cmpi ne, %add3A_219, %add3A_229 : i32
          %or3A_384 = arith.constant false
          %or3A_385 = arith.ori %or3A_384, %ne3A_383 : i1
          %not3A_386 = arith.constant true
          %not3A_387 = arith.xori %eq3A_215, %not3A_386 : i1
          %and3A_388 = arith.andi %or3A_385, %not3A_387 : i1
          %convert_element_type3A_389 = arith.extui %and3A_388 : i1 to i32
          %cond3A_390 = arith.constant 0 : i32
          %cond3A_391 = arith.cmpi ne, %convert_element_type3A_389, %cond3A_390 : i32
          scf.if %cond3A_391 {
          } else {
          }
          %and3A_392 = arith.constant false
          %and3A_393 = arith.andi %and3A_388, %and3A_392 : i1
          %ne3A_394 = arith.cmpi ne, %add3A_219, %add3A_229 : i32
          %or3A_395 = arith.constant false
          %or3A_396 = arith.ori %or3A_395, %ne3A_394 : i1
          %not3A_397 = arith.constant true
          %not3A_398 = arith.xori %eq3A_215, %not3A_397 : i1
          %and3A_399 = arith.andi %or3A_396, %not3A_398 : i1
          %convert_element_type3A_400 = arith.extui %and3A_399 : i1 to i32
          %cond3A_401 = arith.constant 0 : i32
          %cond3A_402 = arith.cmpi ne, %convert_element_type3A_400, %cond3A_401 : i32
          scf.if %cond3A_402 {
          } else {
          }
          %and3A_403 = arith.constant false
          %and3A_404 = arith.andi %and3A_399, %and3A_403 : i1
          %ne3A_405 = arith.cmpi ne, %add3A_219, %add3A_229 : i32
          %or3A_406 = arith.constant false
          %or3A_407 = arith.ori %or3A_406, %ne3A_405 : i1
          %not3A_408 = arith.constant true
          %not3A_409 = arith.xori %eq3A_215, %not3A_408 : i1
          %and3A_410 = arith.andi %or3A_407, %not3A_409 : i1
          %convert_element_type3A_411 = arith.extui %and3A_410 : i1 to i32
          %cond3A_412 = arith.constant 0 : i32
          %cond3A_413 = arith.cmpi ne, %convert_element_type3A_411, %cond3A_412 : i32
          scf.if %cond3A_413 {
          } else {
          }
          %and3A_414 = arith.constant false
          %and3A_415 = arith.andi %and3A_410, %and3A_414 : i1
          %ne3A_416 = arith.cmpi ne, %add3A_219, %add3A_237 : i32
          %or3A_417 = arith.constant false
          %or3A_418 = arith.ori %or3A_417, %ne3A_416 : i1
          %or3A_419 = arith.ori %or3A_418, %eq3A_218 : i1
          %add3A_420 = arith.constant 1 : i32
          %add3A_421 = arith.addi %while3A_206, %add3A_420 : i32
          %select_n3A_422 = arith.select %or3A_419, %add3A_421, %while3A_206 : i32
          %ne3A_423 = arith.cmpi ne, %add3A_219, %add3A_237 : i32
          %or3A_424 = arith.constant false
          %or3A_425 = arith.ori %or3A_424, %ne3A_423 : i1
          %or3A_426 = arith.ori %or3A_425, %eq3A_218 : i1
          %add3A_427 = arith.constant 1 : i32
          %add3A_428 = arith.addi %while3A_208, %add3A_427 : i32
          %select_n3A_429 = arith.select %or3A_426, %add3A_428, %while3A_208 : i32
          %ne3A_430 = arith.cmpi ne, %add3A_219, %add3A_237 : i32
          %or3A_431 = arith.constant false
          %or3A_432 = arith.ori %or3A_431, %ne3A_430 : i1
          %or3A_433 = arith.ori %or3A_432, %eq3A_218 : i1
          %add3A_434 = arith.constant 1 : i32
          %add3A_435 = arith.addi %while3A_210, %add3A_434 : i32
          %select_n3A_436 = arith.select %or3A_433, %add3A_435, %while3A_210 : i32
          %add3A_437 = arith.constant 1 : i32
          %add3A_438 = arith.addi %while3A_211, %add3A_437 : i32
          %select_n3A_439 = arith.constant true
          %select_n3A_440 = arith.select %select_n3A_439, %add3A_438, %while3A_211 : i32
          %eq3A_441 = arith.cmpi eq, %select_n3A_440, %select_n3A : i32
          %select_n3A_442 = arith.constant 0 : i32
          %select_n3A_443 = arith.select %eq3A_441, %select_n3A_442, %select_n3A_440 : i32
          scf.yield %select_n3A_259, %select_n3A_422, %select_n3A_278, %select_n3A_429, %select_n3A_297, %select_n3A_436, %select_n3A_443 : i32, i32, i32, i32, i32, i32, i32
        }
        %sub3A_150 = arith.constant 1 : i32
        %sub3A_151 = arith.subi %while3A_149#6, %sub3A_150 : i32
        %select_n3A_152 = arith.constant true
        %select_n3A_153 = arith.select %select_n3A_152, %sub3A_151, %while3A_149#6 : i32
        %eq3A_154 = arith.constant -1 : i32
        %eq3A_155 = arith.cmpi eq, %select_n3A_153, %eq3A_154 : i32
        %sub3A_156 = arith.constant 1 : i32
        %sub3A_157 = arith.subi %select_n3A, %sub3A_156 : i32
        %select_n3A_158 = arith.select %eq3A_155, %sub3A_157, %select_n3A_153 : i32
        %sub3A_159 = arith.constant 1 : i32
        %sub3A_160 = arith.subi %mul3A_27, %sub3A_159 : i32
        %mul3A_161 = arith.constant 1 : i32
        %mul3A_162 = arith.muli %mul3A_161, %select_n3A : i32
        %eq3A_163 = arith.constant 0 : i32
        %eq3A_164 = arith.cmpi eq, %sub3A_160, %eq3A_163 : i32
        %sub3A_165 = arith.constant 1 : i32
        %sub3A_166 = arith.subi %mul3A_162, %sub3A_165 : i32
        %eq3A_167 = arith.cmpi eq, %sub3A_160, %sub3A_166 : i32
        %add3A_168 = arith.addi %select_n3A_158, %select_n3A_25 : i32
        %sub3A_169 = arith.constant 1 : i32
        %sub3A_170 = arith.subi %select_n3A_158, %sub3A_169 : i32
        %select_n3A_171 = arith.constant true
        %select_n3A_172 = arith.select %select_n3A_171, %sub3A_170, %select_n3A_158 : i32
        %eq3A_173 = arith.constant -1 : i32
        %eq3A_174 = arith.cmpi eq, %select_n3A_172, %eq3A_173 : i32
        %sub3A_175 = arith.constant 1 : i32
        %sub3A_176 = arith.subi %select_n3A, %sub3A_175 : i32
        %select_n3A_177 = arith.select %eq3A_174, %sub3A_176, %select_n3A_172 : i32
        %add3A_178 = arith.addi %select_n3A_177, %select_n3A_25 : i32
        %add3A_179 = arith.constant 1 : i32
        %add3A_180 = arith.addi %select_n3A_158, %add3A_179 : i32
        %select_n3A_181 = arith.constant true
        %select_n3A_182 = arith.select %select_n3A_181, %add3A_180, %select_n3A_158 : i32
        %eq3A_183 = arith.cmpi eq, %select_n3A_182, %select_n3A : i32
        %select_n3A_184 = arith.constant 0 : i32
        %select_n3A_185 = arith.select %eq3A_183, %select_n3A_184, %select_n3A_182 : i32
        %add3A_186 = arith.addi %select_n3A_185, %select_n3A_25 : i32
        %add3A_187 = arith.constant 1 : i32
        %add3A_188 = arith.addi %select_n3A_185, %add3A_187 : i32
        %select_n3A_189 = arith.constant true
        %select_n3A_190 = arith.select %select_n3A_189, %add3A_188, %select_n3A_185 : i32
        %eq3A_191 = arith.cmpi eq, %select_n3A_190, %select_n3A : i32
        %select_n3A_192 = arith.constant 0 : i32
        %select_n3A_193 = arith.select %eq3A_191, %select_n3A_192, %select_n3A_190 : i32
        %add3A_194 = arith.addi %select_n3A_193, %select_n3A_25 : i32
        %convert_element_type3A_195 = arith.extui %eq3A_167 : i1 to i32
        %cond3A_196 = arith.constant 0 : i32
        %cond3A_197 = arith.cmpi ne, %convert_element_type3A_195, %cond3A_196 : i32
        scf.if %cond3A_197 {
        } else {
        }
        %convert_element_type3A_198 = arith.extui %eq3A_167 : i1 to i32
        %cond3A_199 = arith.constant 0 : i32
        %cond3A_200 = arith.cmpi ne, %convert_element_type3A_198, %cond3A_199 : i32
        scf.if %cond3A_200 {
        } else {
        }
        %convert_element_type3A_201 = arith.extui %eq3A_167 : i1 to i32
        %cond3A_202 = arith.constant 0 : i32
        %cond3A_203 = arith.cmpi ne, %convert_element_type3A_201, %cond3A_202 : i32
        scf.if %cond3A_203 {
        } else {
        }
      } else {
      }
      tpu.yield
    }) : () -> ()
    %barrier3A_28 = arith.constant 0 : index
    tpu.barrier barrier_id(%barrier3A_28)
    %mul3A_29 = arith.constant 3136 : i32
    %mul3A_30 = arith.muli %arg1, %mul3A_29 : i32
    "tpu.region"() ({
      %run_scoped3A = tpu.sem_alloc : memref<!tpu.dma_semaphore, #tpu.memory_space<semaphore_mem>>
      %dma_start3A = tpu.memref_slice %arg8[%mul3A_30] : memref<50176xf32, #tpu.memory_space<vmem_shared>> -> memref<3136xf32, #tpu.memory_space<vmem_shared>>
      %dma_start3A_36 = tpu.memref_slice %arg8[%mul3A_30] : memref<50176xf32, #tpu.memory_space<vmem_shared>> -> memref<3136xf32, #tpu.memory_space<vmem_shared>>
      tpu.enqueue_dma source(%dma_start3A_36 : memref<3136xf32, #tpu.memory_space<vmem_shared>>) target(%arg9 : memref<3136xf32, #tpu.memory_space<vmem>>) target_semaphore(%run_scoped3A : memref<!tpu.dma_semaphore, #tpu.memory_space<semaphore_mem>>)
      %dma_wait3A = tpu.memref_slice %arg8[%mul3A_30] : memref<50176xf32, #tpu.memory_space<vmem_shared>> -> memref<3136xf32, #tpu.memory_space<vmem_shared>>
      %dma_wait3A_37 = tpu.memref_slice %arg8[%mul3A_30] : memref<50176xf32, #tpu.memory_space<vmem_shared>> -> memref<3136xf32, #tpu.memory_space<vmem_shared>>
      tpu.wait_dma2 semaphore(%run_scoped3A : memref<!tpu.dma_semaphore, #tpu.memory_space<semaphore_mem>>) src(%dma_wait3A_37 : memref<3136xf32, #tpu.memory_space<vmem_shared>>) dst(%arg9 : memref<3136xf32, #tpu.memory_space<vmem>>)
      tpu.yield
    }) : () -> ()
    %mul3A_31 = arith.constant 50176 : i32
    %mul3A_32 = arith.muli %arg0, %mul3A_31 : i32
    %mul3A_33 = arith.constant 3136 : i32
    %mul3A_34 = arith.muli %arg1, %mul3A_33 : i32
    %add3A_35 = arith.addi %mul3A_32, %mul3A_34 : i32
    "tpu.region"() ({
      %run_scoped3A = tpu.sem_alloc : memref<!tpu.dma_semaphore, #tpu.memory_space<semaphore_mem>>
      %dma_start3A = tpu.memref_slice %arg6[%add3A_35] : memref<100352xf32, #tpu.memory_space<hbm>> -> memref<3136xf32, #tpu.memory_space<hbm>>
      %dma_start3A_36 = tpu.memref_slice %arg6[%add3A_35] : memref<100352xf32, #tpu.memory_space<hbm>> -> memref<3136xf32, #tpu.memory_space<hbm>>
      tpu.enqueue_dma source(%arg9 : memref<3136xf32, #tpu.memory_space<vmem>>) target(%dma_start3A_36 : memref<3136xf32, #tpu.memory_space<hbm>>) target_semaphore(%run_scoped3A : memref<!tpu.dma_semaphore, #tpu.memory_space<semaphore_mem>>)
      %dma_wait3A = tpu.memref_slice %arg6[%add3A_35] : memref<100352xf32, #tpu.memory_space<hbm>> -> memref<3136xf32, #tpu.memory_space<hbm>>
      %dma_wait3A_37 = tpu.memref_slice %arg6[%add3A_35] : memref<100352xf32, #tpu.memory_space<hbm>> -> memref<3136xf32, #tpu.memory_space<hbm>>
      tpu.wait_dma2 semaphore(%run_scoped3A : memref<!tpu.dma_semaphore, #tpu.memory_space<semaphore_mem>>) src(%arg9 : memref<3136xf32, #tpu.memory_space<vmem>>) dst(%dma_wait3A_37 : memref<3136xf32, #tpu.memory_space<hbm>>)
      tpu.yield
    }) : () -> ()
    return
  }
}

</mosaic_0001>

<sc_bundles>
// kernel: kernel.4.cloned.1.call-start
scs
__scs_entry_jumppad:
0x0: {  	(pc) =	sbr.rel $0x88, $3  }
0x1: {  	(tag) =	ssettag $0x0;
	lr =	simm.s32 $0x1  }
0x2: {  	[smem:$0x3F97] =	sst lr;
	_ =	strace $0xD0000000  }
0x3: {  	_ = 	snop  }
0x4: {  	_ = 	snop  }
0x5: {  	_ = 	snop  }
0x6: {  	_ = 	snop  }
0x7: {  	_ = 	snop  }
__scs_overlays_trampoline_lowered:
0x8: {  	[smem:$0x3FA6] =	sst s0  }
0x9: {  	[smem:$0x3FA7] =	sst s1  }
0xa: {  	[smem:$0x3FA8] =	sst s2  }
0xb: {  	[smem:$0x3FA9] =	sst s3  }
0xc: {  	[smem:$0x3FAA] =	sst s4  }
0xd: {  	[smem:$0x3FAB] =	sst s5  }
0xe: {  	[smem:$0x3FAC] =	sst s6  }
0xf: {  	[smem:$0x3FAD] =	sst s7  }
0x10: {  	[smem:$0x3FAE] =	sst s8  }
0x11: {  	[smem:$0x3FAF] =	sst s9;
	s0 =	simm.s32 @!p0 $0x0  }
0x12: {  	s1 =	sld [smem:$0x3F95];
	s0 =	simm.s32 @p0 $0x1  }
0x13: {  	[smem:$0x3FB0] =	sst s0;
	s0 =	simm.s32 @!p1 $0x0  }
0x14: {  	s2 =	sld [smem:$0x3F94];
	s0 =	simm.s32 @p1 $0x1  }
0x15: {  	[smem:$0x3FB1] =	sst s0;
	s0 =	simm.s32 @!p2 $0x0  }
0x16: {  	s3 =	sld [smem:$0x3FDB];
	s0 =	simm.s32 @p2 $0x1  }
0x17: {  	s4 =	simm.s32 $0x1BF5;
	[smem:$0x3FB3] =	sst s0  }
0x18: {  	s0 =	sld [smem:$0x3F96];
	_ =	swait.ge [sflag:s4], $0x0  }
0x19: {  	s7 =	sld [smem:$0x3F97]  }
0x1a: {  	s8 =	sadd.s32 $0xFFFFE003, lr  }
0x1b: {  	s9 =	sadd.s32 $0xFFFFFEF7, lr;
	s5 =	simm.s32 $0xFFFFFFFF;
	p2 =	slt.u32 s8, $0xFFFFF086  }
0x1c: {  	p1 =	slt.u32 s9, $0xF7A;
	s5 =	simm.s32 @!p2 $0x0  }
0x1d: {  	s5 =	simm.s32 @p1 $0x1;
	p0 =	seq.s32 s7, s2  }
0x1e: {  	s7 =	smul.u32 @!p0 $0xF7A, s2;
	p2 =	seq.s32 @!p0 s5, $0x0  }
0x1f: {  	s9 =	smul.u32 $0xF7A, s1;
	s8 =	simm.s32 @!p0 $0x1BF5;
	p2 =	por !p2, p0  }
0x20: {  	[sflag:s8] =	ssyncset.s32 @!p0 $0xFFFFF086;
	s6 =	sadd.s32 @!p0 s3, s7;
	s7 =	simm.s32 @!p0 $0x108  }
0x21: {  	s3 =	sadd.s32 s3, s9;
	s6 =	sadd.s32 @!p0 $0x88, s6;
	s7 =	simm.s32 @p2 $0x1082  }
0x22: {  	[simem:s7], [sflag:s8] =	dma.local @!p0 [hbm:s6], $0xF7A  }
0x23: {  	s9 =	sor.u32 $0xD0000000, s2;
	s6 =	simm.s32 $0x108;
	_ =	swait.ge @!p0 [sflag:s8], $0x0  }
0x24: {  	s3 =	sadd.s32 $0x88, s3;
	s6 =	simm.s32 @!p1 $0x1082;
	[sflag:s4] =	ssyncset.s32 $0xFFFFF086  }
0x25: {  	[simem:s6], [sflag:s4] =	dma.local [hbm:s3], $0xF7A  }
0x26: {  	[smem:$0x3F97] =	sst s1;
	(tag) =	ssettag s2;
	_ =	strace s9  }
0x27: {  	s1 =	sld [smem:$0x3FA7]  }
0x28: {  	s2 =	sld [smem:$0x3FA8]  }
0x29: {  	s4 =	sld [smem:$0x3FAA]  }
0x2a: {  	p0 =	seq.s32 s5, $0x0;
	s5 =	sld [smem:$0x3FAB]  }
0x2b: {  	s6 =	sld [smem:$0x3FAC]  }
0x2c: {  	s7 =	sld [smem:$0x3FAD]  }
0x2d: {  	s3 =	simm.s32 $0x108;
	s8 =	sld [smem:$0x3FAE]  }
0x2e: {  	s3 =	simm.s32 @!p0 $0x1082;
	s9 =	sld [smem:$0x3FAF]  }
0x2f: {  	lr =	sadd.s32 s0, s3;
	s0 =	sld [smem:$0x3FA6]  }
0x30: {  	s3 =	sld [smem:$0x3FA9]  }
0x31: {  	[smem:$0x3FB2] =	sst s10  }
0x32: {  	s10 =	sld [smem:$0x3FB0];
	_ =	sdelay $0x3  }
0x33: {  	p0 =	seq.s32 s10, $0x1;
	s10 =	sld [smem:$0x3FB2];
	_ =	sdelay $0x3  }
0x34: {  	[smem:$0x3FB2] =	sst s10  }
0x35: {  	s10 =	sld [smem:$0x3FB1];
	_ =	sdelay $0x3  }
0x36: {  	p1 =	seq.s32 s10, $0x1;
	s10 =	sld [smem:$0x3FB2];
	_ =	sdelay $0x3  }
0x37: {  	[smem:$0x3FB2] =	sst s10  }
0x38: {  	s10 =	sld [smem:$0x3FB3]  }
0x39: {  	_ = 	snop;
	(pc) =	sbr.ind lr, $3  }
0x3a: {  	_ = 	snop  }
0x3b: {  	_ = 	snop  }
0x3c: {  	p2 =	seq.s32 s10, $0x1;
	s10 =	sld [smem:$0x3FB2]  }
0x3d: {  	_ =	shalt  }
0x3e: {  	_ =	shalt  }
0x3f: {  	_ =	shalt  }
0x40: {  	_ =	shalt  }
0x41: {  	_ =	shalt  }
0x42: {  	_ =	shalt  }
0x43: {  	_ =	shalt  }
0x44: {  	_ =	shalt  }
0x45: {  	_ =	shalt  }
0x46: {  	_ =	shalt  }
0x47: {  	_ =	shalt  }
0x48: {  	_ =	shalt  }
0x49: {  	_ =	shalt  }
0x4a: {  	_ =	shalt  }
0x4b: {  	_ =	shalt  }
0x4c: {  	_ =	shalt  }
0x4d: {  	_ =	shalt  }
0x4e: {  	_ =	shalt  }
0x4f: {  	_ =	shalt  }
0x50: {  	_ =	shalt  }
0x51: {  	_ =	shalt  }
0x52: {  	_ =	shalt  }
0x53: {  	_ =	shalt  }
0x54: {  	_ =	shalt  }
0x55: {  	_ =	shalt  }
0x56: {  	_ =	shalt  }
0x57: {  	_ =	shalt  }
0x58: {  	_ =	shalt  }
0x59: {  	_ =	shalt  }
0x5a: {  	_ =	shalt  }
0x5b: {  	_ =	shalt  }
0x5c: {  	_ =	shalt  }
0x5d: {  	_ =	shalt  }
0x5e: {  	_ =	shalt  }
0x5f: {  	_ =	shalt  }
0x60: {  	_ =	shalt  }
0x61: {  	_ =	shalt  }
0x62: {  	_ =	shalt  }
0x63: {  	_ =	shalt  }
0x64: {  	_ =	shalt  }
0x65: {  	_ =	shalt  }
0x66: {  	_ =	shalt  }
0x67: {  	_ =	shalt  }
0x68: {  	_ =	shalt  }
0x69: {  	_ =	shalt  }
0x6a: {  	_ =	shalt  }
0x6b: {  	_ =	shalt  }
0x6c: {  	_ =	shalt  }
0x6d: {  	_ =	shalt  }
0x6e: {  	_ =	shalt  }
0x6f: {  	_ =	shalt  }
0x70: {  	_ =	shalt  }
0x71: {  	_ =	shalt  }
0x72: {  	_ =	shalt  }
0x73: {  	_ =	shalt  }
0x74: {  	_ =	shalt  }
0x75: {  	_ =	shalt  }
0x76: {  	_ =	shalt  }
0x77: {  	_ =	shalt  }
0x78: {  	_ =	shalt  }
0x79: {  	_ =	shalt  }
0x7a: {  	_ =	shalt  }
0x7b: {  	_ =	shalt  }
0x7c: {  	_ =	shalt  }
0x7d: {  	_ =	shalt  }
0x7e: {  	_ =	shalt  }
0x7f: {  	_ =	shalt  }
0x80: {  	_ =	shalt  }
0x81: {  	_ =	shalt  }
0x82: {  	_ =	shalt  }
0x83: {  	_ =	shalt  }
0x84: {  	_ =	shalt  }
0x85: {  	_ =	shalt  }
0x86: {  	_ =	shalt  }
0x87: {  	_ =	shalt  }
.Lfunc_end0:
.L_simem_size_0:
called_computation_lowered:
.L_overlay_start_0:
0x88: {  	s2 =	sld [smem:$0x3FD9]  }
0x89: {  	s3 =	sld [smem:$0x3FFE];
	_ =	sdelay $0x1  }
0x8a: {  	s1 =	srdreg.scid  }
0x8b: {  	s0 =	sand.u32 $0x1, s1  }
0x8c: {  	s17 =	sshll.u32 s0, $0xA;
	s2 =	sadd.s32 s3, s2  }
0x8d: {  	s2 =	sadd.s32 s2, s17  }
0x8e: {  	[smem:$0x3FBE] =	sst s2  }
0x8f: {  	_ = 	snop  }
0x90: {  	s2 =	sld [smem:$0x3FC9]  }
0x91: {  	s18 =	sld [smem:$0x3FD0];
	(tm) =	ssettm $0x1  }
0x92: {  	s4 =	sld [smem:$0x3FFB];
	_ =	sdelay $0x3  }
0x93: {  	_ =	strace s4  }
0x94: {  	s4 =	sld [smem:$0x3FFC];
	_ =	sdelay $0x3  }
0x95: {  	_ =	strace s4  }
0x96: {  	s4 =	sld [smem:$0x3FFD];
	_ =	sdelay $0x3  }
0x97: {  	_ =	strace s4  }
0x98: {  	_ =	strace $0x8FFFFFFF  }
0x99: {  	s19 =	sld [smem:$0x3FDB];
	_ =	sdelay $0x1  }
0x9a: {  	s5 =	simm.s32 $_scs_section_size  }
0x9b: {  	s6 =	simm.s32 $_size__tile_overlayer_lowered;
	s7 =	simm.s32 $_tile_overlayer_lowered  }
0x9c: {  	s22 =	simm.s32 $0x1BFF;
	s21 =	sshll.u32 s7, $0x1;
	s4 =	sadd.s32 s5, s19  }
0x9d: {  	s8 =	simm.s32 $0x0;
	s20 =	sshll.u32 s6, $0x1;
	s6 =	sadd.s32 s21, s4  }
0x9e: {  	[timem:s8], [sflag:s22] =	dma.local [hbm:s6], s20  }
0x9f: {  	_ =	swait.ge [sflag:s22], s20  }
0xa0: {  	s5 =	ssub.s32 $0x0, s20;
	[sflag:s22] =	ssyncset.done $0x0  }
0xa1: {  	[sflag:s22] =	ssyncadd.s32 s5;
	_ =	sdelay $0x1  }
0xa2: {  	s23 =	simm.s32 $0x1B8B  }
0xa3: {  	_ =	swait.ge [sflag:s23], $0x1  }
0xa4: {  	[sflag:s23] =	ssyncset.done $0x0  }
0xa5: {  	s25 =	simm.s32 $0x1B8E;
	s24 =	sld [smem:$0x3FFE];
	[sflag:s23] =	ssyncadd.s32 $0xFFFFFFFF  }
0xa6: {  	s26 =	simm.s32 $execute0_lowered;
	[smem:$0x3FD2] =	sst s25  }
0xa7: {  	s6 =	sshll.u32 s26, $0x1;
	_ =	strace $0x80000046;
	[dreg:$0x1] =	wrdreg $0xFFFFFFFF  }
0xa8: {  	s28 =	simm.s32 $_size_execute0_lowered;
	s4 =	sadd.s32 s4, s6;
	[dreg:$0x0] =	wrdreg $0x0  }
0xa9: {  	s6 =	sshll.u32 s28, $0x1;
	[dreg:$0x2] =	wrdreg s4  }
0xaa: {  	[dreg:$0x3] =	wrdreg s6  }
0xab: {  	[dreg:$0x4] =	wrdreg $0xC0  }
0xac: {  	_ =	task [dreg:s8], $0x5FFFF  }
0xad: {  	[dreg:$0x1] =	wrdreg $0xFFFFFFFF  }
0xae: {  	[dreg:$0x0] =	wrdreg $0x60  }
0xaf: {  	[dreg:$0x2] =	wrdreg s24  }
0xb0: {  	[dreg:$0x3] =	wrdreg s2  }
0xb1: {  	[dreg:$0x4] =	wrdreg s18  }
0xb2: {  	[dreg:$0x5] =	wrdreg $0x9  }
0xb3: {  	_ =	task.clear_ibuf [dreg:s8], $0x6FFFF;
	_ =	strace $0x90000046  }
0xb4: {  	s29 =	simm.s32 $0x9;
	_ =	strace $0x80000059  }
0xb5: {  	_ =	swait.ge [sflag:s29], $0x1  }
0xb6: {  	[sflag:s29] =	ssyncadd.s32 $0xFFFFFFFF  }
0xb7: {  	_ =	strace $0x90000059  }
0xb8: {  	_ =	sfence  }
0xb9: {  	s30 =	sld [smem:$0x0];
	_ =	sdelay $0x2  }
0xba: {  	s31 =	sshll.u32 s1, $0xD;
	s1 =	sshrl.u32 s1, $0x2  }
0xbb: {  	s3 =	sand.u32 $0x4000, s31;
	s1 =	sadd.s32 s1, s30  }
0xbc: {  	s0 =	sor.u32 s3, s0;
	s1 =	sshll.u32 s1, $0x11  }
0xbd: {  	s0 =	sor.u32 s1, s0  }
0xbe: {  	s0 =	sadd.s32 $0x8F2B, s0  }
0xbf: {  	[sflag:s0] =	ssyncadd.remote.s32 $0x1  }
0xc0: {  	_ =	sfence.sel $0xFFFF  }
0xc1: {  	[dreg:$0x0] =	wrdreg $0xFFFFFFFF;
	(pc) =	sbr.abs _section_cstart, $3  }
0xc2: {  	[dreg:$0x1] =	wrdreg $0xFFFFFFFF  }
0xc3: {  	_ =	task.clear_ibuf [dreg:s8], $0x2FFFF;
	_ =	strace $0x9FFFFFFF  }
0xc4: {  	(tm) =	ssettm $0x7FFFFFFF  }
0xc5: {  	_ =	shalt  }
tec
execute0_lowered:
.L_overlay_start_1:
0x0: {  	(tag) =	ssettag $0x1  }
0x1: {  	s0 =	rddreg [dreg:$0x0];
	s3 =	simm.s32 $0x0;
	s1 =	srdreg.scid  }
0x2: {  	s4 =	stileid.u32;
	[smem:$0x7FF] =	sst s3;
	s6 =	sadd.s32 $0xF4800, s0  }
0x3: {  	s7 =	sadd.s32 $0xC3A00, s0;
	s1 =	sand.u32 $0x1, s1;
	s8 =	sadd.s32 $0x92C00, s0  }
0x4: {  	s9 =	sadd.s32 $0x61E00, s0;
	_ =	strace $0x80000047;
	[dreg:$0x4] =	wrdreg s6  }
0x5: {  	s10 =	sadd.s32 $0x31000, s0;
	s13 =	sadd.s32 $0x200, s0;
	[dreg:$0x5] =	wrdreg s7  }
0x6: {  	s2 =	sshll.u32 s1, $0x4;
	s1 =	ssub.s32 $0x2, s1;
	[dreg:$0x6] =	wrdreg s8  }
0x7: {  	[dreg:$0x7] =	wrdreg s9;
	s2 =	sor.u32 s4, s2;
	s23 =	sshrl.u32 s1, $0x1  }
0x8: {  	[dreg:$0x8] =	wrdreg s10;
	s5 =	smul.u32 $0x186A, s2;
	s24 =	ssub.s32 s1, s23  }
0x9: {  	s11 =	sadd.s32 $0x125600, s0;
	[dreg:$0x9] =	wrdreg s13;
	s0 =	smax.u32 s24, $0x1  }
0xa: {  	s25 =	sadd.s32 s6, s5;
	[dreg:$0x10] =	wrdreg s0  }
0xb: {  	s26 =	sadd.s32 s7, s5;
	[dreg:$0xa] =	wrdreg s25  }
0xc: {  	s28 =	sadd.s32 s8, s5;
	[dreg:$0xb] =	wrdreg s26  }
0xd: {  	s29 =	sadd.s32 s9, s5;
	[dreg:$0xc] =	wrdreg s28  }
0xe: {  	s30 =	sadd.s32 s10, s5;
	[dreg:$0xd] =	wrdreg s29  }
0xf: {  	s31 =	sadd.s32 s13, s5;
	[dreg:$0xe] =	wrdreg s30  }
0x10: {  	s12 =	smul.u32 $0x19, s2;
	s1 =	simm.s32 $0x0;
	[dreg:$0xf] =	wrdreg s31  }
.LBB2_1:
0x11: {  	[dreg:$0x11] =	wrdreg s1  }
0x12: {  	s0 =	rddreg [dreg:$0x1];
	s2 =	simm.s32 $0x1  }
0x13: {  	[tilespmem:s3], [sflag:$0x1] =	stream.linear.gather [hbm4b:s0+s3], $0xC380, $0x38;
	[tilespmem:$0x13400] =	vst v63  }
0x14: {  	_ =	swait.ge [sflag:s2], $0xC380  }
0x15: {  	[sflag:s2] =	ssyncset.done $0x0  }
0x16: {  	[sflag:s2] =	ssyncadd.s32 $0xFFFF3C80  }
0x17: {  	s17 =	simm.s32 $0xC380;
	s16 =	rddreg [dreg:$0x2]  }
0x18: {  	[tilespmem:s17], [sflag:$0x1] =	stream.linear.gather [hbm4b:s16+s3], $0x80, $0x38;
	[tilespmem:$0x13400] =	vst v63  }
0x19: {  	_ =	swait.ge [sflag:s2], $0x80  }
0x1a: {  	[sflag:s2] =	ssyncset.done $0x0  }
0x1b: {  	[sflag:s2] =	ssyncadd.s32 $0xFFFFFF80  }
0x1c: {  	v0 =	vld [tilespmem:$0xC380]  }
0x1d: {  	s19 =	simm.s32 $0xC400;
	s21 =	simm.s32 $0xD400;
	s23 =	simm.s32 $0xE400;
	v1 =	vld [tilespmem:$0xC390]  }
0x1e: {  	s25 =	simm.s32 $0xF400;
	s28 =	simm.s32 $0x10400;
	v2 =	vld [tilespmem:$0xC3A0];
	_ =	strace $0x80000048  }
0x1f: {  	s30 =	simm.s32 $0x11400;
	s31 =	simm.s32 $0x0;
	s18 =	rddreg [dreg:$0xa]  }
0x20: {  	s4 =	simm.s32 $0x0;
	s1 =	simm.s32 $0x1;
	s20 =	rddreg [dreg:$0xb]  }
0x21: {  	[tilespmem:s19], [sflag:$0x1] =	stream.linear.gather [hbm4b:s18+s3], $0x7D0, $0x200038;
	[tilespmem:$0x13400] =	vst v63  }
0x22: {  	s13 =	simm.s32 $0x1;
	s14 =	simm.s32 $0x1;
	s22 =	rddreg [dreg:$0xc]  }
0x23: {  	[tilespmem:s21], [sflag:$0x3] =	stream.linear.gather [hbm4b:s20+s3], $0x7D0, $0x200038;
	[tilespmem:$0x13400] =	vst v63  }
0x24: {  	s0 =	simm.s32 $0x0;
	s17 =	simm.s32 $0x0;
	s24 =	rddreg [dreg:$0xd]  }
0x25: {  	[tilespmem:s23], [sflag:$0x5] =	stream.linear.gather [hbm4b:s22+s3], $0x7D0, $0x200038;
	[tilespmem:$0x13400] =	vst v63  }
0x26: {  	s16 =	simm.s32 $0x1;
	s2 =	simm.s32 $0x0;
	s26 =	rddreg [dreg:$0xe]  }
0x27: {  	[tilespmem:s25], [sflag:$0x7] =	stream.linear.gather [hbm4b:s24+s3], $0x7D0, $0x200038;
	[tilespmem:$0x13400] =	vst v63  }
0x28: {  	s29 =	rddreg [dreg:$0xf];
	s20 =	simm.s32 $0x0;
	s21 =	simm.s32 $0x0  }
0x29: {  	[tilespmem:s28], [sflag:$0x9] =	stream.linear.gather [hbm4b:s26+s3], $0x7D0, $0x200038;
	[tilespmem:$0x13400] =	vst v63  }
0x2a: {  	s22 =	simm.s32 $0x0;
	s23 =	simm.s32 $0x0;
	s24 =	simm.s32 $0x1  }
0x2b: {  	[tilespmem:s30], [sflag:$0xB] =	stream.linear.gather [hbm4b:s29+s3], $0x7D0, $0x200038;
	[tilespmem:$0x13400] =	vst v63  }
0x2c: {  	s25 =	simm.s32 $0x1;
	s26 =	simm.s32 $0x0;
	_ =	strace $0x90000048  }
.LBB2_2:
0x2d: {  	p0 =	seq.s32 s26, $0x18  }
.Ltmp0:
0x2e: {  	_ = 	snop;
	(pc) =	sbr.rel @p0 .LBB2_4-.Ltmp0, $4  }
0x2f: {  	_ = 	snop  }
0x30: {  	s15 =	sadd.s32 $0x1, s17  }
0x31: {  	p1 =	seq.s32 s15, $0x19  }
0x32: {  	s18 =	simm.s32 $0x0;
	s15 =	simm.s32 @p1 $0x0  }
0x33: {  	p1 =	seq.s32 s17, s15  }
0x34: {  	s5 =	sand.u32 @!p1 $0x1, s16  }
0x35: {  	s18 =	sadd.s32 @!p1 s12, s15;
	s19 =	smul.u32 @!p1 $0x1F40, s5  }
0x36: {  	s18 =	smul.u32 @!p1 $0x7D0, s18  }
0x37: {  	_ =	strace @!p1 $0x80000049;
	s29 =	simm.s32 @!p1 $0x0  }
0x38: {  	s6 =	rddreg [dreg:$0x4];
	s19 =	sshrl.u32 @!p1 s19, $0x2;
	s18 =	sshrl.u32 @!p1 s18, $0x3  }
0x39: {  	s5 =	sadd.s32 @!p1 $0x1, s5;
	s19 =	sadd.s32 @!p1 $0xC400, s19;
	s28 =	sadd.s32 @!p1 s6, s18  }
0x3a: {  	[tilespmem:s19], [sflag:s5] =	stream.linear.gather @!p1 [hbm4b:s28+s29], $0x7D0, $0x200038;
	[tilespmem:$0x13400] =	vst v63  }
0x3b: {  	s5 =	sand.u32 @!p1 $0x1, s14  }
0x3c: {  	s19 =	smul.u32 @!p1 $0x1F40, s5;
	_ =	strace @!p1 $0x90000049  }
0x3d: {  	_ =	strace @!p1 $0x8000004A  }
0x3e: {  	s19 =	sshrl.u32 @!p1 s19, $0x2;
	s6 =	rddreg [dreg:$0x5]  }
0x3f: {  	s5 =	sadd.s32 @!p1 $0x3, s5;
	s19 =	sadd.s32 @!p1 $0xD400, s19;
	s28 =	sadd.s32 @!p1 s6, s18  }
0x40: {  	[tilespmem:s19], [sflag:s5] =	stream.linear.gather @!p1 [hbm4b:s28+s29], $0x7D0, $0x200038;
	[tilespmem:$0x13400] =	vst v63  }
0x41: {  	s5 =	sand.u32 @!p1 $0x1, s13  }
0x42: {  	s19 =	smul.u32 @!p1 $0x1F40, s5;
	_ =	strace @!p1 $0x9000004A  }
0x43: {  	_ =	strace @!p1 $0x8000004B  }
0x44: {  	s19 =	sshrl.u32 @!p1 s19, $0x2;
	s6 =	rddreg [dreg:$0x6]  }
0x45: {  	s5 =	sadd.s32 @!p1 $0x5, s5;
	s19 =	sadd.s32 @!p1 $0xE400, s19;
	s28 =	sadd.s32 @!p1 s6, s18  }
0x46: {  	[tilespmem:s19], [sflag:s5] =	stream.linear.gather @!p1 [hbm4b:s28+s29], $0x7D0, $0x200038;
	[tilespmem:$0x13400] =	vst v63  }
0x47: {  	s5 =	sand.u32 @!p1 $0x1, s25  }
0x48: {  	s19 =	smul.u32 @!p1 $0x1F40, s5;
	_ =	strace @!p1 $0x9000004B  }
0x49: {  	_ =	strace @!p1 $0x8000004C  }
0x4a: {  	s19 =	sshrl.u32 @!p1 s19, $0x2;
	s6 =	rddreg [dreg:$0x7]  }
0x4b: {  	s5 =	sadd.s32 @!p1 $0x7, s5;
	s19 =	sadd.s32 @!p1 $0xF400, s19;
	s28 =	sadd.s32 @!p1 s6, s18  }
0x4c: {  	[tilespmem:s19], [sflag:s5] =	stream.linear.gather @!p1 [hbm4b:s28+s29], $0x7D0, $0x200038;
	[tilespmem:$0x13400] =	vst v63  }
0x4d: {  	s5 =	sand.u32 @!p1 $0x1, s24  }
0x4e: {  	s19 =	smul.u32 @!p1 $0x1F40, s5;
	_ =	strace @!p1 $0x9000004C  }
0x4f: {  	_ =	strace @!p1 $0x8000004D  }
0x50: {  	s30 =	sadd.s32 @!p1 $0x1, s24;
	s19 =	sshrl.u32 @!p1 s19, $0x2;
	s6 =	rddreg [dreg:$0x8]  }
0x51: {  	s5 =	sadd.s32 @!p1 $0x9, s5;
	s19 =	sadd.s32 @!p1 $0x10400, s19;
	s28 =	sadd.s32 @!p1 s6, s18  }
0x52: {  	[tilespmem:s19], [sflag:s5] =	stream.linear.gather @!p1 [hbm4b:s28+s29], $0x7D0, $0x200038;
	[tilespmem:$0x13400] =	vst v63  }
0x53: {  	s30 =	smov.u32 @p1 s24;
	s5 =	sand.u32 @!p1 $0x1, s1  }
0x54: {  	s24 =	smov.u32 s30;
	s19 =	smul.u32 @!p1 $0x1F40, s5;
	_ =	strace @!p1 $0x9000004D  }
0x55: {  	s28 =	sadd.s32 @!p1 $0x1, s16;
	s5 =	sadd.s32 @!p1 $0xB, s5;
	_ =	strace @!p1 $0x8000004E  }
0x56: {  	s28 =	smov.u32 @p1 s16;
	s19 =	sshrl.u32 @!p1 s19, $0x2;
	s6 =	rddreg [dreg:$0x9]  }
0x57: {  	s16 =	smov.u32 s28;
	s19 =	sadd.s32 @!p1 $0x11400, s19;
	s18 =	sadd.s32 @!p1 s6, s18  }
0x58: {  	[tilespmem:s19], [sflag:s5] =	stream.linear.gather @!p1 [hbm4b:s18+s29], $0x7D0, $0x200038;
	[tilespmem:$0x13400] =	vst v63  }
0x59: {  	s5 =	sadd.s32 @!p1 $0x1, s14;
	s19 =	sadd.s32 @!p1 $0x1, s13;
	s29 =	sadd.s32 @!p1 $0x1, s25  }
0x5a: {  	s18 =	simm.s32 @!p1 $0x1;
	s19 =	smov.u32 @p1 s13;
	s5 =	smov.u32 @p1 s14  }
0x5b: {  	s29 =	smov.u32 @p1 s25;
	_ =	strace @!p1 $0x9000004E;
	s18 =	simm.s32 @p1 $0x0  }
0x5c: {  	s13 =	smov.u32 s19;
	s14 =	smov.u32 s5;
	s25 =	smov.u32 s29  }
.LBB2_4:
0x5d: {  	s5 =	sand.u32 $0x1, s23  }
0x5e: {  	_ =	strace $0x8000004F;
	s19 =	sadd.s32 $0x1, s5  }
0x5f: {  	_ =	swait.ge [sflag:s19], $0x7D0  }
0x60: {  	[sflag:s19] =	ssyncset.done $0x0  }
0x61: {  	[sflag:s19] =	ssyncadd.s32 $0xFFFFF830  }
0x62: {  	s10 =	sand.u32 $0x1, s22;
	_ =	strace $0x9000004F  }
0x63: {  	s28 =	sadd.s32 $0x3, s10;
	_ =	strace $0x80000050  }
0x64: {  	_ =	swait.ge [sflag:s28], $0x7D0  }
0x65: {  	[sflag:s28] =	ssyncset.done $0x0  }
0x66: {  	[sflag:s28] =	ssyncadd.s32 $0xFFFFF830  }
0x67: {  	s28 =	sand.u32 $0x1, s21;
	_ =	strace $0x90000050  }
0x68: {  	s29 =	sadd.s32 $0x5, s28;
	_ =	strace $0x80000051  }
0x69: {  	_ =	swait.ge [sflag:s29], $0x7D0  }
0x6a: {  	[sflag:s29] =	ssyncset.done $0x0  }
0x6b: {  	[sflag:s29] =	ssyncadd.s32 $0xFFFFF830  }
0x6c: {  	s29 =	sand.u32 $0x1, s20;
	_ =	strace $0x90000051  }
0x6d: {  	s30 =	sadd.s32 $0x7, s29;
	_ =	strace $0x80000052  }
0x6e: {  	s8 =	simm.s32 $0xDBD0;
	_ =	swait.ge [sflag:s30], $0x7D0  }
0x6f: {  	p1 =	seq.s32 s5, $0x1;
	s5 =	simm.s32 $0xCBD0;
	[sflag:s30] =	ssyncset.done $0x0  }
0x70: {  	s9 =	simm.s32 $0xEBD0;
	s5 =	simm.s32 @!p1 $0xC400;
	[sflag:s30] =	ssyncadd.s32 $0xFFFFF830  }
0x71: {  	p1 =	seq.s32 s10, $0x1;
	s30 =	sand.u32 $0x1, s2;
	_ =	strace $0x90000052  }
0x72: {  	s10 =	simm.s32 $0xFBD0;
	s6 =	sadd.s32 $0x9, s30;
	_ =	strace $0x80000053  }
0x73: {  	s8 =	simm.s32 @!p1 $0xD400;
	v4 =	vmov s5;
	s5 =	simm.s32 $0x40;
	_ =	swait.ge [sflag:s6], $0x7D0  }
0x74: {  	s19 =	sand.u32 $0x1, s0;
	p1 =	seq.s32 s28, $0x1;
	[sflag:s6] =	ssyncset.done $0x0  }
0x75: {  	s28 =	smul.u32 $0x1F40, s19;
	s9 =	simm.s32 @!p1 $0xE400;
	[sflag:s6] =	ssyncadd.s32 $0xFFFFF830  }
0x76: {  	p1 =	seq.s32 s29, $0x1;
	s6 =	sand.u32 $0x1, s4;
	_ =	strace $0x90000053  }
0x77: {  	s10 =	simm.s32 @!p1 $0xF400;
	s7 =	sadd.s32 $0xB, s6;
	_ =	strace $0x80000054  }
0x78: {  	v7 =	vmov s8;
	p1 =	seq.s32 s30, $0x1;
	s30 =	simm.s32 $0x10BD0;
	_ =	swait.ge [sflag:s7], $0x7D0  }
0x79: {  	s30 =	simm.s32 @!p1 $0x10400;
	p1 =	seq.s32 s6, $0x1;
	[sflag:s7] =	ssyncset.done $0x0  }
0x7a: {  	s6 =	simm.s32 $0x11BD0;
	[sflag:s7] =	ssyncadd.s32 $0xFFFFF830;
	s7 =	sshrl.u32 s28, $0x2  }
0x7b: {  	v5 =	vmov s9;
	v8 =	vmov s10;
	s6 =	simm.s32 @!p1 $0x11400;
	_ =	strace $0x90000054;
	s28 =	sadd.s32 $0x12400, s7  }
0x7c: {  	s29 =	sadd.s32 s12, s17;
	v9 =	vmov s30;
	s30 =	simm.s32 $0x0;
	v6 =	vmov s6;
	_ =	strace $0x80000055;
	v3 =	vmov s28  }
.LBB2_5:
0x7d: {  	p1 =	sne.s32 s5, $0x1F00;
	v10 =	vld.idx.msk [tilespmem:v7+s30+$0x0 ss:$0x1], $0xffff;
	_ =	sdelay $0x5  }
0x7e: {  	v11 =	vmul.f32 v10, v0  }
0x7f: {  	v12 =	vld.idx.msk [tilespmem:v8+s30+$0x0 ss:$0x1], $0xffff  }
0x80: {  	v11 =	vmul.f32 $1.442695020e+00, v11;
	v13 =	vld.idx.msk [tilespmem:v9+s30+$0x0 ss:$0x1], $0xffff;
	_ =	sdelay $0x1  }
0x81: {  	v14 =	vld.idx.msk [tilespmem:v6+s30+$0x0 ss:$0x1], $0xffff;
	(erf) = vpow2.f32 v11;
	_ =	sdelay $0x2  }
0x82: {  	v11 =	vld.idx.msk [tilespmem:v5+s30+$0x0 ss:$0x1], $0xffff  }
0x83: {  	v15 =	vld.idx.msk [tilespmem:v4+s30+$0x0 ss:$0x1], $0xffff  }
0x84: {  	v12 =	vld.idx.msk [tilespmem:v12+s3+$0x0], $0xffff  }
0x85: {  	v13 =	vld.idx.msk [tilespmem:v13+s3+$0x0], $0xffff;
	_ =	sdelay $0x1  }
0x86: {  	v14 =	vld.idx.msk [tilespmem:v14+s3+$0x0], $0xffff  }
0x87: {  	v16 =	vpop (erf)  }
0x88: {  	v10 =	vmul.f32 v10, v1;
	v15 =	vmul.f32 v16, v15;
	_ =	sdelay $0x1  }
0x89: {  	v11 =	vmul.f32 v11, v2;
	v12 =	vmul.f32 v13, v12;
	v10 =	vadd.f32 v15, v10;
	_ =	sdelay $0x1  }
.Ltmp1:
0x8a: {  	v10 =	vadd.f32 v10, v11;
	v11 =	vmul.f32 v14, v12;
	(pc) =	sbr.rel @p1 .LBB2_5-.Ltmp1, $3  }
0x8b: {  	_ = 	snop  }
0x8c: {  	v10 =	vmul.f32 v11, v10;
	_ =	sdelay $0x1  }
0x8d: {  	[tilespmem:v3+s30+$0x0 ss:$0x1] =	vst.idx.msk $0xffff, v10;
	s30 =	sshra.s32 s5, $0x2;
	s5 =	sadd.s32 $0x40, s5  }
0x8e: {  	_ =	sdelay $0x3  }
0x8f: {  	v7 =	vld.idx.msk [tilespmem:v7+s30+$0x0 ss:$0x1], $0xffff;
	_ =	sdelay $0x4  }
0x90: {  	v10 =	vmul.f32 v7, v0;
	_ =	sdelay $0x1  }
0x91: {  	v8 =	vld.idx.msk [tilespmem:v8+s30+$0x0 ss:$0x1], $0xffff;
	v10 =	vmul.f32 $1.442695020e+00, v10  }
0x92: {  	v9 =	vld.idx.msk [tilespmem:v9+s30+$0x0 ss:$0x1], $0xffff  }
0x93: {  	(erf) = vpow2.f32 v10  }
0x94: {  	v6 =	vld.idx.msk [tilespmem:v6+s30+$0x0 ss:$0x1], $0xffff;
	_ =	sdelay $0x2  }
0x95: {  	v5 =	vld.idx.msk [tilespmem:v5+s30+$0x0 ss:$0x1], $0xffff  }
0x96: {  	v4 =	vld.idx.msk [tilespmem:v4+s30+$0x0 ss:$0x1], $0xffff  }
0x97: {  	v8 =	vld.idx.msk [tilespmem:v8+s3+$0x0], $0xffff  }
0x98: {  	v9 =	vld.idx.msk [tilespmem:v9+s3+$0x0], $0xffff;
	_ =	sdelay $0x1  }
0x99: {  	v6 =	vld.idx.msk [tilespmem:v6+s3+$0x0], $0xffff;
	v10 =	vpop (erf)  }
0x9a: {  	v7 =	vmul.f32 v7, v1;
	v4 =	vmul.f32 v10, v4;
	_ =	sdelay $0x1  }
0x9b: {  	v5 =	vmul.f32 v5, v2;
	v62 =	vmul.f32 v9, v8;
	v4 =	vadd.f32 v4, v7;
	_ =	sdelay $0x1  }
0x9c: {  	v63 =	vmul.f32 v6, v62;
	v4 =	vadd.f32 v4, v5  }
0x9d: {  	p1 =	sne.s32 s17, s15  }
0x9e: {  	p0 =	por p0, p1;
	v4 =	vmul.f32 v63, v4  }
0x9f: {  	s5 =	smul.u32 @p0 $0x7D0, s29  }
0xa0: {  	p1 =	seq.s32 s26, $0x0;
	[tilespmem:v3+s30+$0x0 ss:$0x1] =	vst.idx.msk $0xffff, v4  }
0xa1: {  	s6 =	sadd.s32 @p0 $0xD, s19;
	s5 =	sshrl.u32 @p0 s5, $0x3;
	_ =	strace $0x90000055  }
0xa2: {  	s7 =	simm.s32 @p0 $0x0;
	s5 =	sadd.s32 @p0 s11, s5;
	_ =	strace @p0 $0x80000056  }
0xa3: {  	[hbm4b:s5+s7] =	stream.linear.scatter @p0 [tilespmem:s28], [sflag:s6], $0x7D0, $0x200038;
	[tilespmem:$0x13400] =	vst v63  }
0xa4: {  	s5 =	sand.u32 @!p1 $0x1, s31;
	_ =	strace @p0 $0x90000056  }
0xa5: {  	s5 =	sadd.s32 @!p1 $0xD, s5;
	_ =	strace @!p1 $0x80000057  }
0xa6: {  	s6 =	simm.s32 $0x1;
	_ =	swait.ge @!p1 [sflag:s5], $0x7D0  }
0xa7: {  	s6 =	simm.s32 @!p0 $0x0;
	p0 =	sne.s32 s26, $0x0;
	[sflag:s5] =	ssyncset.done @!p1 $0x0  }
0xa8: {  	s26 =	sadd.s32 $0x1, s26;
	[sflag:s5] =	ssyncadd.s32 @!p1 $0xFFFFF830;
	s5 =	simm.s32 $0x1  }
0xa9: {  	s5 =	simm.s32 @!p0 $0x0;
	p0 =	sne.s32 s26, $0x19  }
.Ltmp2:
0xaa: {  	_ = 	snop;
	(pc) =	sbr.rel @p0 .LBB2_2-.Ltmp2, $4  }
0xab: {  	s1 =	sadd.s32 s1, s18;
	s17 =	smov.u32 s15  }
0xac: {  	s0 =	sadd.s32 s6, s0;
	s23 =	sadd.s32 s6, s23;
	s22 =	sadd.s32 s6, s22  }
0xad: {  	s21 =	sadd.s32 s6, s21;
	s20 =	sadd.s32 s6, s20;
	s2 =	sadd.s32 s6, s2  }
0xae: {  	s4 =	sadd.s32 s6, s4;
	_ =	strace @!p1 $0x90000057;
	s31 =	sadd.s32 s5, s31  }
0xaf: {  	_ =	strace $0x80000058;
	s0 =	simm.s32 $0xD  }
0xb0: {  	_ =	swait.ge [sflag:s0], $0x7D0  }
0xb1: {  	s1 =	rddreg [dreg:$0x11]  }
0xb2: {  	s31 =	rddreg [dreg:$0x10];
	s1 =	sadd.s32 $0x1, s1  }
0xb3: {  	p0 =	sne.s32 s1, s31  }
.Ltmp3:
0xb4: {  	_ = 	snop;
	(pc) =	sbr.rel @p0 .LBB2_1-.Ltmp3, $4  }
0xb5: {  	_ = 	snop  }
0xb6: {  	[sflag:s0] =	ssyncset.done $0x0  }
0xb7: {  	[sflag:s0] =	ssyncadd.s32 $0xFFFFF830  }
0xb8: {  	_ =	strace $0x90000058  }
0xb9: {  	_ =	sfence.sel $0x180000  }
0xba: {  	[bflag:$0x0] =	sbarrier.arrive $0xFFFF  }
0xbb: {  	_ =	strace $0x90000047  }
0xbc: {  	s0 =	stileid.u32;
	[bflag:$0x2] =	sbarrier.arrive $0xFFFF  }
0xbd: {  	p0 =	sne.s32 s0, $0x0;
	s0 =	rddreg [dreg:$0x3]  }
0xbe: {  	s0 =	sadd.s32 @!p0 $0x100000, s0  }
0xbf: {  	[sflag:s0] =	ssyncadd.tile.s32 @!p0 $0x1;
	_ =	shalt  }
.Lfunc_end2:
_tile_overlayer_lowered:
.L_overlay_start_2:
0xc0: {  	(tag) =	ssettag $0x2  }
0xc1: {  	s0 =	rddreg [dreg:$0x0];
	s2 =	stileid.u32  }
0xc2: {  	s1 =	rddreg [dreg:$0x1];
	p0 =	sne.s32 s2, $0x0  }
0xc3: {  	s3 =	rddreg [dreg:$0x2];
	[bflag:$0x3] =	sbarrier.arrive $0xFFFF;
	s2 =	simm.s32 @!p0 $0x1C01  }
0xc4: {  	[timem:s3], [sflag:s2] =	dma.local @!p0 [hbm:s0], s1  }
0xc5: {  	s0 =	simm.s32 @!p0 $0x1  }
0xc6: {  	_ =	swait.ge @!p0 [sflag:s0], s1  }
0xc7: {  	s1 =	ssub.s32 @!p0 $0x0, s1;
	[sflag:s0] =	ssyncset.done @!p0 $0x0  }
0xc8: {  	[sflag:s0] =	ssyncadd.s32 @!p0 s1  }
0xc9: {  	[bflag:$0x3] =	sbarrier.arrive $0xFFFF  }
0xca: {  	_ =	shalt  }

// kernel: kernel.7.cloned.1.call-start
scs
__scs_entry_jumppad:
0x0: {  	(pc) =	sbr.rel $0x88, $3  }
0x1: {  	(tag) =	ssettag $0x0;
	lr =	simm.s32 $0x1  }
0x2: {  	[smem:$0x3F97] =	sst lr;
	_ =	strace $0xD0000000  }
0x3: {  	_ = 	snop  }
0x4: {  	_ = 	snop  }
0x5: {  	_ = 	snop  }
0x6: {  	_ = 	snop  }
0x7: {  	_ = 	snop  }
__scs_overlays_trampoline_lowered:
0x8: {  	[smem:$0x3FA6] =	sst s0  }
0x9: {  	[smem:$0x3FA7] =	sst s1  }
0xa: {  	[smem:$0x3FA8] =	sst s2  }
0xb: {  	[smem:$0x3FA9] =	sst s3  }
0xc: {  	[smem:$0x3FAA] =	sst s4  }
0xd: {  	[smem:$0x3FAB] =	sst s5  }
0xe: {  	[smem:$0x3FAC] =	sst s6  }
0xf: {  	[smem:$0x3FAD] =	sst s7  }
0x10: {  	[smem:$0x3FAE] =	sst s8  }
0x11: {  	[smem:$0x3FAF] =	sst s9;
	s0 =	simm.s32 @!p0 $0x0  }
0x12: {  	s1 =	sld [smem:$0x3F95];
	s0 =	simm.s32 @p0 $0x1  }
0x13: {  	[smem:$0x3FB0] =	sst s0;
	s0 =	simm.s32 @!p1 $0x0  }
0x14: {  	s2 =	sld [smem:$0x3F94];
	s0 =	simm.s32 @p1 $0x1  }
0x15: {  	[smem:$0x3FB1] =	sst s0;
	s0 =	simm.s32 @!p2 $0x0  }
0x16: {  	s3 =	sld [smem:$0x3FDB];
	s0 =	simm.s32 @p2 $0x1  }
0x17: {  	s4 =	simm.s32 $0x1BF5;
	[smem:$0x3FB3] =	sst s0  }
0x18: {  	s0 =	sld [smem:$0x3F96];
	_ =	swait.ge [sflag:s4], $0x0  }
0x19: {  	s7 =	sld [smem:$0x3F97]  }
0x1a: {  	s8 =	sadd.s32 $0xFFFFE003, lr  }
0x1b: {  	s9 =	sadd.s32 $0xFFFFFEF7, lr;
	s5 =	simm.s32 $0xFFFFFFFF;
	p2 =	slt.u32 s8, $0xFFFFF086  }
0x1c: {  	p1 =	slt.u32 s9, $0xF7A;
	s5 =	simm.s32 @!p2 $0x0  }
0x1d: {  	s5 =	simm.s32 @p1 $0x1;
	p0 =	seq.s32 s7, s2  }
0x1e: {  	s7 =	smul.u32 @!p0 $0xF7A, s2;
	p2 =	seq.s32 @!p0 s5, $0x0  }
0x1f: {  	s9 =	smul.u32 $0xF7A, s1;
	s8 =	simm.s32 @!p0 $0x1BF5;
	p2 =	por !p2, p0  }
0x20: {  	[sflag:s8] =	ssyncset.s32 @!p0 $0xFFFFF086;
	s6 =	sadd.s32 @!p0 s3, s7;
	s7 =	simm.s32 @!p0 $0x108  }
0x21: {  	s3 =	sadd.s32 s3, s9;
	s6 =	sadd.s32 @!p0 $0x88, s6;
	s7 =	simm.s32 @p2 $0x1082  }
0x22: {  	[simem:s7], [sflag:s8] =	dma.local @!p0 [hbm:s6], $0xF7A  }
0x23: {  	s9 =	sor.u32 $0xD0000000, s2;
	s6 =	simm.s32 $0x108;
	_ =	swait.ge @!p0 [sflag:s8], $0x0  }
0x24: {  	s3 =	sadd.s32 $0x88, s3;
	s6 =	simm.s32 @!p1 $0x1082;
	[sflag:s4] =	ssyncset.s32 $0xFFFFF086  }
0x25: {  	[simem:s6], [sflag:s4] =	dma.local [hbm:s3], $0xF7A  }
0x26: {  	[smem:$0x3F97] =	sst s1;
	(tag) =	ssettag s2;
	_ =	strace s9  }
0x27: {  	s1 =	sld [smem:$0x3FA7]  }
0x28: {  	s2 =	sld [smem:$0x3FA8]  }
0x29: {  	s4 =	sld [smem:$0x3FAA]  }
0x2a: {  	p0 =	seq.s32 s5, $0x0;
	s5 =	sld [smem:$0x3FAB]  }
0x2b: {  	s6 =	sld [smem:$0x3FAC]  }
0x2c: {  	s7 =	sld [smem:$0x3FAD]  }
0x2d: {  	s3 =	simm.s32 $0x108;
	s8 =	sld [smem:$0x3FAE]  }
0x2e: {  	s3 =	simm.s32 @!p0 $0x1082;
	s9 =	sld [smem:$0x3FAF]  }
0x2f: {  	lr =	sadd.s32 s0, s3;
	s0 =	sld [smem:$0x3FA6]  }
0x30: {  	s3 =	sld [smem:$0x3FA9]  }
0x31: {  	[smem:$0x3FB2] =	sst s10  }
0x32: {  	s10 =	sld [smem:$0x3FB0];
	_ =	sdelay $0x3  }
0x33: {  	p0 =	seq.s32 s10, $0x1;
	s10 =	sld [smem:$0x3FB2];
	_ =	sdelay $0x3  }
0x34: {  	[smem:$0x3FB2] =	sst s10  }
0x35: {  	s10 =	sld [smem:$0x3FB1];
	_ =	sdelay $0x3  }
0x36: {  	p1 =	seq.s32 s10, $0x1;
	s10 =	sld [smem:$0x3FB2];
	_ =	sdelay $0x3  }
0x37: {  	[smem:$0x3FB2] =	sst s10  }
0x38: {  	s10 =	sld [smem:$0x3FB3]  }
0x39: {  	_ = 	snop;
	(pc) =	sbr.ind lr, $3  }
0x3a: {  	_ = 	snop  }
0x3b: {  	_ = 	snop  }
0x3c: {  	p2 =	seq.s32 s10, $0x1;
	s10 =	sld [smem:$0x3FB2]  }
0x3d: {  	_ =	shalt  }
0x3e: {  	_ =	shalt  }
0x3f: {  	_ =	shalt  }
0x40: {  	_ =	shalt  }
0x41: {  	_ =	shalt  }
0x42: {  	_ =	shalt  }
0x43: {  	_ =	shalt  }
0x44: {  	_ =	shalt  }
0x45: {  	_ =	shalt  }
0x46: {  	_ =	shalt  }
0x47: {  	_ =	shalt  }
0x48: {  	_ =	shalt  }
0x49: {  	_ =	shalt  }
0x4a: {  	_ =	shalt  }
0x4b: {  	_ =	shalt  }
0x4c: {  	_ =	shalt  }
0x4d: {  	_ =	shalt  }
0x4e: {  	_ =	shalt  }
0x4f: {  	_ =	shalt  }
0x50: {  	_ =	shalt  }
0x51: {  	_ =	shalt  }
0x52: {  	_ =	shalt  }
0x53: {  	_ =	shalt  }
0x54: {  	_ =	shalt  }
0x55: {  	_ =	shalt  }
0x56: {  	_ =	shalt  }
0x57: {  	_ =	shalt  }
0x58: {  	_ =	shalt  }
0x59: {  	_ =	shalt  }
0x5a: {  	_ =	shalt  }
0x5b: {  	_ =	shalt  }
0x5c: {  	_ =	shalt  }
0x5d: {  	_ =	shalt  }
0x5e: {  	_ =	shalt  }
0x5f: {  	_ =	shalt  }
0x60: {  	_ =	shalt  }
0x61: {  	_ =	shalt  }
0x62: {  	_ =	shalt  }
0x63: {  	_ =	shalt  }
0x64: {  	_ =	shalt  }
0x65: {  	_ =	shalt  }
0x66: {  	_ =	shalt  }
0x67: {  	_ =	shalt  }
0x68: {  	_ =	shalt  }
0x69: {  	_ =	shalt  }
0x6a: {  	_ =	shalt  }
0x6b: {  	_ =	shalt  }
0x6c: {  	_ =	shalt  }
0x6d: {  	_ =	shalt  }
0x6e: {  	_ =	shalt  }
0x6f: {  	_ =	shalt  }
0x70: {  	_ =	shalt  }
0x71: {  	_ =	shalt  }
0x72: {  	_ =	shalt  }
0x73: {  	_ =	shalt  }
0x74: {  	_ =	shalt  }
0x75: {  	_ =	shalt  }
0x76: {  	_ =	shalt  }
0x77: {  	_ =	shalt  }
0x78: {  	_ =	shalt  }
0x79: {  	_ =	shalt  }
0x7a: {  	_ =	shalt  }
0x7b: {  	_ =	shalt  }
0x7c: {  	_ =	shalt  }
0x7d: {  	_ =	shalt  }
0x7e: {  	_ =	shalt  }
0x7f: {  	_ =	shalt  }
0x80: {  	_ =	shalt  }
0x81: {  	_ =	shalt  }
0x82: {  	_ =	shalt  }
0x83: {  	_ =	shalt  }
0x84: {  	_ =	shalt  }
0x85: {  	_ =	shalt  }
0x86: {  	_ =	shalt  }
0x87: {  	_ =	shalt  }
.Lfunc_end0:
.L_simem_size_0:
called_computation.1_lowered:
.L_overlay_start_0:
0x88: {  	s2 =	sld [smem:$0x3FD9]  }
0x89: {  	s3 =	sld [smem:$0x3FFE];
	_ =	sdelay $0x1  }
0x8a: {  	s1 =	srdreg.scid  }
0x8b: {  	s0 =	sand.u32 $0x1, s1  }
0x8c: {  	s17 =	sshll.u32 s0, $0xA;
	s2 =	sadd.s32 s3, s2  }
0x8d: {  	s2 =	sadd.s32 s2, s17  }
0x8e: {  	[smem:$0x3FBE] =	sst s2  }
0x8f: {  	_ = 	snop  }
0x90: {  	s2 =	sld [smem:$0x3FC2]  }
0x91: {  	s18 =	sld [smem:$0x3FC1]  }
0x92: {  	s4 =	sld [smem:$0x3FC0];
	(tm) =	ssettm $0x1  }
0x93: {  	s5 =	sld [smem:$0x3FFB];
	_ =	sdelay $0x3  }
0x94: {  	_ =	strace s5  }
0x95: {  	s5 =	sld [smem:$0x3FFC];
	_ =	sdelay $0x3  }
0x96: {  	_ =	strace s5  }
0x97: {  	s5 =	sld [smem:$0x3FFD];
	_ =	sdelay $0x3  }
0x98: {  	_ =	strace s5  }
0x99: {  	_ =	strace $0x8FFFFFFF  }
0x9a: {  	s19 =	sld [smem:$0x3FDB];
	_ =	sdelay $0x1  }
0x9b: {  	s6 =	simm.s32 $_scs_section_size  }
0x9c: {  	s7 =	simm.s32 $_size__tile_overlayer_lowered;
	s8 =	simm.s32 $_tile_overlayer_lowered  }
0x9d: {  	s22 =	simm.s32 $0x1BFF;
	s21 =	sshll.u32 s8, $0x1;
	s5 =	sadd.s32 s6, s19  }
0x9e: {  	s9 =	simm.s32 $0x0;
	s20 =	sshll.u32 s7, $0x1;
	s7 =	sadd.s32 s21, s5  }
0x9f: {  	[timem:s9], [sflag:s22] =	dma.local [hbm:s7], s20  }
0xa0: {  	_ =	swait.ge [sflag:s22], s20  }
0xa1: {  	s6 =	ssub.s32 $0x0, s20;
	[sflag:s22] =	ssyncset.done $0x0  }
0xa2: {  	[sflag:s22] =	ssyncadd.s32 s6;
	_ =	sdelay $0x1  }
0xa3: {  	s23 =	simm.s32 $0x1B8B  }
0xa4: {  	_ =	swait.ge [sflag:s23], $0x1  }
0xa5: {  	[sflag:s23] =	ssyncset.done $0x0  }
0xa6: {  	s25 =	simm.s32 $0x1B8E;
	s24 =	sld [smem:$0x3FFE];
	[sflag:s23] =	ssyncadd.s32 $0xFFFFFFFF  }
0xa7: {  	s26 =	simm.s32 $execute0_lowered;
	[smem:$0x3FD2] =	sst s25  }
0xa8: {  	s7 =	sshll.u32 s26, $0x1;
	_ =	strace $0x8000005A;
	[dreg:$0x1] =	wrdreg $0xFFFFFFFF  }
0xa9: {  	s28 =	simm.s32 $_size_execute0_lowered;
	s5 =	sadd.s32 s5, s7;
	[dreg:$0x0] =	wrdreg $0x0  }
0xaa: {  	s7 =	sshll.u32 s28, $0x1;
	[dreg:$0x2] =	wrdreg s5  }
0xab: {  	[dreg:$0x3] =	wrdreg s7  }
0xac: {  	[dreg:$0x4] =	wrdreg $0xC0  }
0xad: {  	_ =	task [dreg:s9], $0x5FFFF  }
0xae: {  	[dreg:$0x1] =	wrdreg $0xFFFFFFFF  }
0xaf: {  	[dreg:$0x0] =	wrdreg $0x60  }
0xb0: {  	[dreg:$0x2] =	wrdreg s24  }
0xb1: {  	[dreg:$0x3] =	wrdreg s2  }
0xb2: {  	[dreg:$0x4] =	wrdreg s18  }
0xb3: {  	[dreg:$0x5] =	wrdreg s4  }
0xb4: {  	[dreg:$0x6] =	wrdreg $0x186A00  }
0xb5: {  	[dreg:$0x7] =	wrdreg $0x0  }
0xb6: {  	[dreg:$0x8] =	wrdreg $0x9  }
0xb7: {  	_ =	task.clear_ibuf [dreg:s9], $0x9FFFF;
	_ =	strace $0x9000005A  }
0xb8: {  	s29 =	simm.s32 $0x9;
	_ =	strace $0x80000064  }
0xb9: {  	_ =	swait.ge [sflag:s29], $0x1  }
0xba: {  	[sflag:s29] =	ssyncadd.s32 $0xFFFFFFFF  }
0xbb: {  	_ =	strace $0x90000064  }
0xbc: {  	_ =	sfence  }
0xbd: {  	s30 =	sld [smem:$0x0];
	_ =	sdelay $0x2  }
0xbe: {  	s31 =	sshll.u32 s1, $0xD;
	s1 =	sshrl.u32 s1, $0x2  }
0xbf: {  	s3 =	sand.u32 $0x4000, s31;
	s1 =	sadd.s32 s1, s30  }
0xc0: {  	s0 =	sor.u32 s3, s0;
	s1 =	sshll.u32 s1, $0x11  }
0xc1: {  	s0 =	sor.u32 s1, s0  }
0xc2: {  	s0 =	sadd.s32 $0x8F2B, s0  }
0xc3: {  	[sflag:s0] =	ssyncadd.remote.s32 $0x1  }
0xc4: {  	_ =	sfence.sel $0xFFFF  }
0xc5: {  	[dreg:$0x0] =	wrdreg $0xFFFFFFFF;
	(pc) =	sbr.abs _section_cstart, $3  }
0xc6: {  	[dreg:$0x1] =	wrdreg $0xFFFFFFFF  }
0xc7: {  	_ =	task.clear_ibuf [dreg:s9], $0x2FFFF;
	_ =	strace $0x9FFFFFFF  }
0xc8: {  	(tm) =	ssettm $0x7FFFFFFF  }
0xc9: {  	_ =	shalt  }
tec
execute0_lowered:
.L_overlay_start_1:
0x0: {  	(tag) =	ssettag $0x1  }
0x1: {  	s0 =	rddreg [dreg:$0x0]  }
0x2: {  	s12 =	rddreg [dreg:$0x1]  }
0x3: {  	s13 =	rddreg [dreg:$0x2]  }
0x4: {  	s14 =	rddreg [dreg:$0x3]  }
0x5: {  	s4 =	rddreg [dreg:$0x4]  }
0x6: {  	s1 =	srdreg.scid;
	s6 =	rddreg [dreg:$0x5]  }
0x7: {  	s15 =	stileid.u32;
	s7 =	simm.s32 $0x0;
	s10 =	simm.s32 $0x62  }
0x8: {  	s20 =	simm.s32 $0x3;
	s21 =	simm.s32 $0x1A760;
	s16 =	simm.s32 $0x1A660  }
0x9: {  	s19 =	simm.s32 $0x1A6E0;
	s17 =	simm.s32 $0x2;
	s3 =	smul.u32 $0x30D4, s15  }
0xa: {  	s1 =	sand.u32 $0x1, s1;
	[smem:$0x7FF] =	sst s7;
	s11 =	smul.u32 $0xC40, s15  }
0xb: {  	s26 =	smul.u32 $0x61A80, s15;
	s2 =	sshll.u32 s1, $0x4;
	_ =	strace $0x8000005B  }
0xc: {  	s8 =	ssub.s32 $0x2, s1;
	s1 =	smul.u32 $0xC400, s1;
	s2 =	sor.u32 s15, s2  }
0xd: {  	s23 =	sadd.s32 s3, s0;
	s24 =	sshrl.u32 s8, $0x1;
	s22 =	sadd.s32 s11, s4  }
0xe: {  	s29 =	sshrl.u32 s26, $0x2;
	s15 =	simm.s32 $0x1A5E0;
	s5 =	smul.u32 $0x61, s2  }
0xf: {  	s9 =	smul.u32 $0x62, s2;
	p0 =	slt.u32 s2, $0x15;
	s3 =	ssub.s32 s8, s24  }
0x10: {  	s1 =	sadd.s32 s11, s1;
	s31 =	sadd.s32 s29, s6;
	s18 =	sadd.s32 $0x125600, s23  }
0x11: {  	s2 =	simm.s32 $0x192E0;
	[dreg:$0x8] =	wrdreg s22;
	s5 =	sadd.s32 $0x15, s5  }
0x12: {  	s1 =	sshrl.u32 s1, $0x3;
	[dreg:$0xe] =	wrdreg s31;
	s5 =	smov.u32 @p0 s9  }
0x13: {  	s30 =	smax.u32 s3, $0x1;
	[dreg:$0x7] =	wrdreg s5;
	s5 =	sshll.u32 s5, $0x8  }
0x14: {  	s0 =	sadd.s32 s0, s1;
	[dreg:$0xd] =	wrdreg s30;
	s5 =	sand.u32 $0x1FFFFF00, s5  }
0x15: {  	s10 =	simm.s32 @!p0 $0x61;
	[dreg:$0xc] =	wrdreg s0;
	s25 =	sadd.s32 s12, s5  }
0x16: {  	s1 =	simm.s32 $0x0;
	s28 =	sadd.s32 s13, s5;
	[dreg:$0x9] =	wrdreg s25  }
0x17: {  	s9 =	simm.s32 $0x1;
	s5 =	sadd.s32 s14, s5;
	[dreg:$0xa] =	wrdreg s28  }
0x18: {  	v0 =	vimm.f32 $0.0e+00;
	s14 =	sadd.s32 $0xFFFFFFFF, s10;
	[dreg:$0xb] =	wrdreg s5;
	s25 =	simm.s32 $0x80  }
.LBB2_1:
0x19: {  	[dreg:$0xf] =	wrdreg s1;
	s0 =	simm.s32 $0x40;
	s1 =	simm.s32 $0x0  }
.LBB2_2:
0x1a: {  	p0 =	sne.s32 s0, $0x30C0;
	[tilespmem:s1+$0x192E0] =	vst v0;
	s1 =	smov.u32 s0;
	s0 =	sadd.s32 $0x40, s0  }
.Ltmp0:
0x1b: {  	(pc) =	sbr.rel @p0 .LBB2_2-.Ltmp0, $2  }
0x1c: {  	_ =	sdelay $0x2  }
0x1d: {  	s1 =	sshra.s32 s1, $0x2  }
0x1e: {  	[tilespmem:s1+$0x192E0] =	vst v0  }
0x1f: {  	[spmem:s22] =	stream.linear.scatter [tilespmem:s2], [sflag:$0x3], $0xC40, $0x38;
	[tilespmem:$0x1EB60] =	vst v63  }
0x20: {  	_ =	swait.ge [sflag:s20], $0xC40  }
0x21: {  	[sflag:s20] =	ssyncset.done $0x0  }
0x22: {  	s0 =	sadd.s32 $0x0, s18;
	[sflag:s20] =	ssyncadd.s32 $0xFFFFF3C0  }
0x23: {  	[tilespmem:s21], [sflag:$0x3] =	stream.linear.gather [hbm4b:s0+s7], $0x1388, $0x38;
	[tilespmem:$0x1EB60] =	vst v63  }
0x24: {  	_ =	swait.ge [sflag:s20], $0x1388  }
0x25: {  	[sflag:s20] =	ssyncset.done $0x0  }
0x26: {  	s31 =	rddreg [dreg:$0xe];
	[sflag:s20] =	ssyncadd.s32 $0xFFFFEC78  }
0x27: {  	[spmem:s31] =	stream.linear.scatter [tilespmem:s21], [sflag:$0x3], $0x1388, $0x38;
	[tilespmem:$0x1EB60] =	vst v63  }
0x28: {  	s1 =	simm.s32 $0x271;
	_ =	swait.ge [sflag:s20], $0x1388  }
0x29: {  	s2 =	simm.s32 $0x4E2;
	s0 =	sadd.s32 $0x1388, s31;
	[sflag:s20] =	ssyncset.done $0x0  }
.LBB2_4:
0x2a: {  	s3 =	sadd.s32 s1, s18  }
0x2b: {  	[sflag:s20] =	ssyncadd.s32 $0xFFFFEC78;
	s1 =	smov.u32 s2;
	s5 =	sadd.s32 $0x271, s2  }
0x2c: {  	[tilespmem:s21], [sflag:$0x3] =	stream.linear.gather [hbm4b:s3+s7], $0x1388, $0x38;
	[tilespmem:$0x1EB60] =	vst v63  }
0x2d: {  	p0 =	sne.s32 s2, $0x2E63;
	_ =	swait.ge [sflag:s20], $0x1388  }
.Ltmp1:
0x2e: {  	[sflag:s20] =	ssyncset.done $0x0;
	(pc) =	sbr.rel @p0 .LBB2_4-.Ltmp1, $4  }
0x2f: {  	[sflag:s20] =	ssyncadd.s32 $0xFFFFEC78  }
0x30: {  	[spmem:s0] =	stream.linear.scatter [tilespmem:s21], [sflag:$0x3], $0x1388, $0x38;
	[tilespmem:$0x1EB60] =	vst v63  }
0x31: {  	_ =	swait.ge [sflag:s20], $0x1388  }
0x32: {  	s2 =	smov.u32 s5;
	s0 =	sadd.s32 $0x1388, s0;
	[sflag:s20] =	ssyncset.done $0x0  }
0x33: {  	s1 =	sadd.s32 s1, s18;
	[sflag:s20] =	ssyncadd.s32 $0xFFFFEC78  }
0x34: {  	[tilespmem:s21], [sflag:$0x3] =	stream.linear.gather [hbm4b:s1+s7], $0x1388, $0x38;
	[tilespmem:$0x1EB60] =	vst v63  }
0x35: {  	_ =	swait.ge [sflag:s20], $0x1388  }
0x36: {  	[sflag:s20] =	ssyncset.done $0x0  }
0x37: {  	[sflag:s20] =	ssyncadd.s32 $0xFFFFEC78  }
0x38: {  	[spmem:s0] =	stream.linear.scatter [tilespmem:s21], [sflag:$0x3], $0x1388, $0x38;
	[tilespmem:$0x1EB60] =	vst v63  }
0x39: {  	_ =	swait.ge [sflag:s20], $0x1388  }
0x3a: {  	[sflag:s20] =	ssyncset.done $0x0  }
0x3b: {  	[sflag:s20] =	ssyncadd.s32 $0xFFFFEC78  }
0x3c: {  	s31 =	simm.s32 $0x0;
	[bflag:$0x0] =	sbarrier.arrive $0xFFFF  }
0x3d: {  	s23 =	simm.s32 $0x1BB60;
	s26 =	simm.s32 $0x1CB60;
	_ =	strace $0x8000005C  }
0x3e: {  	s30 =	simm.s32 $0x1DB60;
	s5 =	simm.s32 $0x1;
	s22 =	rddreg [dreg:$0x9]  }
0x3f: {  	[tilespmem:s23], [sflag:$0x3] =	stream.linear.gather [hbm4b:s22+s31], $0x800, $0x200038;
	[tilespmem:$0x1EB60] =	vst v63  }
0x40: {  	s2 =	simm.s32 $0x0;
	s3 =	simm.s32 $0x1;
	s24 =	rddreg [dreg:$0xa]  }
0x41: {  	[tilespmem:s26], [sflag:$0x5] =	stream.linear.gather [hbm4b:s24+s31], $0x800, $0x200038;
	[tilespmem:$0x1EB60] =	vst v63  }
0x42: {  	s8 =	simm.s32 $0x0;
	s29 =	simm.s32 $0x0;
	s28 =	rddreg [dreg:$0xb]  }
0x43: {  	[tilespmem:s30], [sflag:$0x7] =	stream.linear.gather [hbm4b:s28+s31], $0x800, $0x200038;
	[tilespmem:$0x1EB60] =	vst v63  }
0x44: {  	s1 =	simm.s32 $0x1;
	s26 =	simm.s32 $0x0;
	_ =	strace $0x9000005C  }
.LBB2_6:
0x45: {  	s30 =	sadd.s32 $0x1, s31  }
0x46: {  	p0 =	seq.s32 s30, s10  }
0x47: {  	s30 =	simm.s32 @p0 $0x0;
	p0 =	sge.u32 s29, s14  }
0x48: {  	p1 =	seq.s32 @!p0 s31, s30  }
0x49: {  	s0 =	rddreg [dreg:$0x7];
	p2 =	por p1, p0  }
0x4a: {  	s0 =	sadd.s32 @!p2 s0, s30;
	s22 =	sand.u32 @!p2 $0x1, s1  }
0x4b: {  	_ =	strace @!p2 $0x8000005D;
	s12 =	simm.s32 @!p2 $0x0;
	s0 =	sshll.u32 @!p2 s0, $0x8  }
0x4c: {  	s23 =	sshll.u32 @!p2 s22, $0xB;
	s24 =	sand.u32 @!p2 $0x1FFFFF00, s0;
	s0 =	rddreg [dreg:$0x1]  }
0x4d: {  	s22 =	sadd.s32 @!p2 $0x3, s22;
	s23 =	sadd.s32 @!p2 $0x1BB60, s23;
	s11 =	sadd.s32 @!p2 s0, s24  }
0x4e: {  	[tilespmem:s23], [sflag:s22] =	stream.linear.gather @!p2 [hbm4b:s11+s12], $0x800, $0x200038;
	[tilespmem:$0x1EB60] =	vst v63  }
0x4f: {  	_ =	strace @!p2 $0x9000005D  }
0x50: {  	s11 =	sand.u32 @!p2 $0x1, s5;
	_ =	strace @!p2 $0x8000005E  }
0x51: {  	s22 =	sshll.u32 @!p2 s11, $0xB;
	s23 =	rddreg [dreg:$0x2]  }
0x52: {  	s11 =	sadd.s32 @!p2 $0x5, s11;
	s22 =	sadd.s32 @!p2 $0x1CB60, s22;
	s23 =	sadd.s32 @!p2 s23, s24  }
0x53: {  	[tilespmem:s22], [sflag:s11] =	stream.linear.gather @!p2 [hbm4b:s23+s12], $0x800, $0x200038;
	[tilespmem:$0x1EB60] =	vst v63  }
0x54: {  	_ =	strace @!p2 $0x9000005E  }
0x55: {  	s11 =	sand.u32 @!p2 $0x1, s3;
	_ =	strace @!p2 $0x8000005F  }
0x56: {  	s22 =	sshll.u32 @!p2 s11, $0xB;
	s23 =	rddreg [dreg:$0x3]  }
0x57: {  	s11 =	sadd.s32 @!p2 $0x7, s11;
	s22 =	sadd.s32 @!p2 $0x1DB60, s22;
	s23 =	sadd.s32 @!p2 s23, s24  }
0x58: {  	[tilespmem:s22], [sflag:s11] =	stream.linear.gather @!p2 [hbm4b:s23+s12], $0x800, $0x200038;
	[tilespmem:$0x1EB60] =	vst v63  }
0x59: {  	s22 =	sand.u32 $0x1, s26;
	_ =	strace @!p2 $0x9000005F  }
0x5a: {  	s11 =	sadd.s32 $0x3, s22;
	_ =	strace $0x80000060  }
0x5b: {  	_ =	swait.ge [sflag:s11], $0x800  }
0x5c: {  	[sflag:s11] =	ssyncset.done $0x0  }
0x5d: {  	[sflag:s11] =	ssyncadd.s32 $0xFFFFF800  }
0x5e: {  	s12 =	sand.u32 $0x1, s8;
	_ =	strace $0x90000060  }
0x5f: {  	s11 =	sadd.s32 $0x5, s12;
	_ =	strace $0x80000061  }
0x60: {  	_ =	swait.ge [sflag:s11], $0x800  }
0x61: {  	[sflag:s11] =	ssyncset.done $0x0  }
0x62: {  	[sflag:s11] =	ssyncadd.s32 $0xFFFFF800  }
0x63: {  	s22 =	sand.u32 $0x1, s2;
	_ =	strace $0x90000061  }
0x64: {  	s11 =	sadd.s32 $0x7, s22;
	_ =	strace $0x80000062  }
0x65: {  	_ =	swait.ge [sflag:s11], $0x800  }
0x66: {  	[sflag:s11] =	ssyncset.done $0x0  }
0x67: {  	s12 =	sshll.u32 s8, $0xB;
	[sflag:s11] =	ssyncadd.s32 $0xFFFFF800  }
0x68: {  	s11 =	sand.u32 $0x800, s12;
	_ =	strace $0x90000062  }
0x69: {  	s23 =	simm.s32 $0x19F60;
	s22 =	sadd.s32 $0x1CB60, s11;
	_ =	strace $0x80000063  }
0x6a: {  	[tilespmem:s23], [sflag:$0x1] =	stream.indirect.gather [spmem:s6], $0x1, s22, s25, $0x2000b8;
	[tilespmem:$0x1EB60] =	vst v63  }
0x6b: {  	s24 =	simm.s32 $0x19FE0;
	s22 =	sadd.s32 $0x1CBE0, s11  }
0x6c: {  	[tilespmem:s24], [sflag:$0x1] =	stream.indirect.gather [spmem:s6], $0x1, s22, s25, $0x2000b8;
	[tilespmem:$0x1EB60] =	vst v63  }
0x6d: {  	s13 =	simm.s32 $0x1A060;
	s22 =	sadd.s32 $0x1CC60, s11  }
0x6e: {  	[tilespmem:s13], [sflag:$0x1] =	stream.indirect.gather [spmem:s6], $0x1, s22, s25, $0x2000b8;
	[tilespmem:$0x1EB60] =	vst v63  }
0x6f: {  	s12 =	simm.s32 $0x1A0E0;
	s22 =	sadd.s32 $0x1CCE0, s11  }
0x70: {  	[tilespmem:s12], [sflag:$0x1] =	stream.indirect.gather [spmem:s6], $0x1, s22, s25, $0x2000b8;
	[tilespmem:$0x1EB60] =	vst v63  }
0x71: {  	s12 =	simm.s32 $0x1A160;
	s22 =	sadd.s32 $0x1CD60, s11  }
0x72: {  	[tilespmem:s12], [sflag:$0x1] =	stream.indirect.gather [spmem:s6], $0x1, s22, s25, $0x2000b8;
	[tilespmem:$0x1EB60] =	vst v63  }
0x73: {  	s12 =	simm.s32 $0x1A1E0;
	s22 =	sadd.s32 $0x1CDE0, s11  }
0x74: {  	[tilespmem:s12], [sflag:$0x1] =	stream.indirect.gather [spmem:s6], $0x1, s22, s25, $0x2000b8;
	[tilespmem:$0x1EB60] =	vst v63  }
0x75: {  	s12 =	simm.s32 $0x1A260;
	s22 =	sadd.s32 $0x1CE60, s11  }
0x76: {  	[tilespmem:s12], [sflag:$0x1] =	stream.indirect.gather [spmem:s6], $0x1, s22, s25, $0x2000b8;
	[tilespmem:$0x1EB60] =	vst v63  }
0x77: {  	s12 =	simm.s32 $0x1A2E0;
	s22 =	sadd.s32 $0x1CEE0, s11  }
0x78: {  	[tilespmem:s12], [sflag:$0x1] =	stream.indirect.gather [spmem:s6], $0x1, s22, s25, $0x2000b8;
	[tilespmem:$0x1EB60] =	vst v63  }
0x79: {  	s12 =	simm.s32 $0x1A360;
	s22 =	sadd.s32 $0x1CF60, s11  }
0x7a: {  	[tilespmem:s12], [sflag:$0x1] =	stream.indirect.gather [spmem:s6], $0x1, s22, s25, $0x2000b8;
	[tilespmem:$0x1EB60] =	vst v63  }
0x7b: {  	s12 =	simm.s32 $0x1A3E0;
	s22 =	sadd.s32 $0x1CFE0, s11  }
0x7c: {  	[tilespmem:s12], [sflag:$0x1] =	stream.indirect.gather [spmem:s6], $0x1, s22, s25, $0x2000b8;
	[tilespmem:$0x1EB60] =	vst v63  }
0x7d: {  	s12 =	simm.s32 $0x1A460;
	s22 =	sor.u32 $0x1D060, s11  }
0x7e: {  	[tilespmem:s12], [sflag:$0x1] =	stream.indirect.gather [spmem:s6], $0x1, s22, s25, $0x2000b8;
	[tilespmem:$0x1EB60] =	vst v63  }
0x7f: {  	s12 =	simm.s32 $0x1A4E0;
	s22 =	sor.u32 $0x1D0E0, s11  }
0x80: {  	[tilespmem:s12], [sflag:$0x1] =	stream.indirect.gather [spmem:s6], $0x1, s22, s25, $0x2000b8;
	[tilespmem:$0x1EB60] =	vst v63  }
0x81: {  	s12 =	simm.s32 $0x1A560;
	s22 =	sor.u32 $0x1D160, s11  }
0x82: {  	[tilespmem:s12], [sflag:$0x1] =	stream.indirect.gather [spmem:s6], $0x1, s22, s25, $0x2000b8;
	[tilespmem:$0x1EB60] =	vst v63  }
0x83: {  	s22 =	sor.u32 $0x1D1E0, s11  }
0x84: {  	[tilespmem:s15], [sflag:$0x1] =	stream.indirect.gather [spmem:s6], $0x1, s22, s25, $0x2000b8;
	[tilespmem:$0x1EB60] =	vst v63  }
0x85: {  	s13 =	sor.u32 $0x1D260, s11  }
0x86: {  	[tilespmem:s16], [sflag:$0x1] =	stream.indirect.gather [spmem:s6], $0x1, s13, s25, $0x2000b8;
	[tilespmem:$0x1EB60] =	vst v63  }
0x87: {  	s11 =	sor.u32 $0x1D2E0, s11  }
0x88: {  	[tilespmem:s19], [sflag:$0x1] =	stream.indirect.gather [spmem:s6], $0x1, s11, s25, $0x2000b8;
	[tilespmem:$0x1EB60] =	vst v63  }
0x89: {  	_ =	swait.ge [sflag:s9], $0x80  }
0x8a: {  	[sflag:s9] =	ssyncset.done $0x0  }
0x8b: {  	[sflag:s9] =	ssyncadd.s32 $0xFFFFFF80  }
0x8c: {  	_ =	swait.ge [sflag:s9], $0x80  }
0x8d: {  	[sflag:s9] =	ssyncset.done $0x0  }
0x8e: {  	[sflag:s9] =	ssyncadd.s32 $0xFFFFFF80  }
0x8f: {  	_ =	swait.ge [sflag:s9], $0x80  }
0x90: {  	[sflag:s9] =	ssyncset.done $0x0  }
0x91: {  	[sflag:s9] =	ssyncadd.s32 $0xFFFFFF80  }
0x92: {  	_ =	swait.ge [sflag:s9], $0x80  }
0x93: {  	[sflag:s9] =	ssyncset.done $0x0  }
0x94: {  	[sflag:s9] =	ssyncadd.s32 $0xFFFFFF80  }
0x95: {  	_ =	swait.ge [sflag:s9], $0x80  }
0x96: {  	[sflag:s9] =	ssyncset.done $0x0  }
0x97: {  	[sflag:s9] =	ssyncadd.s32 $0xFFFFFF80  }
0x98: {  	_ =	swait.ge [sflag:s9], $0x80  }
0x99: {  	[sflag:s9] =	ssyncset.done $0x0  }
0x9a: {  	[sflag:s9] =	ssyncadd.s32 $0xFFFFFF80  }
0x9b: {  	_ =	swait.ge [sflag:s9], $0x80  }
0x9c: {  	[sflag:s9] =	ssyncset.done $0x0  }
0x9d: {  	[sflag:s9] =	ssyncadd.s32 $0xFFFFFF80  }
0x9e: {  	_ =	swait.ge [sflag:s9], $0x80  }
0x9f: {  	[sflag:s9] =	ssyncset.done $0x0  }
0xa0: {  	[sflag:s9] =	ssyncadd.s32 $0xFFFFFF80  }
0xa1: {  	_ =	swait.ge [sflag:s9], $0x80  }
0xa2: {  	[sflag:s9] =	ssyncset.done $0x0  }
0xa3: {  	[sflag:s9] =	ssyncadd.s32 $0xFFFFFF80  }
0xa4: {  	_ =	swait.ge [sflag:s9], $0x80  }
0xa5: {  	[sflag:s9] =	ssyncset.done $0x0  }
0xa6: {  	[sflag:s9] =	ssyncadd.s32 $0xFFFFFF80  }
0xa7: {  	_ =	swait.ge [sflag:s9], $0x80  }
0xa8: {  	[sflag:s9] =	ssyncset.done $0x0  }
0xa9: {  	[sflag:s9] =	ssyncadd.s32 $0xFFFFFF80  }
0xaa: {  	_ =	swait.ge [sflag:s9], $0x80  }
0xab: {  	[sflag:s9] =	ssyncset.done $0x0  }
0xac: {  	[sflag:s9] =	ssyncadd.s32 $0xFFFFFF80  }
0xad: {  	_ =	swait.ge [sflag:s9], $0x80  }
0xae: {  	[sflag:s9] =	ssyncset.done $0x0  }
0xaf: {  	[sflag:s9] =	ssyncadd.s32 $0xFFFFFF80  }
0xb0: {  	s28 =	smov.u32 s1;
	p1 =	por !p1, p0;
	_ =	swait.ge [sflag:s9], $0x80  }
0xb1: {  	s22 =	sshll.u32 s2, $0xB;
	s11 =	sadd.s32 @!p2 $0x1, s1;
	[sflag:s9] =	ssyncset.done $0x0  }
0xb2: {  	s1 =	smov.u32 @p1 s11;
	s11 =	sand.u32 $0x800, s22;
	[sflag:s9] =	ssyncadd.s32 $0xFFFFFF80  }
0xb3: {  	s12 =	sadd.s32 @!p2 $0x1, s5;
	s11 =	sadd.s32 $0x1DB60, s11;
	_ =	swait.ge [sflag:s9], $0x80  }
0xb4: {  	s0 =	smov.u32 s5;
	s5 =	smov.u32 @p1 s12;
	v1 =	vmov s11;
	[sflag:s9] =	ssyncset.done $0x0  }
0xb5: {  	s5 =	smov.u32 @p0 s0;
	s0 =	simm.s32 $0x0;
	[sflag:s9] =	ssyncadd.s32 $0xFFFFFF80  }
0xb6: {  	s0 =	simm.s32 @p1 $0x1;
	_ =	swait.ge [sflag:s9], $0x80  }
0xb7: {  	s0 =	simm.s32 @p0 $0x0;
	s22 =	simm.s32 $0x40;
	[sflag:s9] =	ssyncset.done $0x0  }
0xb8: {  	s1 =	smov.u32 @p0 s28;
	s28 =	simm.s32 $0x0;
	[sflag:s9] =	ssyncadd.s32 $0xFFFFFF80  }
.LBB2_7:
0xb9: {  	p0 =	seq.s32 s22, $0x1FC0;
	v2 =	vld.idx.msk [tilespmem:v1+s28+$0x0 ss:$0x1], $0xffff  }
0xba: {  	v3 =	vld [tilespmem:s28+$0x19F60];
	_ =	sdelay $0x2  }
.Ltmp2:
0xbb: {  	(pc) =	sbr.rel @!p0 .LBB2_7-.Ltmp2, $3  }
0xbc: {  	_ = 	snop  }
0xbd: {  	v2 =	vmul.f32 v2, v3;
	_ =	sdelay $0x1  }
0xbe: {  	[tilespmem:s28+$0x19F60] =	vst v2;
	s28 =	sshra.s32 s22, $0x2;
	s22 =	sadd.s32 $0x40, s22  }
0xbf: {  	_ =	sdelay $0x3  }
0xc0: {  	v1 =	vld.idx.msk [tilespmem:v1+s28+$0x0 ss:$0x1], $0xffff  }
0xc1: {  	v2 =	vld [tilespmem:s28+$0x19F60];
	_ =	sdelay $0x4  }
0xc2: {  	s11 =	sshll.u32 s26, $0xB;
	v1 =	vmul.f32 v1, v2  }
0xc3: {  	s11 =	sand.u32 $0x800, s11  }
0xc4: {  	s12 =	sadd.s32 $0x1BB60, s11;
	[tilespmem:s28+$0x19F60] =	vst v1  }
0xc5: {  	[spmem:s4] =	stream.indirect.scatter.add.f32 [tilespmem:s23], [sflag:$0x2], $0x1, s12, s25, $0x2000b8;
	[tilespmem:$0x1EB60] =	vst v63  }
0xc6: {  	s22 =	sadd.s32 $0x1BBE0, s11  }
0xc7: {  	[spmem:s4] =	stream.indirect.scatter.add.f32 [tilespmem:s24], [sflag:$0x2], $0x1, s22, s25, $0x2000b8;
	[tilespmem:$0x1EB60] =	vst v63  }
0xc8: {  	s13 =	simm.s32 $0x1A060;
	s23 =	sadd.s32 $0x1BC60, s11  }
0xc9: {  	[spmem:s4] =	stream.indirect.scatter.add.f32 [tilespmem:s13], [sflag:$0x2], $0x1, s23, s25, $0x2000b8;
	[tilespmem:$0x1EB60] =	vst v63  }
0xca: {  	s28 =	simm.s32 $0x1A0E0;
	s24 =	sadd.s32 $0x1BCE0, s11  }
0xcb: {  	[spmem:s4] =	stream.indirect.scatter.add.f32 [tilespmem:s28], [sflag:$0x2], $0x1, s24, s25, $0x2000b8;
	[tilespmem:$0x1EB60] =	vst v63  }
0xcc: {  	s22 =	sadd.s32 $0x1BD60, s11;
	s23 =	simm.s32 $0x1A160  }
0xcd: {  	[spmem:s4] =	stream.indirect.scatter.add.f32 [tilespmem:s23], [sflag:$0x2], $0x1, s22, s25, $0x2000b8;
	[tilespmem:$0x1EB60] =	vst v63  }
0xce: {  	s24 =	sadd.s32 $0x1BDE0, s11;
	s28 =	simm.s32 $0x1A1E0  }
0xcf: {  	[spmem:s4] =	stream.indirect.scatter.add.f32 [tilespmem:s28], [sflag:$0x2], $0x1, s24, s25, $0x2000b8;
	[tilespmem:$0x1EB60] =	vst v63  }
0xd0: {  	s22 =	sadd.s32 $0x1BE60, s11;
	s23 =	simm.s32 $0x1A260  }
0xd1: {  	[spmem:s4] =	stream.indirect.scatter.add.f32 [tilespmem:s23], [sflag:$0x2], $0x1, s22, s25, $0x2000b8;
	[tilespmem:$0x1EB60] =	vst v63  }
0xd2: {  	s24 =	sadd.s32 $0x1BEE0, s11;
	s28 =	simm.s32 $0x1A2E0  }
0xd3: {  	[spmem:s4] =	stream.indirect.scatter.add.f32 [tilespmem:s28], [sflag:$0x2], $0x1, s24, s25, $0x2000b8;
	[tilespmem:$0x1EB60] =	vst v63  }
0xd4: {  	s22 =	sadd.s32 $0x1BF60, s11;
	s23 =	simm.s32 $0x1A360  }
0xd5: {  	[spmem:s4] =	stream.indirect.scatter.add.f32 [tilespmem:s23], [sflag:$0x2], $0x1, s22, s25, $0x2000b8;
	[tilespmem:$0x1EB60] =	vst v63  }
0xd6: {  	s24 =	sadd.s32 $0x1BFE0, s11;
	s28 =	simm.s32 $0x1A3E0  }
0xd7: {  	[spmem:s4] =	stream.indirect.scatter.add.f32 [tilespmem:s28], [sflag:$0x2], $0x1, s24, s25, $0x2000b8;
	[tilespmem:$0x1EB60] =	vst v63  }
0xd8: {  	s22 =	sor.u32 $0x1C060, s11;
	s23 =	simm.s32 $0x1A460  }
0xd9: {  	[spmem:s4] =	stream.indirect.scatter.add.f32 [tilespmem:s23], [sflag:$0x2], $0x1, s22, s25, $0x2000b8;
	[tilespmem:$0x1EB60] =	vst v63  }
0xda: {  	s24 =	sor.u32 $0x1C0E0, s11;
	s28 =	simm.s32 $0x1A4E0  }
0xdb: {  	[spmem:s4] =	stream.indirect.scatter.add.f32 [tilespmem:s28], [sflag:$0x2], $0x1, s24, s25, $0x2000b8;
	[tilespmem:$0x1EB60] =	vst v63  }
0xdc: {  	s22 =	sor.u32 $0x1C160, s11;
	s23 =	simm.s32 $0x1A560  }
0xdd: {  	[spmem:s4] =	stream.indirect.scatter.add.f32 [tilespmem:s23], [sflag:$0x2], $0x1, s22, s25, $0x2000b8;
	[tilespmem:$0x1EB60] =	vst v63  }
0xde: {  	s24 =	sor.u32 $0x1C1E0, s11  }
0xdf: {  	[spmem:s4] =	stream.indirect.scatter.add.f32 [tilespmem:s15], [sflag:$0x2], $0x1, s24, s25, $0x2000b8;
	[tilespmem:$0x1EB60] =	vst v63  }
0xe0: {  	s28 =	sor.u32 $0x1C260, s11  }
0xe1: {  	[spmem:s4] =	stream.indirect.scatter.add.f32 [tilespmem:s16], [sflag:$0x2], $0x1, s28, s25, $0x2000b8;
	[tilespmem:$0x1EB60] =	vst v63  }
0xe2: {  	s11 =	sor.u32 $0x1C2E0, s11  }
0xe3: {  	[spmem:s4] =	stream.indirect.scatter.add.f32 [tilespmem:s19], [sflag:$0x2], $0x1, s11, s25, $0x2000b8;
	[tilespmem:$0x1EB60] =	vst v63  }
0xe4: {  	_ =	swait.ge [sflag:s17], $0x80  }
0xe5: {  	[sflag:s17] =	ssyncset.done $0x0  }
0xe6: {  	[sflag:s17] =	ssyncadd.s32 $0xFFFFFF80  }
0xe7: {  	_ =	swait.ge [sflag:s17], $0x80  }
0xe8: {  	[sflag:s17] =	ssyncset.done $0x0  }
0xe9: {  	[sflag:s17] =	ssyncadd.s32 $0xFFFFFF80  }
0xea: {  	_ =	swait.ge [sflag:s17], $0x80  }
0xeb: {  	[sflag:s17] =	ssyncset.done $0x0  }
0xec: {  	[sflag:s17] =	ssyncadd.s32 $0xFFFFFF80  }
0xed: {  	_ =	swait.ge [sflag:s17], $0x80  }
0xee: {  	[sflag:s17] =	ssyncset.done $0x0  }
0xef: {  	[sflag:s17] =	ssyncadd.s32 $0xFFFFFF80  }
0xf0: {  	_ =	swait.ge [sflag:s17], $0x80  }
0xf1: {  	[sflag:s17] =	ssyncset.done $0x0  }
0xf2: {  	[sflag:s17] =	ssyncadd.s32 $0xFFFFFF80  }
0xf3: {  	_ =	swait.ge [sflag:s17], $0x80  }
0xf4: {  	[sflag:s17] =	ssyncset.done $0x0  }
0xf5: {  	[sflag:s17] =	ssyncadd.s32 $0xFFFFFF80  }
0xf6: {  	_ =	swait.ge [sflag:s17], $0x80  }
0xf7: {  	[sflag:s17] =	ssyncset.done $0x0  }
0xf8: {  	[sflag:s17] =	ssyncadd.s32 $0xFFFFFF80  }
0xf9: {  	_ =	swait.ge [sflag:s17], $0x80  }
0xfa: {  	[sflag:s17] =	ssyncset.done $0x0  }
0xfb: {  	[sflag:s17] =	ssyncadd.s32 $0xFFFFFF80  }
0xfc: {  	_ =	swait.ge [sflag:s17], $0x80  }
0xfd: {  	[sflag:s17] =	ssyncset.done $0x0  }
0xfe: {  	[sflag:s17] =	ssyncadd.s32 $0xFFFFFF80  }
0xff: {  	_ =	swait.ge [sflag:s17], $0x80  }
0x100: {  	[sflag:s17] =	ssyncset.done $0x0  }
0x101: {  	[sflag:s17] =	ssyncadd.s32 $0xFFFFFF80  }
0x102: {  	_ =	swait.ge [sflag:s17], $0x80  }
0x103: {  	[sflag:s17] =	ssyncset.done $0x0  }
0x104: {  	[sflag:s17] =	ssyncadd.s32 $0xFFFFFF80  }
0x105: {  	_ =	swait.ge [sflag:s17], $0x80  }
0x106: {  	[sflag:s17] =	ssyncset.done $0x0  }
0x107: {  	[sflag:s17] =	ssyncadd.s32 $0xFFFFFF80  }
0x108: {  	_ =	swait.ge [sflag:s17], $0x80  }
0x109: {  	[sflag:s17] =	ssyncset.done $0x0  }
0x10a: {  	[sflag:s17] =	ssyncadd.s32 $0xFFFFFF80  }
0x10b: {  	_ =	swait.ge [sflag:s17], $0x80  }
0x10c: {  	p0 =	sne.s32 s31, s30;
	p1 =	seq.s32 s29, s14;
	[sflag:s17] =	ssyncset.done $0x0  }
0x10d: {  	s3 =	sadd.s32 s3, s0;
	s0 =	simm.s32 $0x1;
	[sflag:s17] =	ssyncadd.s32 $0xFFFFFF80  }
0x10e: {  	s29 =	sadd.s32 $0x1, s29;
	p0 =	por p1, p0;
	_ =	swait.ge [sflag:s17], $0x80  }
0x10f: {  	s0 =	simm.s32 @!p0 $0x0;
	p0 =	seq.s32 s29, s10;
	[sflag:s17] =	ssyncset.done $0x0  }
.Ltmp3:
0x110: {  	[sflag:s17] =	ssyncadd.s32 $0xFFFFFF80;
	(pc) =	sbr.rel @!p0 .LBB2_6-.Ltmp3, $4  }
0x111: {  	_ =	swait.ge [sflag:s17], $0x80  }
0x112: {  	[sflag:s17] =	ssyncset.done $0x0  }
0x113: {  	s31 =	smov.u32 s30;
	s26 =	sadd.s32 s0, s26;
	[sflag:s17] =	ssyncadd.s32 $0xFFFFFF80  }
0x114: {  	s8 =	sadd.s32 s0, s8;
	s2 =	sadd.s32 s0, s2;
	_ =	strace $0x90000063  }
0x115: {  	[bflag:$0x0] =	sbarrier.arrive $0xFFFF  }
0x116: {  	s2 =	simm.s32 $0x192E0;
	s22 =	rddreg [dreg:$0x8]  }
0x117: {  	[tilespmem:s2], [sflag:$0x3] =	stream.linear.gather [spmem:s22], $0xC40, $0x38;
	[tilespmem:$0x1EB60] =	vst v63  }
0x118: {  	_ =	swait.ge [sflag:s20], $0xC40  }
0x119: {  	[sflag:s20] =	ssyncset.done $0x0  }
0x11a: {  	s0 =	rddreg [dreg:$0xc];
	[sflag:s20] =	ssyncadd.s32 $0xFFFFF3C0  }
0x11b: {  	[hbm4b:s0+s7] =	stream.linear.scatter [tilespmem:s2], [sflag:$0x3], $0xC40, $0x38;
	[tilespmem:$0x1EB60] =	vst v63  }
0x11c: {  	_ =	swait.ge [sflag:s20], $0xC40  }
0x11d: {  	s1 =	rddreg [dreg:$0xf]  }
0x11e: {  	s31 =	rddreg [dreg:$0xd];
	s1 =	sadd.s32 $0x1, s1  }
0x11f: {  	p0 =	sne.s32 s1, s31  }
.Ltmp4:
0x120: {  	_ = 	snop;
	(pc) =	sbr.rel @p0 .LBB2_1-.Ltmp4, $3  }
0x121: {  	_ =	sdelay $0x1  }
0x122: {  	[sflag:s20] =	ssyncset.done $0x0  }
0x123: {  	[sflag:s20] =	ssyncadd.s32 $0xFFFFF3C0  }
0x124: {  	_ =	sfence.sel $0x180000  }
0x125: {  	[bflag:$0x0] =	sbarrier.arrive $0xFFFF  }
0x126: {  	_ =	strace $0x9000005B  }
0x127: {  	s0 =	stileid.u32;
	[bflag:$0x2] =	sbarrier.arrive $0xFFFF  }
0x128: {  	p0 =	sne.s32 s0, $0x0;
	s0 =	rddreg [dreg:$0x6]  }
0x129: {  	s0 =	sadd.s32 @!p0 $0x100000, s0  }
0x12a: {  	[sflag:s0] =	ssyncadd.tile.s32 @!p0 $0x1;
	_ =	shalt  }
.Lfunc_end2:
_tile_overlayer_lowered:
.L_overlay_start_2:
0x12b: {  	(tag) =	ssettag $0x2  }
0x12c: {  	s0 =	rddreg [dreg:$0x0];
	s2 =	stileid.u32  }
0x12d: {  	s1 =	rddreg [dreg:$0x1];
	p0 =	sne.s32 s2, $0x0  }
0x12e: {  	s3 =	rddreg [dreg:$0x2];
	[bflag:$0x3] =	sbarrier.arrive $0xFFFF;
	s2 =	simm.s32 @!p0 $0x1C03  }
0x12f: {  	[timem:s3], [sflag:s2] =	dma.local @!p0 [hbm:s0], s1  }
0x130: {  	s0 =	simm.s32 @!p0 $0x3  }
0x131: {  	_ =	swait.ge @!p0 [sflag:s0], s1  }
0x132: {  	s1 =	ssub.s32 @!p0 $0x0, s1;
	[sflag:s0] =	ssyncset.done @!p0 $0x0  }
0x133: {  	[sflag:s0] =	ssyncadd.s32 @!p0 s1  }
0x134: {  	[bflag:$0x3] =	sbarrier.arrive $0xFFFF  }
0x135: {  	_ =	shalt  }

</sc_bundles>
